<compile_context>
chip_gen: v7x
topology: tpu7x:2x2x1
jax: 0.10.2.dev20260603
libtpu: 0.0.44.dev20260713+nightly
codegen_flags: <defaults>
</compile_context>

<pallas_src>
import functools

import jax
import jax.numpy as jnp
from jax import lax
from jax.experimental import pallas as pl
from jax.experimental.pallas import tpu as pltpu
from jax.experimental.pallas import tpu_sc as plsc

N = 10000
E = 320000
IN = 128
OUT = 128
R = 8
B = 4

NC = 2
NS = 16
LANES = 16
NW = NC * NS
EPW = E // NW
CH = 80
KCH = EPW // CH
ROWS_PT = N // NS
ZROWS = 25
XBLK = 400


def _xw_body(wc_ref, w_ref, lw_ref, bias_ref, x_ref, oxw_ref, oh0_ref):
    xb = x_ref[...]
    prj = [jnp.dot(xb, w_ref[b], preferred_element_type=jnp.float32)
           for b in range(B)]
    for r in range(R):
        acc = prj[0] * wc_ref[r, 0]
        for b in range(1, B):
            acc = acc + prj[b] * wc_ref[r, b]
        oxw_ref[r] = acc
    oh0_ref[...] = (jnp.dot(xb, lw_ref[...], preferred_element_type=jnp.float32)
                    + bias_ref[...])


def _combine_body(h0_ref, p_ref, o_ref):
    o_ref[...] = p_ref[0] + p_ref[1] + h0_ref[...]


def _sc_body(xw_hbm, idx_hbm, dst_hbm, nrm_hbm, out_hbm,
             idx_v, dst_v, nrm_v, rows0, rows1, acc_sh,
             sg0, sg1, ss0, ss1):
    c = lax.axis_index("c")
    s = lax.axis_index("s")
    wid = c * NS + s

    dm0 = pltpu.async_copy(idx_hbm.at[pl.ds(wid * KCH, KCH)], idx_v, sg0)
    dm1 = pltpu.async_copy(dst_hbm.at[pl.ds(wid * KCH, KCH)], dst_v, sg1)
    dm2 = pltpu.async_copy(nrm_hbm.at[pl.ds(wid * KCH, KCH)], nrm_v, ss0)

    z16 = jnp.zeros((LANES,), jnp.float32)

    @pl.loop(0, ZROWS)
    def _(i):
        for j in range(OUT // LANES):
            rows1[i, pl.ds(j * LANES, LANES)] = z16

    for k in range(ROWS_PT // ZROWS):
        pltpu.async_copy(
            rows1.at[pl.ds(0, ZROWS)],
            acc_sh.at[pl.ds(s * ROWS_PT + k * ZROWS, ZROWS)], ss1)
    for k in range(ROWS_PT // ZROWS):
        pltpu.make_async_copy(
            rows1.at[pl.ds(0, ZROWS)],
            acc_sh.at[pl.ds(s * ROWS_PT, ZROWS)], ss1).wait()
    dm0.wait()
    dm1.wait()
    dm2.wait()
    plsc.subcore_barrier()

    def scale(buf, k):
        @plsc.parallel_loop(0, CH // 2, unroll=2)
        def _(e2):
            w = plsc.load_gather(
                nrm_v, [jnp.full((LANES,), k, jnp.int32),
                        jnp.full((LANES,), e2, jnp.int32)])
            lo = plsc.bitcast(lax.shift_left(w, 16), jnp.float32)
            hi = plsc.bitcast(
                lax.bitwise_and(w, jnp.int32(-65536)), jnp.float32)
            e = e2 * 2
            for j in range(OUT // LANES):
                sl = (e, pl.ds(j * LANES, LANES))
                buf[sl] = buf[sl] * lo
            for j in range(OUT // LANES):
                sl = (e + 1, pl.ds(j * LANES, LANES))
                buf[sl] = buf[sl] * hi

    pltpu.async_copy(xw_hbm.at[idx_v.at[0]], rows0, sg0)

    @pl.loop(0, KCH - 1, step=2)
    def _(kk):
        @pl.when(kk > 0)
        def _():
            pltpu.make_async_copy(
                rows1, acc_sh.at[dst_v.at[kk - 1]], ss1).wait()
        dg1 = pltpu.async_copy(xw_hbm.at[idx_v.at[kk + 1]], rows1, sg1)
        pltpu.make_async_copy(xw_hbm.at[idx_v.at[kk]], rows0, sg0).wait()
        scale(rows0, kk)
        ds0 = pltpu.async_copy(rows0, acc_sh.at[dst_v.at[kk]], ss0, add=True)
        dg1.wait()
        scale(rows1, kk + 1)
        ds0.wait()
        pltpu.async_copy(xw_hbm.at[idx_v.at[kk + 2]], rows0, sg0)
        pltpu.async_copy(rows1, acc_sh.at[dst_v.at[kk + 1]], ss1, add=True)

    pltpu.make_async_copy(xw_hbm.at[idx_v.at[KCH - 1]], rows0, sg0).wait()
    scale(rows0, KCH - 1)
    pltpu.async_copy(rows0, acc_sh.at[dst_v.at[KCH - 1]], ss0, add=True)
    pltpu.make_async_copy(rows0, acc_sh.at[dst_v.at[KCH - 1]], ss0).wait()
    pltpu.make_async_copy(rows1, acc_sh.at[dst_v.at[KCH - 2]], ss1).wait()

    plsc.subcore_barrier()
    pltpu.sync_copy(acc_sh.at[pl.ds(s * ROWS_PT, ROWS_PT)],
                    out_hbm.at[c, pl.ds(s * ROWS_PT, ROWS_PT)])


def _sc_scatter(xw_flat, flat_idx, dst_blk, nrm_blk):
    mesh = plsc.VectorSubcoreMesh(core_axis_name="c", subcore_axis_name="s")
    f = pl.kernel(
        _sc_body,
        out_type=jax.ShapeDtypeStruct((NC, N, OUT), jnp.float32),
        mesh=mesh,
        compiler_params=pltpu.CompilerParams(
            use_tc_tiling_on_sc=False, needs_layout_passes=False),
        scratch_types=[
            pltpu.VMEM((KCH, CH), jnp.int32),
            pltpu.VMEM((KCH, CH), jnp.int32),
            pltpu.VMEM((KCH, CH // 2), jnp.int32),
            pltpu.VMEM((CH, OUT), jnp.float32),
            pltpu.VMEM((CH, OUT), jnp.float32),
            pltpu.VMEM_SHARED((N, OUT), jnp.float32),
            pltpu.SemaphoreType.DMA,
            pltpu.SemaphoreType.DMA,
            pltpu.SemaphoreType.DMA,
            pltpu.SemaphoreType.DMA,
        ],
    )
    return f(xw_flat, flat_idx, dst_blk, nrm_blk)


def kernel(x, edge_index, etypes, norm, weight, w_comp, h_bias, loop_weight):
    x = x.astype(jnp.float32)
    src = edge_index[0].astype(jnp.int32)
    dst = edge_index[1].astype(jnp.int32)
    et = etypes.astype(jnp.int32)
    flat_idx = (et * N + src).reshape(E // CH, CH)
    dst_blk = dst.reshape(E // CH, CH)
    nrm_blk = lax.bitcast_convert_type(
        norm.astype(jnp.float32).reshape(-1).astype(jnp.bfloat16)
        .reshape(E // 2, 2), jnp.int32).reshape(E // CH, CH // 2)

    xw, h0 = pl.pallas_call(
        _xw_body,
        grid=(N // XBLK,),
        in_specs=[
            pl.BlockSpec(memory_space=pltpu.SMEM),
            pl.BlockSpec((B, IN, OUT), lambda i: (0, 0, 0)),
            pl.BlockSpec((IN, OUT), lambda i: (0, 0)),
            pl.BlockSpec((1, OUT), lambda i: (0, 0)),
            pl.BlockSpec((XBLK, IN), lambda i: (i, 0)),
        ],
        out_specs=[
            pl.BlockSpec((R, XBLK, OUT), lambda i: (0, i, 0)),
            pl.BlockSpec((XBLK, OUT), lambda i: (i, 0)),
        ],
        out_shape=[
            jax.ShapeDtypeStruct((R, N, OUT), jnp.float32),
            jax.ShapeDtypeStruct((N, OUT), jnp.float32),
        ],
    )(w_comp, weight, loop_weight, h_bias.reshape(1, OUT), x)

    parts = _sc_scatter(xw.reshape(R * N, OUT), flat_idx, dst_blk, nrm_blk)

    h = pl.pallas_call(
        _combine_body,
        grid=(N // XBLK,),
        in_specs=[
            pl.BlockSpec((XBLK, OUT), lambda i: (i, 0)),
            pl.BlockSpec((NC, XBLK, OUT), lambda i: (0, i, 0)),
        ],
        out_specs=pl.BlockSpec((XBLK, OUT), lambda i: (i, 0)),
        out_shape=jax.ShapeDtypeStruct((N, OUT), jnp.float32),
    )(h0, parts)

    return h

# --- scband reference (transcript-rebuilt; emitter-appended) ---
"""Pipeline reference for scband-rel-graph-conv-layer-74302934221479 (READ-ONLY COPY).

The authoritative reference and input builder live on the scoring server;
editing this copy changes nothing except your own understanding.
"""

import jax, jax.numpy as jnp
import numpy as np

N = 10000
E = 320000
IN = 128
OUT = 128
R = 8
B = 4

def setup_inputs(seed: int = 0) -> dict:
    key = jax.random.key(seed)
    ks = jax.random.split(key, 8)
    x = jax.random.normal(ks[0], (N, IN), dtype=jnp.float32)
    edge_index = jax.random.randint(ks[1], (2, E), 0, N)
    etypes = jax.random.randint(ks[2], (E,), 0, R)
    norm = jax.random.uniform(ks[3], (E, 1), dtype=jnp.float32)
    # learned parameters (basis decomposition, xavier-ish scale)
    weight = jax.random.normal(ks[4], (B, IN, OUT), dtype=jnp.float32) * np.float32(np.sqrt(2.0 / (IN + OUT)))
    w_comp = jax.random.normal(ks[5], (R, B), dtype=jnp.float32) * np.float32(np.sqrt(2.0 / (R + B)))
    h_bias = jnp.zeros((OUT,), dtype=jnp.float32)
    loop_weight = jax.random.normal(ks[6], (IN, OUT), dtype=jnp.float32) * np.float32(np.sqrt(2.0 / (IN + OUT)))
    return {"x": x, "edge_index": edge_index, "etypes": etypes, "norm": norm,
            "weight": weight, "w_comp": w_comp, "h_bias": h_bias, "loop_weight": loop_weight}

def reference(x, edge_index, etypes, norm, weight, w_comp, h_bias, loop_weight):
    # Reconstruct per-relation weights from bases: W_r = sum_b a_rb V_b
    Wr = jnp.einsum('rb,bio->rio', w_comp, weight)  # [R, IN, OUT]
    src = edge_index[0]
    dst = edge_index[1]
    # Mathematically identical to per-edge bmm(x[src], W[etype]) but memory-efficient:
    # precompute x @ W_r for all relations, then gather per (src, etype).
    xw = jnp.einsum('ni,rio->nro', x, Wr)  # [N, R, OUT]
    msg = xw[src, etypes] * norm           # [E, OUT] gather + edge-norm scaling
    h = jax.ops.segment_sum(msg, dst, num_segments=N)  # sum aggregation to dst nodes
    h = h + h_bias
    h = h + x @ loop_weight  # self-loop message
    # activation=None, dropout=0.0 (eval) -> identity
    return h

if __name__ == "__main__":
    import jax
    _d = setup_inputs()
    print(jax.jit(kernel)(*tuple(_d.values())))

</pallas_src>

<mosaic_0001>
#map = affine_map<(d0, d1) -> (0, 0)>
#map1 = affine_map<(d0, d1) -> (0, 0, 0)>
module attributes {stable_mosaic.version = 14 : i64} {
  func.func @_sc_body(%arg0: i32, %arg1: i32, %arg2: memref<80000x128xf32, #tpu.memory_space<hbm>>, %arg3: memref<4000x80xi32, #tpu.memory_space<hbm>>, %arg4: memref<4000x80xi32, #tpu.memory_space<hbm>>, %arg5: memref<4000x40xi32, #tpu.memory_space<hbm>>, %arg6: memref<2x10000x128xf32, #tpu.memory_space<hbm>>, %arg7: memref<125x80xi32, #tpu.memory_space<vmem>>, %arg8: memref<125x80xi32, #tpu.memory_space<vmem>>, %arg9: memref<125x40xi32, #tpu.memory_space<vmem>>, %arg10: memref<80x128xf32, #tpu.memory_space<vmem>>, %arg11: memref<80x128xf32, #tpu.memory_space<vmem>>, %arg12: memref<10000x128xf32, #tpu.memory_space<vmem_shared>>, %arg13: memref<!tpu.dma_semaphore, #tpu.memory_space<semaphore_mem>>, %arg14: memref<!tpu.dma_semaphore, #tpu.memory_space<semaphore_mem>>, %arg15: memref<!tpu.dma_semaphore, #tpu.memory_space<semaphore_mem>>, %arg16: memref<!tpu.dma_semaphore, #tpu.memory_space<semaphore_mem>>) attributes {dimension_semantics = [#tpu.dimension_semantics<core_parallel>, #tpu.dimension_semantics<subcore_parallel>], iteration_bounds = array<i64: 2, 16>, scalar_prefetch = 0 : i64, scratch_operands = 10 : i64, tpu.core_type = #tpu.core_type<sc_vector_subcore>, window_params = [{transform_indices = #map}, {transform_indices = #map}, {transform_indices = #map}, {transform_indices = #map}, {transform_indices = #map1}]} {
    %mul3A = arith.constant 16 : i32
    %mul3A_0 = arith.muli %arg0, %mul3A : i32
    %add3A = arith.addi %mul3A_0, %arg1 : i32
    %mul3A_1 = arith.constant 125 : i32
    %mul3A_2 = arith.muli %add3A, %mul3A_1 : i32
    %dma_start3A = arith.constant 0 : i32
    %dma_start3A_3 = tpu.memref_slice %arg3[%mul3A_2, %dma_start3A] : memref<4000x80xi32, #tpu.memory_space<hbm>> -> memref<125x80xi32, #tpu.memory_space<hbm>>
    %dma_start3A_4 = arith.constant 0 : i32
    %dma_start3A_5 = tpu.memref_slice %arg3[%mul3A_2, %dma_start3A_4] : memref<4000x80xi32, #tpu.memory_space<hbm>> -> memref<125x80xi32, #tpu.memory_space<hbm>>
    tpu.enqueue_dma source(%dma_start3A_5 : memref<125x80xi32, #tpu.memory_space<hbm>>) target(%arg7 : memref<125x80xi32, #tpu.memory_space<vmem>>) target_semaphore(%arg13 : memref<!tpu.dma_semaphore, #tpu.memory_space<semaphore_mem>>)
    %mul3A_6 = arith.constant 125 : i32
    %mul3A_7 = arith.muli %add3A, %mul3A_6 : i32
    %dma_start3A_8 = arith.constant 0 : i32
    %dma_start3A_9 = tpu.memref_slice %arg4[%mul3A_7, %dma_start3A_8] : memref<4000x80xi32, #tpu.memory_space<hbm>> -> memref<125x80xi32, #tpu.memory_space<hbm>>
    %dma_start3A_10 = arith.constant 0 : i32
    %dma_start3A_11 = tpu.memref_slice %arg4[%mul3A_7, %dma_start3A_10] : memref<4000x80xi32, #tpu.memory_space<hbm>> -> memref<125x80xi32, #tpu.memory_space<hbm>>
    tpu.enqueue_dma source(%dma_start3A_11 : memref<125x80xi32, #tpu.memory_space<hbm>>) target(%arg8 : memref<125x80xi32, #tpu.memory_space<vmem>>) target_semaphore(%arg14 : memref<!tpu.dma_semaphore, #tpu.memory_space<semaphore_mem>>)
    %mul3A_12 = arith.constant 125 : i32
    %mul3A_13 = arith.muli %add3A, %mul3A_12 : i32
    %dma_start3A_14 = arith.constant 0 : i32
    %dma_start3A_15 = tpu.memref_slice %arg5[%mul3A_13, %dma_start3A_14] : memref<4000x40xi32, #tpu.memory_space<hbm>> -> memref<125x40xi32, #tpu.memory_space<hbm>>
    %dma_start3A_16 = arith.constant 0 : i32
    %dma_start3A_17 = tpu.memref_slice %arg5[%mul3A_13, %dma_start3A_16] : memref<4000x40xi32, #tpu.memory_space<hbm>> -> memref<125x40xi32, #tpu.memory_space<hbm>>
    tpu.enqueue_dma source(%dma_start3A_17 : memref<125x40xi32, #tpu.memory_space<hbm>>) target(%arg9 : memref<125x40xi32, #tpu.memory_space<vmem>>) target_semaphore(%arg15 : memref<!tpu.dma_semaphore, #tpu.memory_space<semaphore_mem>>)
    %broadcast_in_dim3A = arith.constant 0.000000e+00 : f32
    %broadcast_in_dim3A_18 = vector.broadcast %broadcast_in_dim3A : f32 to vector<16xf32>
    %scan3A = arith.constant 0 : i32
    %scan3A_19 = arith.constant 25 : i32
    %scan3A_20 = arith.addi %scan3A, %scan3A_19 : i32
    %scan3A_21 = arith.constant 1 : i32
    scf.for %scan3A_731 = %scan3A to %scan3A_20 step %scan3A_21  : i32 {
      %mul3A_732 = arith.constant 1 : i32
      %mul3A_733 = arith.muli %scan3A_731, %mul3A_732 : i32
      %add3A_734 = arith.constant 0 : i32
      %add3A_735 = arith.addi %add3A_734, %mul3A_733 : i32
      %swap3A = arith.index_cast %add3A_735 : i32 to index
      %swap3A_736 = arith.constant 0 : index
      %swap3A_737 = tpu.vector_load %arg11[%swap3A, %swap3A_736] {strides = array<i32>} : memref<80x128xf32, #tpu.memory_space<vmem>>, vector<16xf32>,
      tpu.vector_store %arg11[%swap3A, %swap3A_736], %broadcast_in_dim3A_18 {strides = array<i32>} : memref<80x128xf32, #tpu.memory_space<vmem>>, vector<16xf32>,
      %swap3A_738 = arith.index_cast %add3A_735 : i32 to index
      %swap3A_739 = arith.constant 16 : index
      %swap3A_740 = tpu.vector_load %arg11[%swap3A_738, %swap3A_739] {strides = array<i32>} : memref<80x128xf32, #tpu.memory_space<vmem>>, vector<16xf32>,
      tpu.vector_store %arg11[%swap3A_738, %swap3A_739], %broadcast_in_dim3A_18 {strides = array<i32>} : memref<80x128xf32, #tpu.memory_space<vmem>>, vector<16xf32>,
      %swap3A_741 = arith.index_cast %add3A_735 : i32 to index
      %swap3A_742 = arith.constant 32 : index
      %swap3A_743 = tpu.vector_load %arg11[%swap3A_741, %swap3A_742] {strides = array<i32>} : memref<80x128xf32, #tpu.memory_space<vmem>>, vector<16xf32>,
      tpu.vector_store %arg11[%swap3A_741, %swap3A_742], %broadcast_in_dim3A_18 {strides = array<i32>} : memref<80x128xf32, #tpu.memory_space<vmem>>, vector<16xf32>,
      %swap3A_744 = arith.index_cast %add3A_735 : i32 to index
      %swap3A_745 = arith.constant 48 : index
      %swap3A_746 = tpu.vector_load %arg11[%swap3A_744, %swap3A_745] {strides = array<i32>} : memref<80x128xf32, #tpu.memory_space<vmem>>, vector<16xf32>,
      tpu.vector_store %arg11[%swap3A_744, %swap3A_745], %broadcast_in_dim3A_18 {strides = array<i32>} : memref<80x128xf32, #tpu.memory_space<vmem>>, vector<16xf32>,
      %swap3A_747 = arith.index_cast %add3A_735 : i32 to index
      %swap3A_748 = arith.constant 64 : index
      %swap3A_749 = tpu.vector_load %arg11[%swap3A_747, %swap3A_748] {strides = array<i32>} : memref<80x128xf32, #tpu.memory_space<vmem>>, vector<16xf32>,
      tpu.vector_store %arg11[%swap3A_747, %swap3A_748], %broadcast_in_dim3A_18 {strides = array<i32>} : memref<80x128xf32, #tpu.memory_space<vmem>>, vector<16xf32>,
      %swap3A_750 = arith.index_cast %add3A_735 : i32 to index
      %swap3A_751 = arith.constant 80 : index
      %swap3A_752 = tpu.vector_load %arg11[%swap3A_750, %swap3A_751] {strides = array<i32>} : memref<80x128xf32, #tpu.memory_space<vmem>>, vector<16xf32>,
      tpu.vector_store %arg11[%swap3A_750, %swap3A_751], %broadcast_in_dim3A_18 {strides = array<i32>} : memref<80x128xf32, #tpu.memory_space<vmem>>, vector<16xf32>,
      %swap3A_753 = arith.index_cast %add3A_735 : i32 to index
      %swap3A_754 = arith.constant 96 : index
      %swap3A_755 = tpu.vector_load %arg11[%swap3A_753, %swap3A_754] {strides = array<i32>} : memref<80x128xf32, #tpu.memory_space<vmem>>, vector<16xf32>,
      tpu.vector_store %arg11[%swap3A_753, %swap3A_754], %broadcast_in_dim3A_18 {strides = array<i32>} : memref<80x128xf32, #tpu.memory_space<vmem>>, vector<16xf32>,
      %swap3A_756 = arith.index_cast %add3A_735 : i32 to index
      %swap3A_757 = arith.constant 112 : index
      %swap3A_758 = tpu.vector_load %arg11[%swap3A_756, %swap3A_757] {strides = array<i32>} : memref<80x128xf32, #tpu.memory_space<vmem>>, vector<16xf32>,
      tpu.vector_store %arg11[%swap3A_756, %swap3A_757], %broadcast_in_dim3A_18 {strides = array<i32>} : memref<80x128xf32, #tpu.memory_space<vmem>>, vector<16xf32>,
    }
    %scan3A_22 = arith.constant 25 : i32
    %mul3A_23 = arith.constant 625 : i32
    %mul3A_24 = arith.muli %arg1, %mul3A_23 : i32
    %add3A_25 = arith.constant 0 : i32
    %add3A_26 = arith.addi %mul3A_24, %add3A_25 : i32
    %dma_start3A_27 = arith.constant 0 : i32
    %dma_start3A_28 = arith.constant 0 : i32
    %dma_start3A_29 = tpu.memref_slice %arg11[%dma_start3A_27, %dma_start3A_28] : memref<80x128xf32, #tpu.memory_space<vmem>> -> memref<25x128xf32, #tpu.memory_space<vmem>>
    %dma_start3A_30 = arith.constant 0 : i32
    %dma_start3A_31 = tpu.memref_slice %arg12[%add3A_26, %dma_start3A_30] : memref<10000x128xf32, #tpu.memory_space<vmem_shared>> -> memref<25x128xf32, #tpu.memory_space<vmem_shared>>
    %dma_start3A_32 = arith.constant 0 : i32
    %dma_start3A_33 = tpu.memref_slice %arg12[%add3A_26, %dma_start3A_32] : memref<10000x128xf32, #tpu.memory_space<vmem_shared>> -> memref<25x128xf32, #tpu.memory_space<vmem_shared>>
    %dma_start3A_34 = arith.constant 0 : i32
    %dma_start3A_35 = arith.constant 0 : i32
    %dma_start3A_36 = tpu.memref_slice %arg11[%dma_start3A_34, %dma_start3A_35] : memref<80x128xf32, #tpu.memory_space<vmem>> -> memref<25x128xf32, #tpu.memory_space<vmem>>
    tpu.enqueue_dma source(%dma_start3A_36 : memref<25x128xf32, #tpu.memory_space<vmem>>) target(%dma_start3A_33 : memref<25x128xf32, #tpu.memory_space<vmem_shared>>) target_semaphore(%arg16 : memref<!tpu.dma_semaphore, #tpu.memory_space<semaphore_mem>>)
    %mul3A_37 = arith.constant 625 : i32
    %mul3A_38 = arith.muli %arg1, %mul3A_37 : i32
    %add3A_39 = arith.constant 25 : i32
    %add3A_40 = arith.addi %mul3A_38, %add3A_39 : i32
    %dma_start3A_41 = arith.constant 0 : i32
    %dma_start3A_42 = arith.constant 0 : i32
    %dma_start3A_43 = tpu.memref_slice %arg11[%dma_start3A_41, %dma_start3A_42] : memref<80x128xf32, #tpu.memory_space<vmem>> -> memref<25x128xf32, #tpu.memory_space<vmem>>
    %dma_start3A_44 = arith.constant 0 : i32
    %dma_start3A_45 = tpu.memref_slice %arg12[%add3A_40, %dma_start3A_44] : memref<10000x128xf32, #tpu.memory_space<vmem_shared>> -> memref<25x128xf32, #tpu.memory_space<vmem_shared>>
    %dma_start3A_46 = arith.constant 0 : i32
    %dma_start3A_47 = tpu.memref_slice %arg12[%add3A_40, %dma_start3A_46] : memref<10000x128xf32, #tpu.memory_space<vmem_shared>> -> memref<25x128xf32, #tpu.memory_space<vmem_shared>>
    %dma_start3A_48 = arith.constant 0 : i32
    %dma_start3A_49 = arith.constant 0 : i32
    %dma_start3A_50 = tpu.memref_slice %arg11[%dma_start3A_48, %dma_start3A_49] : memref<80x128xf32, #tpu.memory_space<vmem>> -> memref<25x128xf32, #tpu.memory_space<vmem>>
    tpu.enqueue_dma source(%dma_start3A_50 : memref<25x128xf32, #tpu.memory_space<vmem>>) target(%dma_start3A_47 : memref<25x128xf32, #tpu.memory_space<vmem_shared>>) target_semaphore(%arg16 : memref<!tpu.dma_semaphore, #tpu.memory_space<semaphore_mem>>)
    %mul3A_51 = arith.constant 625 : i32
    %mul3A_52 = arith.muli %arg1, %mul3A_51 : i32
    %add3A_53 = arith.constant 50 : i32
    %add3A_54 = arith.addi %mul3A_52, %add3A_53 : i32
    %dma_start3A_55 = arith.constant 0 : i32
    %dma_start3A_56 = arith.constant 0 : i32
    %dma_start3A_57 = tpu.memref_slice %arg11[%dma_start3A_55, %dma_start3A_56] : memref<80x128xf32, #tpu.memory_space<vmem>> -> memref<25x128xf32, #tpu.memory_space<vmem>>
    %dma_start3A_58 = arith.constant 0 : i32
    %dma_start3A_59 = tpu.memref_slice %arg12[%add3A_54, %dma_start3A_58] : memref<10000x128xf32, #tpu.memory_space<vmem_shared>> -> memref<25x128xf32, #tpu.memory_space<vmem_shared>>
    %dma_start3A_60 = arith.constant 0 : i32
    %dma_start3A_61 = tpu.memref_slice %arg12[%add3A_54, %dma_start3A_60] : memref<10000x128xf32, #tpu.memory_space<vmem_shared>> -> memref<25x128xf32, #tpu.memory_space<vmem_shared>>
    %dma_start3A_62 = arith.constant 0 : i32
    %dma_start3A_63 = arith.constant 0 : i32
    %dma_start3A_64 = tpu.memref_slice %arg11[%dma_start3A_62, %dma_start3A_63] : memref<80x128xf32, #tpu.memory_space<vmem>> -> memref<25x128xf32, #tpu.memory_space<vmem>>
    tpu.enqueue_dma source(%dma_start3A_64 : memref<25x128xf32, #tpu.memory_space<vmem>>) target(%dma_start3A_61 : memref<25x128xf32, #tpu.memory_space<vmem_shared>>) target_semaphore(%arg16 : memref<!tpu.dma_semaphore, #tpu.memory_space<semaphore_mem>>)
    %mul3A_65 = arith.constant 625 : i32
    %mul3A_66 = arith.muli %arg1, %mul3A_65 : i32
    %add3A_67 = arith.constant 75 : i32
    %add3A_68 = arith.addi %mul3A_66, %add3A_67 : i32
    %dma_start3A_69 = arith.constant 0 : i32
    %dma_start3A_70 = arith.constant 0 : i32
    %dma_start3A_71 = tpu.memref_slice %arg11[%dma_start3A_69, %dma_start3A_70] : memref<80x128xf32, #tpu.memory_space<vmem>> -> memref<25x128xf32, #tpu.memory_space<vmem>>
    %dma_start3A_72 = arith.constant 0 : i32
    %dma_start3A_73 = tpu.memref_slice %arg12[%add3A_68, %dma_start3A_72] : memref<10000x128xf32, #tpu.memory_space<vmem_shared>> -> memref<25x128xf32, #tpu.memory_space<vmem_shared>>
    %dma_start3A_74 = arith.constant 0 : i32
    %dma_start3A_75 = tpu.memref_slice %arg12[%add3A_68, %dma_start3A_74] : memref<10000x128xf32, #tpu.memory_space<vmem_shared>> -> memref<25x128xf32, #tpu.memory_space<vmem_shared>>
    %dma_start3A_76 = arith.constant 0 : i32
    %dma_start3A_77 = arith.constant 0 : i32
    %dma_start3A_78 = tpu.memref_slice %arg11[%dma_start3A_76, %dma_start3A_77] : memref<80x128xf32, #tpu.memory_space<vmem>> -> memref<25x128xf32, #tpu.memory_space<vmem>>
    tpu.enqueue_dma source(%dma_start3A_78 : memref<25x128xf32, #tpu.memory_space<vmem>>) target(%dma_start3A_75 : memref<25x128xf32, #tpu.memory_space<vmem_shared>>) target_semaphore(%arg16 : memref<!tpu.dma_semaphore, #tpu.memory_space<semaphore_mem>>)
    %mul3A_79 = arith.constant 625 : i32
    %mul3A_80 = arith.muli %arg1, %mul3A_79 : i32
    %add3A_81 = arith.constant 100 : i32
    %add3A_82 = arith.addi %mul3A_80, %add3A_81 : i32
    %dma_start3A_83 = arith.constant 0 : i32
    %dma_start3A_84 = arith.constant 0 : i32
    %dma_start3A_85 = tpu.memref_slice %arg11[%dma_start3A_83, %dma_start3A_84] : memref<80x128xf32, #tpu.memory_space<vmem>> -> memref<25x128xf32, #tpu.memory_space<vmem>>
    %dma_start3A_86 = arith.constant 0 : i32
    %dma_start3A_87 = tpu.memref_slice %arg12[%add3A_82, %dma_start3A_86] : memref<10000x128xf32, #tpu.memory_space<vmem_shared>> -> memref<25x128xf32, #tpu.memory_space<vmem_shared>>
    %dma_start3A_88 = arith.constant 0 : i32
    %dma_start3A_89 = tpu.memref_slice %arg12[%add3A_82, %dma_start3A_88] : memref<10000x128xf32, #tpu.memory_space<vmem_shared>> -> memref<25x128xf32, #tpu.memory_space<vmem_shared>>
    %dma_start3A_90 = arith.constant 0 : i32
    %dma_start3A_91 = arith.constant 0 : i32
    %dma_start3A_92 = tpu.memref_slice %arg11[%dma_start3A_90, %dma_start3A_91] : memref<80x128xf32, #tpu.memory_space<vmem>> -> memref<25x128xf32, #tpu.memory_space<vmem>>
    tpu.enqueue_dma source(%dma_start3A_92 : memref<25x128xf32, #tpu.memory_space<vmem>>) target(%dma_start3A_89 : memref<25x128xf32, #tpu.memory_space<vmem_shared>>) target_semaphore(%arg16 : memref<!tpu.dma_semaphore, #tpu.memory_space<semaphore_mem>>)
    %mul3A_93 = arith.constant 625 : i32
    %mul3A_94 = arith.muli %arg1, %mul3A_93 : i32
    %add3A_95 = arith.constant 125 : i32
    %add3A_96 = arith.addi %mul3A_94, %add3A_95 : i32
    %dma_start3A_97 = arith.constant 0 : i32
    %dma_start3A_98 = arith.constant 0 : i32
    %dma_start3A_99 = tpu.memref_slice %arg11[%dma_start3A_97, %dma_start3A_98] : memref<80x128xf32, #tpu.memory_space<vmem>> -> memref<25x128xf32, #tpu.memory_space<vmem>>
    %dma_start3A_100 = arith.constant 0 : i32
    %dma_start3A_101 = tpu.memref_slice %arg12[%add3A_96, %dma_start3A_100] : memref<10000x128xf32, #tpu.memory_space<vmem_shared>> -> memref<25x128xf32, #tpu.memory_space<vmem_shared>>
    %dma_start3A_102 = arith.constant 0 : i32
    %dma_start3A_103 = tpu.memref_slice %arg12[%add3A_96, %dma_start3A_102] : memref<10000x128xf32, #tpu.memory_space<vmem_shared>> -> memref<25x128xf32, #tpu.memory_space<vmem_shared>>
    %dma_start3A_104 = arith.constant 0 : i32
    %dma_start3A_105 = arith.constant 0 : i32
    %dma_start3A_106 = tpu.memref_slice %arg11[%dma_start3A_104, %dma_start3A_105] : memref<80x128xf32, #tpu.memory_space<vmem>> -> memref<25x128xf32, #tpu.memory_space<vmem>>
    tpu.enqueue_dma source(%dma_start3A_106 : memref<25x128xf32, #tpu.memory_space<vmem>>) target(%dma_start3A_103 : memref<25x128xf32, #tpu.memory_space<vmem_shared>>) target_semaphore(%arg16 : memref<!tpu.dma_semaphore, #tpu.memory_space<semaphore_mem>>)
    %mul3A_107 = arith.constant 625 : i32
    %mul3A_108 = arith.muli %arg1, %mul3A_107 : i32
    %add3A_109 = arith.constant 150 : i32
    %add3A_110 = arith.addi %mul3A_108, %add3A_109 : i32
    %dma_start3A_111 = arith.constant 0 : i32
    %dma_start3A_112 = arith.constant 0 : i32
    %dma_start3A_113 = tpu.memref_slice %arg11[%dma_start3A_111, %dma_start3A_112] : memref<80x128xf32, #tpu.memory_space<vmem>> -> memref<25x128xf32, #tpu.memory_space<vmem>>
    %dma_start3A_114 = arith.constant 0 : i32
    %dma_start3A_115 = tpu.memref_slice %arg12[%add3A_110, %dma_start3A_114] : memref<10000x128xf32, #tpu.memory_space<vmem_shared>> -> memref<25x128xf32, #tpu.memory_space<vmem_shared>>
    %dma_start3A_116 = arith.constant 0 : i32
    %dma_start3A_117 = tpu.memref_slice %arg12[%add3A_110, %dma_start3A_116] : memref<10000x128xf32, #tpu.memory_space<vmem_shared>> -> memref<25x128xf32, #tpu.memory_space<vmem_shared>>
    %dma_start3A_118 = arith.constant 0 : i32
    %dma_start3A_119 = arith.constant 0 : i32
    %dma_start3A_120 = tpu.memref_slice %arg11[%dma_start3A_118, %dma_start3A_119] : memref<80x128xf32, #tpu.memory_space<vmem>> -> memref<25x128xf32, #tpu.memory_space<vmem>>
    tpu.enqueue_dma source(%dma_start3A_120 : memref<25x128xf32, #tpu.memory_space<vmem>>) target(%dma_start3A_117 : memref<25x128xf32, #tpu.memory_space<vmem_shared>>) target_semaphore(%arg16 : memref<!tpu.dma_semaphore, #tpu.memory_space<semaphore_mem>>)
    %mul3A_121 = arith.constant 625 : i32
    %mul3A_122 = arith.muli %arg1, %mul3A_121 : i32
    %add3A_123 = arith.constant 175 : i32
    %add3A_124 = arith.addi %mul3A_122, %add3A_123 : i32
    %dma_start3A_125 = arith.constant 0 : i32
    %dma_start3A_126 = arith.constant 0 : i32
    %dma_start3A_127 = tpu.memref_slice %arg11[%dma_start3A_125, %dma_start3A_126] : memref<80x128xf32, #tpu.memory_space<vmem>> -> memref<25x128xf32, #tpu.memory_space<vmem>>
    %dma_start3A_128 = arith.constant 0 : i32
    %dma_start3A_129 = tpu.memref_slice %arg12[%add3A_124, %dma_start3A_128] : memref<10000x128xf32, #tpu.memory_space<vmem_shared>> -> memref<25x128xf32, #tpu.memory_space<vmem_shared>>
    %dma_start3A_130 = arith.constant 0 : i32
    %dma_start3A_131 = tpu.memref_slice %arg12[%add3A_124, %dma_start3A_130] : memref<10000x128xf32, #tpu.memory_space<vmem_shared>> -> memref<25x128xf32, #tpu.memory_space<vmem_shared>>
    %dma_start3A_132 = arith.constant 0 : i32
    %dma_start3A_133 = arith.constant 0 : i32
    %dma_start3A_134 = tpu.memref_slice %arg11[%dma_start3A_132, %dma_start3A_133] : memref<80x128xf32, #tpu.memory_space<vmem>> -> memref<25x128xf32, #tpu.memory_space<vmem>>
    tpu.enqueue_dma source(%dma_start3A_134 : memref<25x128xf32, #tpu.memory_space<vmem>>) target(%dma_start3A_131 : memref<25x128xf32, #tpu.memory_space<vmem_shared>>) target_semaphore(%arg16 : memref<!tpu.dma_semaphore, #tpu.memory_space<semaphore_mem>>)
    %mul3A_135 = arith.constant 625 : i32
    %mul3A_136 = arith.muli %arg1, %mul3A_135 : i32
    %add3A_137 = arith.constant 200 : i32
    %add3A_138 = arith.addi %mul3A_136, %add3A_137 : i32
    %dma_start3A_139 = arith.constant 0 : i32
    %dma_start3A_140 = arith.constant 0 : i32
    %dma_start3A_141 = tpu.memref_slice %arg11[%dma_start3A_139, %dma_start3A_140] : memref<80x128xf32, #tpu.memory_space<vmem>> -> memref<25x128xf32, #tpu.memory_space<vmem>>
    %dma_start3A_142 = arith.constant 0 : i32
    %dma_start3A_143 = tpu.memref_slice %arg12[%add3A_138, %dma_start3A_142] : memref<10000x128xf32, #tpu.memory_space<vmem_shared>> -> memref<25x128xf32, #tpu.memory_space<vmem_shared>>
    %dma_start3A_144 = arith.constant 0 : i32
    %dma_start3A_145 = tpu.memref_slice %arg12[%add3A_138, %dma_start3A_144] : memref<10000x128xf32, #tpu.memory_space<vmem_shared>> -> memref<25x128xf32, #tpu.memory_space<vmem_shared>>
    %dma_start3A_146 = arith.constant 0 : i32
    %dma_start3A_147 = arith.constant 0 : i32
    %dma_start3A_148 = tpu.memref_slice %arg11[%dma_start3A_146, %dma_start3A_147] : memref<80x128xf32, #tpu.memory_space<vmem>> -> memref<25x128xf32, #tpu.memory_space<vmem>>
    tpu.enqueue_dma source(%dma_start3A_148 : memref<25x128xf32, #tpu.memory_space<vmem>>) target(%dma_start3A_145 : memref<25x128xf32, #tpu.memory_space<vmem_shared>>) target_semaphore(%arg16 : memref<!tpu.dma_semaphore, #tpu.memory_space<semaphore_mem>>)
    %mul3A_149 = arith.constant 625 : i32
    %mul3A_150 = arith.muli %arg1, %mul3A_149 : i32
    %add3A_151 = arith.constant 225 : i32
    %add3A_152 = arith.addi %mul3A_150, %add3A_151 : i32
    %dma_start3A_153 = arith.constant 0 : i32
    %dma_start3A_154 = arith.constant 0 : i32
    %dma_start3A_155 = tpu.memref_slice %arg11[%dma_start3A_153, %dma_start3A_154] : memref<80x128xf32, #tpu.memory_space<vmem>> -> memref<25x128xf32, #tpu.memory_space<vmem>>
    %dma_start3A_156 = arith.constant 0 : i32
    %dma_start3A_157 = tpu.memref_slice %arg12[%add3A_152, %dma_start3A_156] : memref<10000x128xf32, #tpu.memory_space<vmem_shared>> -> memref<25x128xf32, #tpu.memory_space<vmem_shared>>
    %dma_start3A_158 = arith.constant 0 : i32
    %dma_start3A_159 = tpu.memref_slice %arg12[%add3A_152, %dma_start3A_158] : memref<10000x128xf32, #tpu.memory_space<vmem_shared>> -> memref<25x128xf32, #tpu.memory_space<vmem_shared>>
    %dma_start3A_160 = arith.constant 0 : i32
    %dma_start3A_161 = arith.constant 0 : i32
    %dma_start3A_162 = tpu.memref_slice %arg11[%dma_start3A_160, %dma_start3A_161] : memref<80x128xf32, #tpu.memory_space<vmem>> -> memref<25x128xf32, #tpu.memory_space<vmem>>
    tpu.enqueue_dma source(%dma_start3A_162 : memref<25x128xf32, #tpu.memory_space<vmem>>) target(%dma_start3A_159 : memref<25x128xf32, #tpu.memory_space<vmem_shared>>) target_semaphore(%arg16 : memref<!tpu.dma_semaphore, #tpu.memory_space<semaphore_mem>>)
    %mul3A_163 = arith.constant 625 : i32
    %mul3A_164 = arith.muli %arg1, %mul3A_163 : i32
    %add3A_165 = arith.constant 250 : i32
    %add3A_166 = arith.addi %mul3A_164, %add3A_165 : i32
    %dma_start3A_167 = arith.constant 0 : i32
    %dma_start3A_168 = arith.constant 0 : i32
    %dma_start3A_169 = tpu.memref_slice %arg11[%dma_start3A_167, %dma_start3A_168] : memref<80x128xf32, #tpu.memory_space<vmem>> -> memref<25x128xf32, #tpu.memory_space<vmem>>
    %dma_start3A_170 = arith.constant 0 : i32
    %dma_start3A_171 = tpu.memref_slice %arg12[%add3A_166, %dma_start3A_170] : memref<10000x128xf32, #tpu.memory_space<vmem_shared>> -> memref<25x128xf32, #tpu.memory_space<vmem_shared>>
    %dma_start3A_172 = arith.constant 0 : i32
    %dma_start3A_173 = tpu.memref_slice %arg12[%add3A_166, %dma_start3A_172] : memref<10000x128xf32, #tpu.memory_space<vmem_shared>> -> memref<25x128xf32, #tpu.memory_space<vmem_shared>>
    %dma_start3A_174 = arith.constant 0 : i32
    %dma_start3A_175 = arith.constant 0 : i32
    %dma_start3A_176 = tpu.memref_slice %arg11[%dma_start3A_174, %dma_start3A_175] : memref<80x128xf32, #tpu.memory_space<vmem>> -> memref<25x128xf32, #tpu.memory_space<vmem>>
    tpu.enqueue_dma source(%dma_start3A_176 : memref<25x128xf32, #tpu.memory_space<vmem>>) target(%dma_start3A_173 : memref<25x128xf32, #tpu.memory_space<vmem_shared>>) target_semaphore(%arg16 : memref<!tpu.dma_semaphore, #tpu.memory_space<semaphore_mem>>)
    %mul3A_177 = arith.constant 625 : i32
    %mul3A_178 = arith.muli %arg1, %mul3A_177 : i32
    %add3A_179 = arith.constant 275 : i32
    %add3A_180 = arith.addi %mul3A_178, %add3A_179 : i32
    %dma_start3A_181 = arith.constant 0 : i32
    %dma_start3A_182 = arith.constant 0 : i32
    %dma_start3A_183 = tpu.memref_slice %arg11[%dma_start3A_181, %dma_start3A_182] : memref<80x128xf32, #tpu.memory_space<vmem>> -> memref<25x128xf32, #tpu.memory_space<vmem>>
    %dma_start3A_184 = arith.constant 0 : i32
    %dma_start3A_185 = tpu.memref_slice %arg12[%add3A_180, %dma_start3A_184] : memref<10000x128xf32, #tpu.memory_space<vmem_shared>> -> memref<25x128xf32, #tpu.memory_space<vmem_shared>>
    %dma_start3A_186 = arith.constant 0 : i32
    %dma_start3A_187 = tpu.memref_slice %arg12[%add3A_180, %dma_start3A_186] : memref<10000x128xf32, #tpu.memory_space<vmem_shared>> -> memref<25x128xf32, #tpu.memory_space<vmem_shared>>
    %dma_start3A_188 = arith.constant 0 : i32
    %dma_start3A_189 = arith.constant 0 : i32
    %dma_start3A_190 = tpu.memref_slice %arg11[%dma_start3A_188, %dma_start3A_189] : memref<80x128xf32, #tpu.memory_space<vmem>> -> memref<25x128xf32, #tpu.memory_space<vmem>>
    tpu.enqueue_dma source(%dma_start3A_190 : memref<25x128xf32, #tpu.memory_space<vmem>>) target(%dma_start3A_187 : memref<25x128xf32, #tpu.memory_space<vmem_shared>>) target_semaphore(%arg16 : memref<!tpu.dma_semaphore, #tpu.memory_space<semaphore_mem>>)
    %mul3A_191 = arith.constant 625 : i32
    %mul3A_192 = arith.muli %arg1, %mul3A_191 : i32
    %add3A_193 = arith.constant 300 : i32
    %add3A_194 = arith.addi %mul3A_192, %add3A_193 : i32
    %dma_start3A_195 = arith.constant 0 : i32
    %dma_start3A_196 = arith.constant 0 : i32
    %dma_start3A_197 = tpu.memref_slice %arg11[%dma_start3A_195, %dma_start3A_196] : memref<80x128xf32, #tpu.memory_space<vmem>> -> memref<25x128xf32, #tpu.memory_space<vmem>>
    %dma_start3A_198 = arith.constant 0 : i32
    %dma_start3A_199 = tpu.memref_slice %arg12[%add3A_194, %dma_start3A_198] : memref<10000x128xf32, #tpu.memory_space<vmem_shared>> -> memref<25x128xf32, #tpu.memory_space<vmem_shared>>
    %dma_start3A_200 = arith.constant 0 : i32
    %dma_start3A_201 = tpu.memref_slice %arg12[%add3A_194, %dma_start3A_200] : memref<10000x128xf32, #tpu.memory_space<vmem_shared>> -> memref<25x128xf32, #tpu.memory_space<vmem_shared>>
    %dma_start3A_202 = arith.constant 0 : i32
    %dma_start3A_203 = arith.constant 0 : i32
    %dma_start3A_204 = tpu.memref_slice %arg11[%dma_start3A_202, %dma_start3A_203] : memref<80x128xf32, #tpu.memory_space<vmem>> -> memref<25x128xf32, #tpu.memory_space<vmem>>
    tpu.enqueue_dma source(%dma_start3A_204 : memref<25x128xf32, #tpu.memory_space<vmem>>) target(%dma_start3A_201 : memref<25x128xf32, #tpu.memory_space<vmem_shared>>) target_semaphore(%arg16 : memref<!tpu.dma_semaphore, #tpu.memory_space<semaphore_mem>>)
    %mul3A_205 = arith.constant 625 : i32
    %mul3A_206 = arith.muli %arg1, %mul3A_205 : i32
    %add3A_207 = arith.constant 325 : i32
    %add3A_208 = arith.addi %mul3A_206, %add3A_207 : i32
    %dma_start3A_209 = arith.constant 0 : i32
    %dma_start3A_210 = arith.constant 0 : i32
    %dma_start3A_211 = tpu.memref_slice %arg11[%dma_start3A_209, %dma_start3A_210] : memref<80x128xf32, #tpu.memory_space<vmem>> -> memref<25x128xf32, #tpu.memory_space<vmem>>
    %dma_start3A_212 = arith.constant 0 : i32
    %dma_start3A_213 = tpu.memref_slice %arg12[%add3A_208, %dma_start3A_212] : memref<10000x128xf32, #tpu.memory_space<vmem_shared>> -> memref<25x128xf32, #tpu.memory_space<vmem_shared>>
    %dma_start3A_214 = arith.constant 0 : i32
    %dma_start3A_215 = tpu.memref_slice %arg12[%add3A_208, %dma_start3A_214] : memref<10000x128xf32, #tpu.memory_space<vmem_shared>> -> memref<25x128xf32, #tpu.memory_space<vmem_shared>>
    %dma_start3A_216 = arith.constant 0 : i32
    %dma_start3A_217 = arith.constant 0 : i32
    %dma_start3A_218 = tpu.memref_slice %arg11[%dma_start3A_216, %dma_start3A_217] : memref<80x128xf32, #tpu.memory_space<vmem>> -> memref<25x128xf32, #tpu.memory_space<vmem>>
    tpu.enqueue_dma source(%dma_start3A_218 : memref<25x128xf32, #tpu.memory_space<vmem>>) target(%dma_start3A_215 : memref<25x128xf32, #tpu.memory_space<vmem_shared>>) target_semaphore(%arg16 : memref<!tpu.dma_semaphore, #tpu.memory_space<semaphore_mem>>)
    %mul3A_219 = arith.constant 625 : i32
    %mul3A_220 = arith.muli %arg1, %mul3A_219 : i32
    %add3A_221 = arith.constant 350 : i32
    %add3A_222 = arith.addi %mul3A_220, %add3A_221 : i32
    %dma_start3A_223 = arith.constant 0 : i32
    %dma_start3A_224 = arith.constant 0 : i32
    %dma_start3A_225 = tpu.memref_slice %arg11[%dma_start3A_223, %dma_start3A_224] : memref<80x128xf32, #tpu.memory_space<vmem>> -> memref<25x128xf32, #tpu.memory_space<vmem>>
    %dma_start3A_226 = arith.constant 0 : i32
    %dma_start3A_227 = tpu.memref_slice %arg12[%add3A_222, %dma_start3A_226] : memref<10000x128xf32, #tpu.memory_space<vmem_shared>> -> memref<25x128xf32, #tpu.memory_space<vmem_shared>>
    %dma_start3A_228 = arith.constant 0 : i32
    %dma_start3A_229 = tpu.memref_slice %arg12[%add3A_222, %dma_start3A_228] : memref<10000x128xf32, #tpu.memory_space<vmem_shared>> -> memref<25x128xf32, #tpu.memory_space<vmem_shared>>
    %dma_start3A_230 = arith.constant 0 : i32
    %dma_start3A_231 = arith.constant 0 : i32
    %dma_start3A_232 = tpu.memref_slice %arg11[%dma_start3A_230, %dma_start3A_231] : memref<80x128xf32, #tpu.memory_space<vmem>> -> memref<25x128xf32, #tpu.memory_space<vmem>>
    tpu.enqueue_dma source(%dma_start3A_232 : memref<25x128xf32, #tpu.memory_space<vmem>>) target(%dma_start3A_229 : memref<25x128xf32, #tpu.memory_space<vmem_shared>>) target_semaphore(%arg16 : memref<!tpu.dma_semaphore, #tpu.memory_space<semaphore_mem>>)
    %mul3A_233 = arith.constant 625 : i32
    %mul3A_234 = arith.muli %arg1, %mul3A_233 : i32
    %add3A_235 = arith.constant 375 : i32
    %add3A_236 = arith.addi %mul3A_234, %add3A_235 : i32
    %dma_start3A_237 = arith.constant 0 : i32
    %dma_start3A_238 = arith.constant 0 : i32
    %dma_start3A_239 = tpu.memref_slice %arg11[%dma_start3A_237, %dma_start3A_238] : memref<80x128xf32, #tpu.memory_space<vmem>> -> memref<25x128xf32, #tpu.memory_space<vmem>>
    %dma_start3A_240 = arith.constant 0 : i32
    %dma_start3A_241 = tpu.memref_slice %arg12[%add3A_236, %dma_start3A_240] : memref<10000x128xf32, #tpu.memory_space<vmem_shared>> -> memref<25x128xf32, #tpu.memory_space<vmem_shared>>
    %dma_start3A_242 = arith.constant 0 : i32
    %dma_start3A_243 = tpu.memref_slice %arg12[%add3A_236, %dma_start3A_242] : memref<10000x128xf32, #tpu.memory_space<vmem_shared>> -> memref<25x128xf32, #tpu.memory_space<vmem_shared>>
    %dma_start3A_244 = arith.constant 0 : i32
    %dma_start3A_245 = arith.constant 0 : i32
    %dma_start3A_246 = tpu.memref_slice %arg11[%dma_start3A_244, %dma_start3A_245] : memref<80x128xf32, #tpu.memory_space<vmem>> -> memref<25x128xf32, #tpu.memory_space<vmem>>
    tpu.enqueue_dma source(%dma_start3A_246 : memref<25x128xf32, #tpu.memory_space<vmem>>) target(%dma_start3A_243 : memref<25x128xf32, #tpu.memory_space<vmem_shared>>) target_semaphore(%arg16 : memref<!tpu.dma_semaphore, #tpu.memory_space<semaphore_mem>>)
    %mul3A_247 = arith.constant 625 : i32
    %mul3A_248 = arith.muli %arg1, %mul3A_247 : i32
    %add3A_249 = arith.constant 400 : i32
    %add3A_250 = arith.addi %mul3A_248, %add3A_249 : i32
    %dma_start3A_251 = arith.constant 0 : i32
    %dma_start3A_252 = arith.constant 0 : i32
    %dma_start3A_253 = tpu.memref_slice %arg11[%dma_start3A_251, %dma_start3A_252] : memref<80x128xf32, #tpu.memory_space<vmem>> -> memref<25x128xf32, #tpu.memory_space<vmem>>
    %dma_start3A_254 = arith.constant 0 : i32
    %dma_start3A_255 = tpu.memref_slice %arg12[%add3A_250, %dma_start3A_254] : memref<10000x128xf32, #tpu.memory_space<vmem_shared>> -> memref<25x128xf32, #tpu.memory_space<vmem_shared>>
    %dma_start3A_256 = arith.constant 0 : i32
    %dma_start3A_257 = tpu.memref_slice %arg12[%add3A_250, %dma_start3A_256] : memref<10000x128xf32, #tpu.memory_space<vmem_shared>> -> memref<25x128xf32, #tpu.memory_space<vmem_shared>>
    %dma_start3A_258 = arith.constant 0 : i32
    %dma_start3A_259 = arith.constant 0 : i32
    %dma_start3A_260 = tpu.memref_slice %arg11[%dma_start3A_258, %dma_start3A_259] : memref<80x128xf32, #tpu.memory_space<vmem>> -> memref<25x128xf32, #tpu.memory_space<vmem>>
    tpu.enqueue_dma source(%dma_start3A_260 : memref<25x128xf32, #tpu.memory_space<vmem>>) target(%dma_start3A_257 : memref<25x128xf32, #tpu.memory_space<vmem_shared>>) target_semaphore(%arg16 : memref<!tpu.dma_semaphore, #tpu.memory_space<semaphore_mem>>)
    %mul3A_261 = arith.constant 625 : i32
    %mul3A_262 = arith.muli %arg1, %mul3A_261 : i32
    %add3A_263 = arith.constant 425 : i32
    %add3A_264 = arith.addi %mul3A_262, %add3A_263 : i32
    %dma_start3A_265 = arith.constant 0 : i32
    %dma_start3A_266 = arith.constant 0 : i32
    %dma_start3A_267 = tpu.memref_slice %arg11[%dma_start3A_265, %dma_start3A_266] : memref<80x128xf32, #tpu.memory_space<vmem>> -> memref<25x128xf32, #tpu.memory_space<vmem>>
    %dma_start3A_268 = arith.constant 0 : i32
    %dma_start3A_269 = tpu.memref_slice %arg12[%add3A_264, %dma_start3A_268] : memref<10000x128xf32, #tpu.memory_space<vmem_shared>> -> memref<25x128xf32, #tpu.memory_space<vmem_shared>>
    %dma_start3A_270 = arith.constant 0 : i32
    %dma_start3A_271 = tpu.memref_slice %arg12[%add3A_264, %dma_start3A_270] : memref<10000x128xf32, #tpu.memory_space<vmem_shared>> -> memref<25x128xf32, #tpu.memory_space<vmem_shared>>
    %dma_start3A_272 = arith.constant 0 : i32
    %dma_start3A_273 = arith.constant 0 : i32
    %dma_start3A_274 = tpu.memref_slice %arg11[%dma_start3A_272, %dma_start3A_273] : memref<80x128xf32, #tpu.memory_space<vmem>> -> memref<25x128xf32, #tpu.memory_space<vmem>>
    tpu.enqueue_dma source(%dma_start3A_274 : memref<25x128xf32, #tpu.memory_space<vmem>>) target(%dma_start3A_271 : memref<25x128xf32, #tpu.memory_space<vmem_shared>>) target_semaphore(%arg16 : memref<!tpu.dma_semaphore, #tpu.memory_space<semaphore_mem>>)
    %mul3A_275 = arith.constant 625 : i32
    %mul3A_276 = arith.muli %arg1, %mul3A_275 : i32
    %add3A_277 = arith.constant 450 : i32
    %add3A_278 = arith.addi %mul3A_276, %add3A_277 : i32
    %dma_start3A_279 = arith.constant 0 : i32
    %dma_start3A_280 = arith.constant 0 : i32
    %dma_start3A_281 = tpu.memref_slice %arg11[%dma_start3A_279, %dma_start3A_280] : memref<80x128xf32, #tpu.memory_space<vmem>> -> memref<25x128xf32, #tpu.memory_space<vmem>>
    %dma_start3A_282 = arith.constant 0 : i32
    %dma_start3A_283 = tpu.memref_slice %arg12[%add3A_278, %dma_start3A_282] : memref<10000x128xf32, #tpu.memory_space<vmem_shared>> -> memref<25x128xf32, #tpu.memory_space<vmem_shared>>
    %dma_start3A_284 = arith.constant 0 : i32
    %dma_start3A_285 = tpu.memref_slice %arg12[%add3A_278, %dma_start3A_284] : memref<10000x128xf32, #tpu.memory_space<vmem_shared>> -> memref<25x128xf32, #tpu.memory_space<vmem_shared>>
    %dma_start3A_286 = arith.constant 0 : i32
    %dma_start3A_287 = arith.constant 0 : i32
    %dma_start3A_288 = tpu.memref_slice %arg11[%dma_start3A_286, %dma_start3A_287] : memref<80x128xf32, #tpu.memory_space<vmem>> -> memref<25x128xf32, #tpu.memory_space<vmem>>
    tpu.enqueue_dma source(%dma_start3A_288 : memref<25x128xf32, #tpu.memory_space<vmem>>) target(%dma_start3A_285 : memref<25x128xf32, #tpu.memory_space<vmem_shared>>) target_semaphore(%arg16 : memref<!tpu.dma_semaphore, #tpu.memory_space<semaphore_mem>>)
    %mul3A_289 = arith.constant 625 : i32
    %mul3A_290 = arith.muli %arg1, %mul3A_289 : i32
    %add3A_291 = arith.constant 475 : i32
    %add3A_292 = arith.addi %mul3A_290, %add3A_291 : i32
    %dma_start3A_293 = arith.constant 0 : i32
    %dma_start3A_294 = arith.constant 0 : i32
    %dma_start3A_295 = tpu.memref_slice %arg11[%dma_start3A_293, %dma_start3A_294] : memref<80x128xf32, #tpu.memory_space<vmem>> -> memref<25x128xf32, #tpu.memory_space<vmem>>
    %dma_start3A_296 = arith.constant 0 : i32
    %dma_start3A_297 = tpu.memref_slice %arg12[%add3A_292, %dma_start3A_296] : memref<10000x128xf32, #tpu.memory_space<vmem_shared>> -> memref<25x128xf32, #tpu.memory_space<vmem_shared>>
    %dma_start3A_298 = arith.constant 0 : i32
    %dma_start3A_299 = tpu.memref_slice %arg12[%add3A_292, %dma_start3A_298] : memref<10000x128xf32, #tpu.memory_space<vmem_shared>> -> memref<25x128xf32, #tpu.memory_space<vmem_shared>>
    %dma_start3A_300 = arith.constant 0 : i32
    %dma_start3A_301 = arith.constant 0 : i32
    %dma_start3A_302 = tpu.memref_slice %arg11[%dma_start3A_300, %dma_start3A_301] : memref<80x128xf32, #tpu.memory_space<vmem>> -> memref<25x128xf32, #tpu.memory_space<vmem>>
    tpu.enqueue_dma source(%dma_start3A_302 : memref<25x128xf32, #tpu.memory_space<vmem>>) target(%dma_start3A_299 : memref<25x128xf32, #tpu.memory_space<vmem_shared>>) target_semaphore(%arg16 : memref<!tpu.dma_semaphore, #tpu.memory_space<semaphore_mem>>)
    %mul3A_303 = arith.constant 625 : i32
    %mul3A_304 = arith.muli %arg1, %mul3A_303 : i32
    %add3A_305 = arith.constant 500 : i32
    %add3A_306 = arith.addi %mul3A_304, %add3A_305 : i32
    %dma_start3A_307 = arith.constant 0 : i32
    %dma_start3A_308 = arith.constant 0 : i32
    %dma_start3A_309 = tpu.memref_slice %arg11[%dma_start3A_307, %dma_start3A_308] : memref<80x128xf32, #tpu.memory_space<vmem>> -> memref<25x128xf32, #tpu.memory_space<vmem>>
    %dma_start3A_310 = arith.constant 0 : i32
    %dma_start3A_311 = tpu.memref_slice %arg12[%add3A_306, %dma_start3A_310] : memref<10000x128xf32, #tpu.memory_space<vmem_shared>> -> memref<25x128xf32, #tpu.memory_space<vmem_shared>>
    %dma_start3A_312 = arith.constant 0 : i32
    %dma_start3A_313 = tpu.memref_slice %arg12[%add3A_306, %dma_start3A_312] : memref<10000x128xf32, #tpu.memory_space<vmem_shared>> -> memref<25x128xf32, #tpu.memory_space<vmem_shared>>
    %dma_start3A_314 = arith.constant 0 : i32
    %dma_start3A_315 = arith.constant 0 : i32
    %dma_start3A_316 = tpu.memref_slice %arg11[%dma_start3A_314, %dma_start3A_315] : memref<80x128xf32, #tpu.memory_space<vmem>> -> memref<25x128xf32, #tpu.memory_space<vmem>>
    tpu.enqueue_dma source(%dma_start3A_316 : memref<25x128xf32, #tpu.memory_space<vmem>>) target(%dma_start3A_313 : memref<25x128xf32, #tpu.memory_space<vmem_shared>>) target_semaphore(%arg16 : memref<!tpu.dma_semaphore, #tpu.memory_space<semaphore_mem>>)
    %mul3A_317 = arith.constant 625 : i32
    %mul3A_318 = arith.muli %arg1, %mul3A_317 : i32
    %add3A_319 = arith.constant 525 : i32
    %add3A_320 = arith.addi %mul3A_318, %add3A_319 : i32
    %dma_start3A_321 = arith.constant 0 : i32
    %dma_start3A_322 = arith.constant 0 : i32
    %dma_start3A_323 = tpu.memref_slice %arg11[%dma_start3A_321, %dma_start3A_322] : memref<80x128xf32, #tpu.memory_space<vmem>> -> memref<25x128xf32, #tpu.memory_space<vmem>>
    %dma_start3A_324 = arith.constant 0 : i32
    %dma_start3A_325 = tpu.memref_slice %arg12[%add3A_320, %dma_start3A_324] : memref<10000x128xf32, #tpu.memory_space<vmem_shared>> -> memref<25x128xf32, #tpu.memory_space<vmem_shared>>
    %dma_start3A_326 = arith.constant 0 : i32
    %dma_start3A_327 = tpu.memref_slice %arg12[%add3A_320, %dma_start3A_326] : memref<10000x128xf32, #tpu.memory_space<vmem_shared>> -> memref<25x128xf32, #tpu.memory_space<vmem_shared>>
    %dma_start3A_328 = arith.constant 0 : i32
    %dma_start3A_329 = arith.constant 0 : i32
    %dma_start3A_330 = tpu.memref_slice %arg11[%dma_start3A_328, %dma_start3A_329] : memref<80x128xf32, #tpu.memory_space<vmem>> -> memref<25x128xf32, #tpu.memory_space<vmem>>
    tpu.enqueue_dma source(%dma_start3A_330 : memref<25x128xf32, #tpu.memory_space<vmem>>) target(%dma_start3A_327 : memref<25x128xf32, #tpu.memory_space<vmem_shared>>) target_semaphore(%arg16 : memref<!tpu.dma_semaphore, #tpu.memory_space<semaphore_mem>>)
    %mul3A_331 = arith.constant 625 : i32
    %mul3A_332 = arith.muli %arg1, %mul3A_331 : i32
    %add3A_333 = arith.constant 550 : i32
    %add3A_334 = arith.addi %mul3A_332, %add3A_333 : i32
    %dma_start3A_335 = arith.constant 0 : i32
    %dma_start3A_336 = arith.constant 0 : i32
    %dma_start3A_337 = tpu.memref_slice %arg11[%dma_start3A_335, %dma_start3A_336] : memref<80x128xf32, #tpu.memory_space<vmem>> -> memref<25x128xf32, #tpu.memory_space<vmem>>
    %dma_start3A_338 = arith.constant 0 : i32
    %dma_start3A_339 = tpu.memref_slice %arg12[%add3A_334, %dma_start3A_338] : memref<10000x128xf32, #tpu.memory_space<vmem_shared>> -> memref<25x128xf32, #tpu.memory_space<vmem_shared>>
    %dma_start3A_340 = arith.constant 0 : i32
    %dma_start3A_341 = tpu.memref_slice %arg12[%add3A_334, %dma_start3A_340] : memref<10000x128xf32, #tpu.memory_space<vmem_shared>> -> memref<25x128xf32, #tpu.memory_space<vmem_shared>>
    %dma_start3A_342 = arith.constant 0 : i32
    %dma_start3A_343 = arith.constant 0 : i32
    %dma_start3A_344 = tpu.memref_slice %arg11[%dma_start3A_342, %dma_start3A_343] : memref<80x128xf32, #tpu.memory_space<vmem>> -> memref<25x128xf32, #tpu.memory_space<vmem>>
    tpu.enqueue_dma source(%dma_start3A_344 : memref<25x128xf32, #tpu.memory_space<vmem>>) target(%dma_start3A_341 : memref<25x128xf32, #tpu.memory_space<vmem_shared>>) target_semaphore(%arg16 : memref<!tpu.dma_semaphore, #tpu.memory_space<semaphore_mem>>)
    %mul3A_345 = arith.constant 625 : i32
    %mul3A_346 = arith.muli %arg1, %mul3A_345 : i32
    %add3A_347 = arith.constant 575 : i32
    %add3A_348 = arith.addi %mul3A_346, %add3A_347 : i32
    %dma_start3A_349 = arith.constant 0 : i32
    %dma_start3A_350 = arith.constant 0 : i32
    %dma_start3A_351 = tpu.memref_slice %arg11[%dma_start3A_349, %dma_start3A_350] : memref<80x128xf32, #tpu.memory_space<vmem>> -> memref<25x128xf32, #tpu.memory_space<vmem>>
    %dma_start3A_352 = arith.constant 0 : i32
    %dma_start3A_353 = tpu.memref_slice %arg12[%add3A_348, %dma_start3A_352] : memref<10000x128xf32, #tpu.memory_space<vmem_shared>> -> memref<25x128xf32, #tpu.memory_space<vmem_shared>>
    %dma_start3A_354 = arith.constant 0 : i32
    %dma_start3A_355 = tpu.memref_slice %arg12[%add3A_348, %dma_start3A_354] : memref<10000x128xf32, #tpu.memory_space<vmem_shared>> -> memref<25x128xf32, #tpu.memory_space<vmem_shared>>
    %dma_start3A_356 = arith.constant 0 : i32
    %dma_start3A_357 = arith.constant 0 : i32
    %dma_start3A_358 = tpu.memref_slice %arg11[%dma_start3A_356, %dma_start3A_357] : memref<80x128xf32, #tpu.memory_space<vmem>> -> memref<25x128xf32, #tpu.memory_space<vmem>>
    tpu.enqueue_dma source(%dma_start3A_358 : memref<25x128xf32, #tpu.memory_space<vmem>>) target(%dma_start3A_355 : memref<25x128xf32, #tpu.memory_space<vmem_shared>>) target_semaphore(%arg16 : memref<!tpu.dma_semaphore, #tpu.memory_space<semaphore_mem>>)
    %mul3A_359 = arith.constant 625 : i32
    %mul3A_360 = arith.muli %arg1, %mul3A_359 : i32
    %add3A_361 = arith.constant 600 : i32
    %add3A_362 = arith.addi %mul3A_360, %add3A_361 : i32
    %dma_start3A_363 = arith.constant 0 : i32
    %dma_start3A_364 = arith.constant 0 : i32
    %dma_start3A_365 = tpu.memref_slice %arg11[%dma_start3A_363, %dma_start3A_364] : memref<80x128xf32, #tpu.memory_space<vmem>> -> memref<25x128xf32, #tpu.memory_space<vmem>>
    %dma_start3A_366 = arith.constant 0 : i32
    %dma_start3A_367 = tpu.memref_slice %arg12[%add3A_362, %dma_start3A_366] : memref<10000x128xf32, #tpu.memory_space<vmem_shared>> -> memref<25x128xf32, #tpu.memory_space<vmem_shared>>
    %dma_start3A_368 = arith.constant 0 : i32
    %dma_start3A_369 = tpu.memref_slice %arg12[%add3A_362, %dma_start3A_368] : memref<10000x128xf32, #tpu.memory_space<vmem_shared>> -> memref<25x128xf32, #tpu.memory_space<vmem_shared>>
    %dma_start3A_370 = arith.constant 0 : i32
    %dma_start3A_371 = arith.constant 0 : i32
    %dma_start3A_372 = tpu.memref_slice %arg11[%dma_start3A_370, %dma_start3A_371] : memref<80x128xf32, #tpu.memory_space<vmem>> -> memref<25x128xf32, #tpu.memory_space<vmem>>
    tpu.enqueue_dma source(%dma_start3A_372 : memref<25x128xf32, #tpu.memory_space<vmem>>) target(%dma_start3A_369 : memref<25x128xf32, #tpu.memory_space<vmem_shared>>) target_semaphore(%arg16 : memref<!tpu.dma_semaphore, #tpu.memory_space<semaphore_mem>>)
    %mul3A_373 = arith.constant 625 : i32
    %mul3A_374 = arith.muli %arg1, %mul3A_373 : i32
    %dma_wait3A = arith.constant 0 : i32
    %dma_wait3A_375 = arith.constant 0 : i32
    %dma_wait3A_376 = tpu.memref_slice %arg11[%dma_wait3A, %dma_wait3A_375] : memref<80x128xf32, #tpu.memory_space<vmem>> -> memref<25x128xf32, #tpu.memory_space<vmem>>
    %dma_wait3A_377 = arith.constant 0 : i32
    %dma_wait3A_378 = tpu.memref_slice %arg12[%mul3A_374, %dma_wait3A_377] : memref<10000x128xf32, #tpu.memory_space<vmem_shared>> -> memref<25x128xf32, #tpu.memory_space<vmem_shared>>
    %dma_wait3A_379 = arith.constant 0 : i32
    %dma_wait3A_380 = tpu.memref_slice %arg12[%mul3A_374, %dma_wait3A_379] : memref<10000x128xf32, #tpu.memory_space<vmem_shared>> -> memref<25x128xf32, #tpu.memory_space<vmem_shared>>
    %dma_wait3A_381 = arith.constant 0 : i32
    %dma_wait3A_382 = arith.constant 0 : i32
    %dma_wait3A_383 = tpu.memref_slice %arg11[%dma_wait3A_381, %dma_wait3A_382] : memref<80x128xf32, #tpu.memory_space<vmem>> -> memref<25x128xf32, #tpu.memory_space<vmem>>
    tpu.wait_dma2 semaphore(%arg16 : memref<!tpu.dma_semaphore, #tpu.memory_space<semaphore_mem>>) src(%dma_wait3A_383 : memref<25x128xf32, #tpu.memory_space<vmem>>) dst(%dma_wait3A_380 : memref<25x128xf32, #tpu.memory_space<vmem_shared>>)
    %mul3A_384 = arith.constant 625 : i32
    %mul3A_385 = arith.muli %arg1, %mul3A_384 : i32
    %dma_wait3A_386 = arith.constant 0 : i32
    %dma_wait3A_387 = arith.constant 0 : i32
    %dma_wait3A_388 = tpu.memref_slice %arg11[%dma_wait3A_386, %dma_wait3A_387] : memref<80x128xf32, #tpu.memory_space<vmem>> -> memref<25x128xf32, #tpu.memory_space<vmem>>
    %dma_wait3A_389 = arith.constant 0 : i32
    %dma_wait3A_390 = tpu.memref_slice %arg12[%mul3A_385, %dma_wait3A_389] : memref<10000x128xf32, #tpu.memory_space<vmem_shared>> -> memref<25x128xf32, #tpu.memory_space<vmem_shared>>
    %dma_wait3A_391 = arith.constant 0 : i32
    %dma_wait3A_392 = tpu.memref_slice %arg12[%mul3A_385, %dma_wait3A_391] : memref<10000x128xf32, #tpu.memory_space<vmem_shared>> -> memref<25x128xf32, #tpu.memory_space<vmem_shared>>
    %dma_wait3A_393 = arith.constant 0 : i32
    %dma_wait3A_394 = arith.constant 0 : i32
    %dma_wait3A_395 = tpu.memref_slice %arg11[%dma_wait3A_393, %dma_wait3A_394] : memref<80x128xf32, #tpu.memory_space<vmem>> -> memref<25x128xf32, #tpu.memory_space<vmem>>
    tpu.wait_dma2 semaphore(%arg16 : memref<!tpu.dma_semaphore, #tpu.memory_space<semaphore_mem>>) src(%dma_wait3A_395 : memref<25x128xf32, #tpu.memory_space<vmem>>) dst(%dma_wait3A_392 : memref<25x128xf32, #tpu.memory_space<vmem_shared>>)
    %mul3A_396 = arith.constant 625 : i32
    %mul3A_397 = arith.muli %arg1, %mul3A_396 : i32
    %dma_wait3A_398 = arith.constant 0 : i32
    %dma_wait3A_399 = arith.constant 0 : i32
    %dma_wait3A_400 = tpu.memref_slice %arg11[%dma_wait3A_398, %dma_wait3A_399] : memref<80x128xf32, #tpu.memory_space<vmem>> -> memref<25x128xf32, #tpu.memory_space<vmem>>
    %dma_wait3A_401 = arith.constant 0 : i32
    %dma_wait3A_402 = tpu.memref_slice %arg12[%mul3A_397, %dma_wait3A_401] : memref<10000x128xf32, #tpu.memory_space<vmem_shared>> -> memref<25x128xf32, #tpu.memory_space<vmem_shared>>
    %dma_wait3A_403 = arith.constant 0 : i32
    %dma_wait3A_404 = tpu.memref_slice %arg12[%mul3A_397, %dma_wait3A_403] : memref<10000x128xf32, #tpu.memory_space<vmem_shared>> -> memref<25x128xf32, #tpu.memory_space<vmem_shared>>
    %dma_wait3A_405 = arith.constant 0 : i32
    %dma_wait3A_406 = arith.constant 0 : i32
    %dma_wait3A_407 = tpu.memref_slice %arg11[%dma_wait3A_405, %dma_wait3A_406] : memref<80x128xf32, #tpu.memory_space<vmem>> -> memref<25x128xf32, #tpu.memory_space<vmem>>
    tpu.wait_dma2 semaphore(%arg16 : memref<!tpu.dma_semaphore, #tpu.memory_space<semaphore_mem>>) src(%dma_wait3A_407 : memref<25x128xf32, #tpu.memory_space<vmem>>) dst(%dma_wait3A_404 : memref<25x128xf32, #tpu.memory_space<vmem_shared>>)
    %mul3A_408 = arith.constant 625 : i32
    %mul3A_409 = arith.muli %arg1, %mul3A_408 : i32
    %dma_wait3A_410 = arith.constant 0 : i32
    %dma_wait3A_411 = arith.constant 0 : i32
    %dma_wait3A_412 = tpu.memref_slice %arg11[%dma_wait3A_410, %dma_wait3A_411] : memref<80x128xf32, #tpu.memory_space<vmem>> -> memref<25x128xf32, #tpu.memory_space<vmem>>
    %dma_wait3A_413 = arith.constant 0 : i32
    %dma_wait3A_414 = tpu.memref_slice %arg12[%mul3A_409, %dma_wait3A_413] : memref<10000x128xf32, #tpu.memory_space<vmem_shared>> -> memref<25x128xf32, #tpu.memory_space<vmem_shared>>
    %dma_wait3A_415 = arith.constant 0 : i32
    %dma_wait3A_416 = tpu.memref_slice %arg12[%mul3A_409, %dma_wait3A_415] : memref<10000x128xf32, #tpu.memory_space<vmem_shared>> -> memref<25x128xf32, #tpu.memory_space<vmem_shared>>
    %dma_wait3A_417 = arith.constant 0 : i32
    %dma_wait3A_418 = arith.constant 0 : i32
    %dma_wait3A_419 = tpu.memref_slice %arg11[%dma_wait3A_417, %dma_wait3A_418] : memref<80x128xf32, #tpu.memory_space<vmem>> -> memref<25x128xf32, #tpu.memory_space<vmem>>
    tpu.wait_dma2 semaphore(%arg16 : memref<!tpu.dma_semaphore, #tpu.memory_space<semaphore_mem>>) src(%dma_wait3A_419 : memref<25x128xf32, #tpu.memory_space<vmem>>) dst(%dma_wait3A_416 : memref<25x128xf32, #tpu.memory_space<vmem_shared>>)
    %mul3A_420 = arith.constant 625 : i32
    %mul3A_421 = arith.muli %arg1, %mul3A_420 : i32
    %dma_wait3A_422 = arith.constant 0 : i32
    %dma_wait3A_423 = arith.constant 0 : i32
    %dma_wait3A_424 = tpu.memref_slice %arg11[%dma_wait3A_422, %dma_wait3A_423] : memref<80x128xf32, #tpu.memory_space<vmem>> -> memref<25x128xf32, #tpu.memory_space<vmem>>
    %dma_wait3A_425 = arith.constant 0 : i32
    %dma_wait3A_426 = tpu.memref_slice %arg12[%mul3A_421, %dma_wait3A_425] : memref<10000x128xf32, #tpu.memory_space<vmem_shared>> -> memref<25x128xf32, #tpu.memory_space<vmem_shared>>
    %dma_wait3A_427 = arith.constant 0 : i32
    %dma_wait3A_428 = tpu.memref_slice %arg12[%mul3A_421, %dma_wait3A_427] : memref<10000x128xf32, #tpu.memory_space<vmem_shared>> -> memref<25x128xf32, #tpu.memory_space<vmem_shared>>
    %dma_wait3A_429 = arith.constant 0 : i32
    %dma_wait3A_430 = arith.constant 0 : i32
    %dma_wait3A_431 = tpu.memref_slice %arg11[%dma_wait3A_429, %dma_wait3A_430] : memref<80x128xf32, #tpu.memory_space<vmem>> -> memref<25x128xf32, #tpu.memory_space<vmem>>
    tpu.wait_dma2 semaphore(%arg16 : memref<!tpu.dma_semaphore, #tpu.memory_space<semaphore_mem>>) src(%dma_wait3A_431 : memref<25x128xf32, #tpu.memory_space<vmem>>) dst(%dma_wait3A_428 : memref<25x128xf32, #tpu.memory_space<vmem_shared>>)
    %mul3A_432 = arith.constant 625 : i32
    %mul3A_433 = arith.muli %arg1, %mul3A_432 : i32
    %dma_wait3A_434 = arith.constant 0 : i32
    %dma_wait3A_435 = arith.constant 0 : i32
    %dma_wait3A_436 = tpu.memref_slice %arg11[%dma_wait3A_434, %dma_wait3A_435] : memref<80x128xf32, #tpu.memory_space<vmem>> -> memref<25x128xf32, #tpu.memory_space<vmem>>
    %dma_wait3A_437 = arith.constant 0 : i32
    %dma_wait3A_438 = tpu.memref_slice %arg12[%mul3A_433, %dma_wait3A_437] : memref<10000x128xf32, #tpu.memory_space<vmem_shared>> -> memref<25x128xf32, #tpu.memory_space<vmem_shared>>
    %dma_wait3A_439 = arith.constant 0 : i32
    %dma_wait3A_440 = tpu.memref_slice %arg12[%mul3A_433, %dma_wait3A_439] : memref<10000x128xf32, #tpu.memory_space<vmem_shared>> -> memref<25x128xf32, #tpu.memory_space<vmem_shared>>
    %dma_wait3A_441 = arith.constant 0 : i32
    %dma_wait3A_442 = arith.constant 0 : i32
    %dma_wait3A_443 = tpu.memref_slice %arg11[%dma_wait3A_441, %dma_wait3A_442] : memref<80x128xf32, #tpu.memory_space<vmem>> -> memref<25x128xf32, #tpu.memory_space<vmem>>
    tpu.wait_dma2 semaphore(%arg16 : memref<!tpu.dma_semaphore, #tpu.memory_space<semaphore_mem>>) src(%dma_wait3A_443 : memref<25x128xf32, #tpu.memory_space<vmem>>) dst(%dma_wait3A_440 : memref<25x128xf32, #tpu.memory_space<vmem_shared>>)
    %mul3A_444 = arith.constant 625 : i32
    %mul3A_445 = arith.muli %arg1, %mul3A_444 : i32
    %dma_wait3A_446 = arith.constant 0 : i32
    %dma_wait3A_447 = arith.constant 0 : i32
    %dma_wait3A_448 = tpu.memref_slice %arg11[%dma_wait3A_446, %dma_wait3A_447] : memref<80x128xf32, #tpu.memory_space<vmem>> -> memref<25x128xf32, #tpu.memory_space<vmem>>
    %dma_wait3A_449 = arith.constant 0 : i32
    %dma_wait3A_450 = tpu.memref_slice %arg12[%mul3A_445, %dma_wait3A_449] : memref<10000x128xf32, #tpu.memory_space<vmem_shared>> -> memref<25x128xf32, #tpu.memory_space<vmem_shared>>
    %dma_wait3A_451 = arith.constant 0 : i32
    %dma_wait3A_452 = tpu.memref_slice %arg12[%mul3A_445, %dma_wait3A_451] : memref<10000x128xf32, #tpu.memory_space<vmem_shared>> -> memref<25x128xf32, #tpu.memory_space<vmem_shared>>
    %dma_wait3A_453 = arith.constant 0 : i32
    %dma_wait3A_454 = arith.constant 0 : i32
    %dma_wait3A_455 = tpu.memref_slice %arg11[%dma_wait3A_453, %dma_wait3A_454] : memref<80x128xf32, #tpu.memory_space<vmem>> -> memref<25x128xf32, #tpu.memory_space<vmem>>
    tpu.wait_dma2 semaphore(%arg16 : memref<!tpu.dma_semaphore, #tpu.memory_space<semaphore_mem>>) src(%dma_wait3A_455 : memref<25x128xf32, #tpu.memory_space<vmem>>) dst(%dma_wait3A_452 : memref<25x128xf32, #tpu.memory_space<vmem_shared>>)
    %mul3A_456 = arith.constant 625 : i32
    %mul3A_457 = arith.muli %arg1, %mul3A_456 : i32
    %dma_wait3A_458 = arith.constant 0 : i32
    %dma_wait3A_459 = arith.constant 0 : i32
    %dma_wait3A_460 = tpu.memref_slice %arg11[%dma_wait3A_458, %dma_wait3A_459] : memref<80x128xf32, #tpu.memory_space<vmem>> -> memref<25x128xf32, #tpu.memory_space<vmem>>
    %dma_wait3A_461 = arith.constant 0 : i32
    %dma_wait3A_462 = tpu.memref_slice %arg12[%mul3A_457, %dma_wait3A_461] : memref<10000x128xf32, #tpu.memory_space<vmem_shared>> -> memref<25x128xf32, #tpu.memory_space<vmem_shared>>
    %dma_wait3A_463 = arith.constant 0 : i32
    %dma_wait3A_464 = tpu.memref_slice %arg12[%mul3A_457, %dma_wait3A_463] : memref<10000x128xf32, #tpu.memory_space<vmem_shared>> -> memref<25x128xf32, #tpu.memory_space<vmem_shared>>
    %dma_wait3A_465 = arith.constant 0 : i32
    %dma_wait3A_466 = arith.constant 0 : i32
    %dma_wait3A_467 = tpu.memref_slice %arg11[%dma_wait3A_465, %dma_wait3A_466] : memref<80x128xf32, #tpu.memory_space<vmem>> -> memref<25x128xf32, #tpu.memory_space<vmem>>
    tpu.wait_dma2 semaphore(%arg16 : memref<!tpu.dma_semaphore, #tpu.memory_space<semaphore_mem>>) src(%dma_wait3A_467 : memref<25x128xf32, #tpu.memory_space<vmem>>) dst(%dma_wait3A_464 : memref<25x128xf32, #tpu.memory_space<vmem_shared>>)
    %mul3A_468 = arith.constant 625 : i32
    %mul3A_469 = arith.muli %arg1, %mul3A_468 : i32
    %dma_wait3A_470 = arith.constant 0 : i32
    %dma_wait3A_471 = arith.constant 0 : i32
    %dma_wait3A_472 = tpu.memref_slice %arg11[%dma_wait3A_470, %dma_wait3A_471] : memref<80x128xf32, #tpu.memory_space<vmem>> -> memref<25x128xf32, #tpu.memory_space<vmem>>
    %dma_wait3A_473 = arith.constant 0 : i32
    %dma_wait3A_474 = tpu.memref_slice %arg12[%mul3A_469, %dma_wait3A_473] : memref<10000x128xf32, #tpu.memory_space<vmem_shared>> -> memref<25x128xf32, #tpu.memory_space<vmem_shared>>
    %dma_wait3A_475 = arith.constant 0 : i32
    %dma_wait3A_476 = tpu.memref_slice %arg12[%mul3A_469, %dma_wait3A_475] : memref<10000x128xf32, #tpu.memory_space<vmem_shared>> -> memref<25x128xf32, #tpu.memory_space<vmem_shared>>
    %dma_wait3A_477 = arith.constant 0 : i32
    %dma_wait3A_478 = arith.constant 0 : i32
    %dma_wait3A_479 = tpu.memref_slice %arg11[%dma_wait3A_477, %dma_wait3A_478] : memref<80x128xf32, #tpu.memory_space<vmem>> -> memref<25x128xf32, #tpu.memory_space<vmem>>
    tpu.wait_dma2 semaphore(%arg16 : memref<!tpu.dma_semaphore, #tpu.memory_space<semaphore_mem>>) src(%dma_wait3A_479 : memref<25x128xf32, #tpu.memory_space<vmem>>) dst(%dma_wait3A_476 : memref<25x128xf32, #tpu.memory_space<vmem_shared>>)
    %mul3A_480 = arith.constant 625 : i32
    %mul3A_481 = arith.muli %arg1, %mul3A_480 : i32
    %dma_wait3A_482 = arith.constant 0 : i32
    %dma_wait3A_483 = arith.constant 0 : i32
    %dma_wait3A_484 = tpu.memref_slice %arg11[%dma_wait3A_482, %dma_wait3A_483] : memref<80x128xf32, #tpu.memory_space<vmem>> -> memref<25x128xf32, #tpu.memory_space<vmem>>
    %dma_wait3A_485 = arith.constant 0 : i32
    %dma_wait3A_486 = tpu.memref_slice %arg12[%mul3A_481, %dma_wait3A_485] : memref<10000x128xf32, #tpu.memory_space<vmem_shared>> -> memref<25x128xf32, #tpu.memory_space<vmem_shared>>
    %dma_wait3A_487 = arith.constant 0 : i32
    %dma_wait3A_488 = tpu.memref_slice %arg12[%mul3A_481, %dma_wait3A_487] : memref<10000x128xf32, #tpu.memory_space<vmem_shared>> -> memref<25x128xf32, #tpu.memory_space<vmem_shared>>
    %dma_wait3A_489 = arith.constant 0 : i32
    %dma_wait3A_490 = arith.constant 0 : i32
    %dma_wait3A_491 = tpu.memref_slice %arg11[%dma_wait3A_489, %dma_wait3A_490] : memref<80x128xf32, #tpu.memory_space<vmem>> -> memref<25x128xf32, #tpu.memory_space<vmem>>
    tpu.wait_dma2 semaphore(%arg16 : memref<!tpu.dma_semaphore, #tpu.memory_space<semaphore_mem>>) src(%dma_wait3A_491 : memref<25x128xf32, #tpu.memory_space<vmem>>) dst(%dma_wait3A_488 : memref<25x128xf32, #tpu.memory_space<vmem_shared>>)
    %mul3A_492 = arith.constant 625 : i32
    %mul3A_493 = arith.muli %arg1, %mul3A_492 : i32
    %dma_wait3A_494 = arith.constant 0 : i32
    %dma_wait3A_495 = arith.constant 0 : i32
    %dma_wait3A_496 = tpu.memref_slice %arg11[%dma_wait3A_494, %dma_wait3A_495] : memref<80x128xf32, #tpu.memory_space<vmem>> -> memref<25x128xf32, #tpu.memory_space<vmem>>
    %dma_wait3A_497 = arith.constant 0 : i32
    %dma_wait3A_498 = tpu.memref_slice %arg12[%mul3A_493, %dma_wait3A_497] : memref<10000x128xf32, #tpu.memory_space<vmem_shared>> -> memref<25x128xf32, #tpu.memory_space<vmem_shared>>
    %dma_wait3A_499 = arith.constant 0 : i32
    %dma_wait3A_500 = tpu.memref_slice %arg12[%mul3A_493, %dma_wait3A_499] : memref<10000x128xf32, #tpu.memory_space<vmem_shared>> -> memref<25x128xf32, #tpu.memory_space<vmem_shared>>
    %dma_wait3A_501 = arith.constant 0 : i32
    %dma_wait3A_502 = arith.constant 0 : i32
    %dma_wait3A_503 = tpu.memref_slice %arg11[%dma_wait3A_501, %dma_wait3A_502] : memref<80x128xf32, #tpu.memory_space<vmem>> -> memref<25x128xf32, #tpu.memory_space<vmem>>
    tpu.wait_dma2 semaphore(%arg16 : memref<!tpu.dma_semaphore, #tpu.memory_space<semaphore_mem>>) src(%dma_wait3A_503 : memref<25x128xf32, #tpu.memory_space<vmem>>) dst(%dma_wait3A_500 : memref<25x128xf32, #tpu.memory_space<vmem_shared>>)
    %mul3A_504 = arith.constant 625 : i32
    %mul3A_505 = arith.muli %arg1, %mul3A_504 : i32
    %dma_wait3A_506 = arith.constant 0 : i32
    %dma_wait3A_507 = arith.constant 0 : i32
    %dma_wait3A_508 = tpu.memref_slice %arg11[%dma_wait3A_506, %dma_wait3A_507] : memref<80x128xf32, #tpu.memory_space<vmem>> -> memref<25x128xf32, #tpu.memory_space<vmem>>
    %dma_wait3A_509 = arith.constant 0 : i32
    %dma_wait3A_510 = tpu.memref_slice %arg12[%mul3A_505, %dma_wait3A_509] : memref<10000x128xf32, #tpu.memory_space<vmem_shared>> -> memref<25x128xf32, #tpu.memory_space<vmem_shared>>
    %dma_wait3A_511 = arith.constant 0 : i32
    %dma_wait3A_512 = tpu.memref_slice %arg12[%mul3A_505, %dma_wait3A_511] : memref<10000x128xf32, #tpu.memory_space<vmem_shared>> -> memref<25x128xf32, #tpu.memory_space<vmem_shared>>
    %dma_wait3A_513 = arith.constant 0 : i32
    %dma_wait3A_514 = arith.constant 0 : i32
    %dma_wait3A_515 = tpu.memref_slice %arg11[%dma_wait3A_513, %dma_wait3A_514] : memref<80x128xf32, #tpu.memory_space<vmem>> -> memref<25x128xf32, #tpu.memory_space<vmem>>
    tpu.wait_dma2 semaphore(%arg16 : memref<!tpu.dma_semaphore, #tpu.memory_space<semaphore_mem>>) src(%dma_wait3A_515 : memref<25x128xf32, #tpu.memory_space<vmem>>) dst(%dma_wait3A_512 : memref<25x128xf32, #tpu.memory_space<vmem_shared>>)
    %mul3A_516 = arith.constant 625 : i32
    %mul3A_517 = arith.muli %arg1, %mul3A_516 : i32
    %dma_wait3A_518 = arith.constant 0 : i32
    %dma_wait3A_519 = arith.constant 0 : i32
    %dma_wait3A_520 = tpu.memref_slice %arg11[%dma_wait3A_518, %dma_wait3A_519] : memref<80x128xf32, #tpu.memory_space<vmem>> -> memref<25x128xf32, #tpu.memory_space<vmem>>
    %dma_wait3A_521 = arith.constant 0 : i32
    %dma_wait3A_522 = tpu.memref_slice %arg12[%mul3A_517, %dma_wait3A_521] : memref<10000x128xf32, #tpu.memory_space<vmem_shared>> -> memref<25x128xf32, #tpu.memory_space<vmem_shared>>
    %dma_wait3A_523 = arith.constant 0 : i32
    %dma_wait3A_524 = tpu.memref_slice %arg12[%mul3A_517, %dma_wait3A_523] : memref<10000x128xf32, #tpu.memory_space<vmem_shared>> -> memref<25x128xf32, #tpu.memory_space<vmem_shared>>
    %dma_wait3A_525 = arith.constant 0 : i32
    %dma_wait3A_526 = arith.constant 0 : i32
    %dma_wait3A_527 = tpu.memref_slice %arg11[%dma_wait3A_525, %dma_wait3A_526] : memref<80x128xf32, #tpu.memory_space<vmem>> -> memref<25x128xf32, #tpu.memory_space<vmem>>
    tpu.wait_dma2 semaphore(%arg16 : memref<!tpu.dma_semaphore, #tpu.memory_space<semaphore_mem>>) src(%dma_wait3A_527 : memref<25x128xf32, #tpu.memory_space<vmem>>) dst(%dma_wait3A_524 : memref<25x128xf32, #tpu.memory_space<vmem_shared>>)
    %mul3A_528 = arith.constant 625 : i32
    %mul3A_529 = arith.muli %arg1, %mul3A_528 : i32
    %dma_wait3A_530 = arith.constant 0 : i32
    %dma_wait3A_531 = arith.constant 0 : i32
    %dma_wait3A_532 = tpu.memref_slice %arg11[%dma_wait3A_530, %dma_wait3A_531] : memref<80x128xf32, #tpu.memory_space<vmem>> -> memref<25x128xf32, #tpu.memory_space<vmem>>
    %dma_wait3A_533 = arith.constant 0 : i32
    %dma_wait3A_534 = tpu.memref_slice %arg12[%mul3A_529, %dma_wait3A_533] : memref<10000x128xf32, #tpu.memory_space<vmem_shared>> -> memref<25x128xf32, #tpu.memory_space<vmem_shared>>
    %dma_wait3A_535 = arith.constant 0 : i32
    %dma_wait3A_536 = tpu.memref_slice %arg12[%mul3A_529, %dma_wait3A_535] : memref<10000x128xf32, #tpu.memory_space<vmem_shared>> -> memref<25x128xf32, #tpu.memory_space<vmem_shared>>
    %dma_wait3A_537 = arith.constant 0 : i32
    %dma_wait3A_538 = arith.constant 0 : i32
    %dma_wait3A_539 = tpu.memref_slice %arg11[%dma_wait3A_537, %dma_wait3A_538] : memref<80x128xf32, #tpu.memory_space<vmem>> -> memref<25x128xf32, #tpu.memory_space<vmem>>
    tpu.wait_dma2 semaphore(%arg16 : memref<!tpu.dma_semaphore, #tpu.memory_space<semaphore_mem>>) src(%dma_wait3A_539 : memref<25x128xf32, #tpu.memory_space<vmem>>) dst(%dma_wait3A_536 : memref<25x128xf32, #tpu.memory_space<vmem_shared>>)
    %mul3A_540 = arith.constant 625 : i32
    %mul3A_541 = arith.muli %arg1, %mul3A_540 : i32
    %dma_wait3A_542 = arith.constant 0 : i32
    %dma_wait3A_543 = arith.constant 0 : i32
    %dma_wait3A_544 = tpu.memref_slice %arg11[%dma_wait3A_542, %dma_wait3A_543] : memref<80x128xf32, #tpu.memory_space<vmem>> -> memref<25x128xf32, #tpu.memory_space<vmem>>
    %dma_wait3A_545 = arith.constant 0 : i32
    %dma_wait3A_546 = tpu.memref_slice %arg12[%mul3A_541, %dma_wait3A_545] : memref<10000x128xf32, #tpu.memory_space<vmem_shared>> -> memref<25x128xf32, #tpu.memory_space<vmem_shared>>
    %dma_wait3A_547 = arith.constant 0 : i32
    %dma_wait3A_548 = tpu.memref_slice %arg12[%mul3A_541, %dma_wait3A_547] : memref<10000x128xf32, #tpu.memory_space<vmem_shared>> -> memref<25x128xf32, #tpu.memory_space<vmem_shared>>
    %dma_wait3A_549 = arith.constant 0 : i32
    %dma_wait3A_550 = arith.constant 0 : i32
    %dma_wait3A_551 = tpu.memref_slice %arg11[%dma_wait3A_549, %dma_wait3A_550] : memref<80x128xf32, #tpu.memory_space<vmem>> -> memref<25x128xf32, #tpu.memory_space<vmem>>
    tpu.wait_dma2 semaphore(%arg16 : memref<!tpu.dma_semaphore, #tpu.memory_space<semaphore_mem>>) src(%dma_wait3A_551 : memref<25x128xf32, #tpu.memory_space<vmem>>) dst(%dma_wait3A_548 : memref<25x128xf32, #tpu.memory_space<vmem_shared>>)
    %mul3A_552 = arith.constant 625 : i32
    %mul3A_553 = arith.muli %arg1, %mul3A_552 : i32
    %dma_wait3A_554 = arith.constant 0 : i32
    %dma_wait3A_555 = arith.constant 0 : i32
    %dma_wait3A_556 = tpu.memref_slice %arg11[%dma_wait3A_554, %dma_wait3A_555] : memref<80x128xf32, #tpu.memory_space<vmem>> -> memref<25x128xf32, #tpu.memory_space<vmem>>
    %dma_wait3A_557 = arith.constant 0 : i32
    %dma_wait3A_558 = tpu.memref_slice %arg12[%mul3A_553, %dma_wait3A_557] : memref<10000x128xf32, #tpu.memory_space<vmem_shared>> -> memref<25x128xf32, #tpu.memory_space<vmem_shared>>
    %dma_wait3A_559 = arith.constant 0 : i32
    %dma_wait3A_560 = tpu.memref_slice %arg12[%mul3A_553, %dma_wait3A_559] : memref<10000x128xf32, #tpu.memory_space<vmem_shared>> -> memref<25x128xf32, #tpu.memory_space<vmem_shared>>
    %dma_wait3A_561 = arith.constant 0 : i32
    %dma_wait3A_562 = arith.constant 0 : i32
    %dma_wait3A_563 = tpu.memref_slice %arg11[%dma_wait3A_561, %dma_wait3A_562] : memref<80x128xf32, #tpu.memory_space<vmem>> -> memref<25x128xf32, #tpu.memory_space<vmem>>
    tpu.wait_dma2 semaphore(%arg16 : memref<!tpu.dma_semaphore, #tpu.memory_space<semaphore_mem>>) src(%dma_wait3A_563 : memref<25x128xf32, #tpu.memory_space<vmem>>) dst(%dma_wait3A_560 : memref<25x128xf32, #tpu.memory_space<vmem_shared>>)
    %mul3A_564 = arith.constant 625 : i32
    %mul3A_565 = arith.muli %arg1, %mul3A_564 : i32
    %dma_wait3A_566 = arith.constant 0 : i32
    %dma_wait3A_567 = arith.constant 0 : i32
    %dma_wait3A_568 = tpu.memref_slice %arg11[%dma_wait3A_566, %dma_wait3A_567] : memref<80x128xf32, #tpu.memory_space<vmem>> -> memref<25x128xf32, #tpu.memory_space<vmem>>
    %dma_wait3A_569 = arith.constant 0 : i32
    %dma_wait3A_570 = tpu.memref_slice %arg12[%mul3A_565, %dma_wait3A_569] : memref<10000x128xf32, #tpu.memory_space<vmem_shared>> -> memref<25x128xf32, #tpu.memory_space<vmem_shared>>
    %dma_wait3A_571 = arith.constant 0 : i32
    %dma_wait3A_572 = tpu.memref_slice %arg12[%mul3A_565, %dma_wait3A_571] : memref<10000x128xf32, #tpu.memory_space<vmem_shared>> -> memref<25x128xf32, #tpu.memory_space<vmem_shared>>
    %dma_wait3A_573 = arith.constant 0 : i32
    %dma_wait3A_574 = arith.constant 0 : i32
    %dma_wait3A_575 = tpu.memref_slice %arg11[%dma_wait3A_573, %dma_wait3A_574] : memref<80x128xf32, #tpu.memory_space<vmem>> -> memref<25x128xf32, #tpu.memory_space<vmem>>
    tpu.wait_dma2 semaphore(%arg16 : memref<!tpu.dma_semaphore, #tpu.memory_space<semaphore_mem>>) src(%dma_wait3A_575 : memref<25x128xf32, #tpu.memory_space<vmem>>) dst(%dma_wait3A_572 : memref<25x128xf32, #tpu.memory_space<vmem_shared>>)
    %mul3A_576 = arith.constant 625 : i32
    %mul3A_577 = arith.muli %arg1, %mul3A_576 : i32
    %dma_wait3A_578 = arith.constant 0 : i32
    %dma_wait3A_579 = arith.constant 0 : i32
    %dma_wait3A_580 = tpu.memref_slice %arg11[%dma_wait3A_578, %dma_wait3A_579] : memref<80x128xf32, #tpu.memory_space<vmem>> -> memref<25x128xf32, #tpu.memory_space<vmem>>
    %dma_wait3A_581 = arith.constant 0 : i32
    %dma_wait3A_582 = tpu.memref_slice %arg12[%mul3A_577, %dma_wait3A_581] : memref<10000x128xf32, #tpu.memory_space<vmem_shared>> -> memref<25x128xf32, #tpu.memory_space<vmem_shared>>
    %dma_wait3A_583 = arith.constant 0 : i32
    %dma_wait3A_584 = tpu.memref_slice %arg12[%mul3A_577, %dma_wait3A_583] : memref<10000x128xf32, #tpu.memory_space<vmem_shared>> -> memref<25x128xf32, #tpu.memory_space<vmem_shared>>
    %dma_wait3A_585 = arith.constant 0 : i32
    %dma_wait3A_586 = arith.constant 0 : i32
    %dma_wait3A_587 = tpu.memref_slice %arg11[%dma_wait3A_585, %dma_wait3A_586] : memref<80x128xf32, #tpu.memory_space<vmem>> -> memref<25x128xf32, #tpu.memory_space<vmem>>
    tpu.wait_dma2 semaphore(%arg16 : memref<!tpu.dma_semaphore, #tpu.memory_space<semaphore_mem>>) src(%dma_wait3A_587 : memref<25x128xf32, #tpu.memory_space<vmem>>) dst(%dma_wait3A_584 : memref<25x128xf32, #tpu.memory_space<vmem_shared>>)
    %mul3A_588 = arith.constant 625 : i32
    %mul3A_589 = arith.muli %arg1, %mul3A_588 : i32
    %dma_wait3A_590 = arith.constant 0 : i32
    %dma_wait3A_591 = arith.constant 0 : i32
    %dma_wait3A_592 = tpu.memref_slice %arg11[%dma_wait3A_590, %dma_wait3A_591] : memref<80x128xf32, #tpu.memory_space<vmem>> -> memref<25x128xf32, #tpu.memory_space<vmem>>
    %dma_wait3A_593 = arith.constant 0 : i32
    %dma_wait3A_594 = tpu.memref_slice %arg12[%mul3A_589, %dma_wait3A_593] : memref<10000x128xf32, #tpu.memory_space<vmem_shared>> -> memref<25x128xf32, #tpu.memory_space<vmem_shared>>
    %dma_wait3A_595 = arith.constant 0 : i32
    %dma_wait3A_596 = tpu.memref_slice %arg12[%mul3A_589, %dma_wait3A_595] : memref<10000x128xf32, #tpu.memory_space<vmem_shared>> -> memref<25x128xf32, #tpu.memory_space<vmem_shared>>
    %dma_wait3A_597 = arith.constant 0 : i32
    %dma_wait3A_598 = arith.constant 0 : i32
    %dma_wait3A_599 = tpu.memref_slice %arg11[%dma_wait3A_597, %dma_wait3A_598] : memref<80x128xf32, #tpu.memory_space<vmem>> -> memref<25x128xf32, #tpu.memory_space<vmem>>
    tpu.wait_dma2 semaphore(%arg16 : memref<!tpu.dma_semaphore, #tpu.memory_space<semaphore_mem>>) src(%dma_wait3A_599 : memref<25x128xf32, #tpu.memory_space<vmem>>) dst(%dma_wait3A_596 : memref<25x128xf32, #tpu.memory_space<vmem_shared>>)
    %mul3A_600 = arith.constant 625 : i32
    %mul3A_601 = arith.muli %arg1, %mul3A_600 : i32
    %dma_wait3A_602 = arith.constant 0 : i32
    %dma_wait3A_603 = arith.constant 0 : i32
    %dma_wait3A_604 = tpu.memref_slice %arg11[%dma_wait3A_602, %dma_wait3A_603] : memref<80x128xf32, #tpu.memory_space<vmem>> -> memref<25x128xf32, #tpu.memory_space<vmem>>
    %dma_wait3A_605 = arith.constant 0 : i32
    %dma_wait3A_606 = tpu.memref_slice %arg12[%mul3A_601, %dma_wait3A_605] : memref<10000x128xf32, #tpu.memory_space<vmem_shared>> -> memref<25x128xf32, #tpu.memory_space<vmem_shared>>
    %dma_wait3A_607 = arith.constant 0 : i32
    %dma_wait3A_608 = tpu.memref_slice %arg12[%mul3A_601, %dma_wait3A_607] : memref<10000x128xf32, #tpu.memory_space<vmem_shared>> -> memref<25x128xf32, #tpu.memory_space<vmem_shared>>
    %dma_wait3A_609 = arith.constant 0 : i32
    %dma_wait3A_610 = arith.constant 0 : i32
    %dma_wait3A_611 = tpu.memref_slice %arg11[%dma_wait3A_609, %dma_wait3A_610] : memref<80x128xf32, #tpu.memory_space<vmem>> -> memref<25x128xf32, #tpu.memory_space<vmem>>
    tpu.wait_dma2 semaphore(%arg16 : memref<!tpu.dma_semaphore, #tpu.memory_space<semaphore_mem>>) src(%dma_wait3A_611 : memref<25x128xf32, #tpu.memory_space<vmem>>) dst(%dma_wait3A_608 : memref<25x128xf32, #tpu.memory_space<vmem_shared>>)
    %mul3A_612 = arith.constant 625 : i32
    %mul3A_613 = arith.muli %arg1, %mul3A_612 : i32
    %dma_wait3A_614 = arith.constant 0 : i32
    %dma_wait3A_615 = arith.constant 0 : i32
    %dma_wait3A_616 = tpu.memref_slice %arg11[%dma_wait3A_614, %dma_wait3A_615] : memref<80x128xf32, #tpu.memory_space<vmem>> -> memref<25x128xf32, #tpu.memory_space<vmem>>
    %dma_wait3A_617 = arith.constant 0 : i32
    %dma_wait3A_618 = tpu.memref_slice %arg12[%mul3A_613, %dma_wait3A_617] : memref<10000x128xf32, #tpu.memory_space<vmem_shared>> -> memref<25x128xf32, #tpu.memory_space<vmem_shared>>
    %dma_wait3A_619 = arith.constant 0 : i32
    %dma_wait3A_620 = tpu.memref_slice %arg12[%mul3A_613, %dma_wait3A_619] : memref<10000x128xf32, #tpu.memory_space<vmem_shared>> -> memref<25x128xf32, #tpu.memory_space<vmem_shared>>
    %dma_wait3A_621 = arith.constant 0 : i32
    %dma_wait3A_622 = arith.constant 0 : i32
    %dma_wait3A_623 = tpu.memref_slice %arg11[%dma_wait3A_621, %dma_wait3A_622] : memref<80x128xf32, #tpu.memory_space<vmem>> -> memref<25x128xf32, #tpu.memory_space<vmem>>
    tpu.wait_dma2 semaphore(%arg16 : memref<!tpu.dma_semaphore, #tpu.memory_space<semaphore_mem>>) src(%dma_wait3A_623 : memref<25x128xf32, #tpu.memory_space<vmem>>) dst(%dma_wait3A_620 : memref<25x128xf32, #tpu.memory_space<vmem_shared>>)
    %mul3A_624 = arith.constant 625 : i32
    %mul3A_625 = arith.muli %arg1, %mul3A_624 : i32
    %dma_wait3A_626 = arith.constant 0 : i32
    %dma_wait3A_627 = arith.constant 0 : i32
    %dma_wait3A_628 = tpu.memref_slice %arg11[%dma_wait3A_626, %dma_wait3A_627] : memref<80x128xf32, #tpu.memory_space<vmem>> -> memref<25x128xf32, #tpu.memory_space<vmem>>
    %dma_wait3A_629 = arith.constant 0 : i32
    %dma_wait3A_630 = tpu.memref_slice %arg12[%mul3A_625, %dma_wait3A_629] : memref<10000x128xf32, #tpu.memory_space<vmem_shared>> -> memref<25x128xf32, #tpu.memory_space<vmem_shared>>
    %dma_wait3A_631 = arith.constant 0 : i32
    %dma_wait3A_632 = tpu.memref_slice %arg12[%mul3A_625, %dma_wait3A_631] : memref<10000x128xf32, #tpu.memory_space<vmem_shared>> -> memref<25x128xf32, #tpu.memory_space<vmem_shared>>
    %dma_wait3A_633 = arith.constant 0 : i32
    %dma_wait3A_634 = arith.constant 0 : i32
    %dma_wait3A_635 = tpu.memref_slice %arg11[%dma_wait3A_633, %dma_wait3A_634] : memref<80x128xf32, #tpu.memory_space<vmem>> -> memref<25x128xf32, #tpu.memory_space<vmem>>
    tpu.wait_dma2 semaphore(%arg16 : memref<!tpu.dma_semaphore, #tpu.memory_space<semaphore_mem>>) src(%dma_wait3A_635 : memref<25x128xf32, #tpu.memory_space<vmem>>) dst(%dma_wait3A_632 : memref<25x128xf32, #tpu.memory_space<vmem_shared>>)
    %mul3A_636 = arith.constant 625 : i32
    %mul3A_637 = arith.muli %arg1, %mul3A_636 : i32
    %dma_wait3A_638 = arith.constant 0 : i32
    %dma_wait3A_639 = arith.constant 0 : i32
    %dma_wait3A_640 = tpu.memref_slice %arg11[%dma_wait3A_638, %dma_wait3A_639] : memref<80x128xf32, #tpu.memory_space<vmem>> -> memref<25x128xf32, #tpu.memory_space<vmem>>
    %dma_wait3A_641 = arith.constant 0 : i32
    %dma_wait3A_642 = tpu.memref_slice %arg12[%mul3A_637, %dma_wait3A_641] : memref<10000x128xf32, #tpu.memory_space<vmem_shared>> -> memref<25x128xf32, #tpu.memory_space<vmem_shared>>
    %dma_wait3A_643 = arith.constant 0 : i32
    %dma_wait3A_644 = tpu.memref_slice %arg12[%mul3A_637, %dma_wait3A_643] : memref<10000x128xf32, #tpu.memory_space<vmem_shared>> -> memref<25x128xf32, #tpu.memory_space<vmem_shared>>
    %dma_wait3A_645 = arith.constant 0 : i32
    %dma_wait3A_646 = arith.constant 0 : i32
    %dma_wait3A_647 = tpu.memref_slice %arg11[%dma_wait3A_645, %dma_wait3A_646] : memref<80x128xf32, #tpu.memory_space<vmem>> -> memref<25x128xf32, #tpu.memory_space<vmem>>
    tpu.wait_dma2 semaphore(%arg16 : memref<!tpu.dma_semaphore, #tpu.memory_space<semaphore_mem>>) src(%dma_wait3A_647 : memref<25x128xf32, #tpu.memory_space<vmem>>) dst(%dma_wait3A_644 : memref<25x128xf32, #tpu.memory_space<vmem_shared>>)
    %mul3A_648 = arith.constant 625 : i32
    %mul3A_649 = arith.muli %arg1, %mul3A_648 : i32
    %dma_wait3A_650 = arith.constant 0 : i32
    %dma_wait3A_651 = arith.constant 0 : i32
    %dma_wait3A_652 = tpu.memref_slice %arg11[%dma_wait3A_650, %dma_wait3A_651] : memref<80x128xf32, #tpu.memory_space<vmem>> -> memref<25x128xf32, #tpu.memory_space<vmem>>
    %dma_wait3A_653 = arith.constant 0 : i32
    %dma_wait3A_654 = tpu.memref_slice %arg12[%mul3A_649, %dma_wait3A_653] : memref<10000x128xf32, #tpu.memory_space<vmem_shared>> -> memref<25x128xf32, #tpu.memory_space<vmem_shared>>
    %dma_wait3A_655 = arith.constant 0 : i32
    %dma_wait3A_656 = tpu.memref_slice %arg12[%mul3A_649, %dma_wait3A_655] : memref<10000x128xf32, #tpu.memory_space<vmem_shared>> -> memref<25x128xf32, #tpu.memory_space<vmem_shared>>
    %dma_wait3A_657 = arith.constant 0 : i32
    %dma_wait3A_658 = arith.constant 0 : i32
    %dma_wait3A_659 = tpu.memref_slice %arg11[%dma_wait3A_657, %dma_wait3A_658] : memref<80x128xf32, #tpu.memory_space<vmem>> -> memref<25x128xf32, #tpu.memory_space<vmem>>
    tpu.wait_dma2 semaphore(%arg16 : memref<!tpu.dma_semaphore, #tpu.memory_space<semaphore_mem>>) src(%dma_wait3A_659 : memref<25x128xf32, #tpu.memory_space<vmem>>) dst(%dma_wait3A_656 : memref<25x128xf32, #tpu.memory_space<vmem_shared>>)
    %mul3A_660 = arith.constant 625 : i32
    %mul3A_661 = arith.muli %arg1, %mul3A_660 : i32
    %dma_wait3A_662 = arith.constant 0 : i32
    %dma_wait3A_663 = arith.constant 0 : i32
    %dma_wait3A_664 = tpu.memref_slice %arg11[%dma_wait3A_662, %dma_wait3A_663] : memref<80x128xf32, #tpu.memory_space<vmem>> -> memref<25x128xf32, #tpu.memory_space<vmem>>
    %dma_wait3A_665 = arith.constant 0 : i32
    %dma_wait3A_666 = tpu.memref_slice %arg12[%mul3A_661, %dma_wait3A_665] : memref<10000x128xf32, #tpu.memory_space<vmem_shared>> -> memref<25x128xf32, #tpu.memory_space<vmem_shared>>
    %dma_wait3A_667 = arith.constant 0 : i32
    %dma_wait3A_668 = tpu.memref_slice %arg12[%mul3A_661, %dma_wait3A_667] : memref<10000x128xf32, #tpu.memory_space<vmem_shared>> -> memref<25x128xf32, #tpu.memory_space<vmem_shared>>
    %dma_wait3A_669 = arith.constant 0 : i32
    %dma_wait3A_670 = arith.constant 0 : i32
    %dma_wait3A_671 = tpu.memref_slice %arg11[%dma_wait3A_669, %dma_wait3A_670] : memref<80x128xf32, #tpu.memory_space<vmem>> -> memref<25x128xf32, #tpu.memory_space<vmem>>
    tpu.wait_dma2 semaphore(%arg16 : memref<!tpu.dma_semaphore, #tpu.memory_space<semaphore_mem>>) src(%dma_wait3A_671 : memref<25x128xf32, #tpu.memory_space<vmem>>) dst(%dma_wait3A_668 : memref<25x128xf32, #tpu.memory_space<vmem_shared>>)
    %dma_wait3A_672 = arith.constant 0 : i32
    %dma_wait3A_673 = tpu.memref_slice %arg3[%mul3A_2, %dma_wait3A_672] : memref<4000x80xi32, #tpu.memory_space<hbm>> -> memref<125x80xi32, #tpu.memory_space<hbm>>
    %dma_wait3A_674 = arith.constant 0 : i32
    %dma_wait3A_675 = tpu.memref_slice %arg3[%mul3A_2, %dma_wait3A_674] : memref<4000x80xi32, #tpu.memory_space<hbm>> -> memref<125x80xi32, #tpu.memory_space<hbm>>
    tpu.wait_dma2 semaphore(%arg13 : memref<!tpu.dma_semaphore, #tpu.memory_space<semaphore_mem>>) src(%dma_wait3A_675 : memref<125x80xi32, #tpu.memory_space<hbm>>) dst(%arg7 : memref<125x80xi32, #tpu.memory_space<vmem>>)
    %dma_wait3A_676 = arith.constant 0 : i32
    %dma_wait3A_677 = tpu.memref_slice %arg4[%mul3A_7, %dma_wait3A_676] : memref<4000x80xi32, #tpu.memory_space<hbm>> -> memref<125x80xi32, #tpu.memory_space<hbm>>
    %dma_wait3A_678 = arith.constant 0 : i32
    %dma_wait3A_679 = tpu.memref_slice %arg4[%mul3A_7, %dma_wait3A_678] : memref<4000x80xi32, #tpu.memory_space<hbm>> -> memref<125x80xi32, #tpu.memory_space<hbm>>
    tpu.wait_dma2 semaphore(%arg14 : memref<!tpu.dma_semaphore, #tpu.memory_space<semaphore_mem>>) src(%dma_wait3A_679 : memref<125x80xi32, #tpu.memory_space<hbm>>) dst(%arg8 : memref<125x80xi32, #tpu.memory_space<vmem>>)
    %dma_wait3A_680 = arith.constant 0 : i32
    %dma_wait3A_681 = tpu.memref_slice %arg5[%mul3A_13, %dma_wait3A_680] : memref<4000x40xi32, #tpu.memory_space<hbm>> -> memref<125x40xi32, #tpu.memory_space<hbm>>
    %dma_wait3A_682 = arith.constant 0 : i32
    %dma_wait3A_683 = tpu.memref_slice %arg5[%mul3A_13, %dma_wait3A_682] : memref<4000x40xi32, #tpu.memory_space<hbm>> -> memref<125x40xi32, #tpu.memory_space<hbm>>
    tpu.wait_dma2 semaphore(%arg15 : memref<!tpu.dma_semaphore, #tpu.memory_space<semaphore_mem>>) src(%dma_wait3A_683 : memref<125x40xi32, #tpu.memory_space<hbm>>) dst(%arg9 : memref<125x40xi32, #tpu.memory_space<vmem>>)
    %barrier3A = arith.constant 0 : index
    tpu.barrier barrier_id(%barrier3A)
    %dma_start3A_684 = arith.constant 0 : i32
    %dma_start3A_685 = arith.constant 0 : i32
    %dma_start3A_686 = tpu.memref_slice %arg7[%dma_start3A_684, %dma_start3A_685] : memref<125x80xi32, #tpu.memory_space<vmem>> -> memref<1x80xi32, #tpu.memory_space<vmem>>
    %dma_start3A_687 = tpu.memref_squeeze %dma_start3A_686 : memref<1x80xi32, #tpu.memory_space<vmem>> -> memref<80xi32, #tpu.memory_space<vmem>>
    %dma_start3A_688 = arith.constant 0 : i32
    %dma_start3A_689 = arith.constant 0 : i32
    %dma_start3A_690 = tpu.memref_slice %arg2[%dma_start3A_688, %dma_start3A_689] : memref<80000x128xf32, #tpu.memory_space<hbm>> -> memref<80000x128xf32, #tpu.memory_space<hbm>>
    tpu.enqueue_indirect_dma source(%dma_start3A_690 : memref<80000x128xf32, #tpu.memory_space<hbm>>) target(%arg10 : memref<80x128xf32, #tpu.memory_space<vmem>>) offsets(%dma_start3A_687 : memref<80xi32, #tpu.memory_space<vmem>>) semaphore(%arg13 : memref<!tpu.dma_semaphore, #tpu.memory_space<semaphore_mem>>)
    %scan3A_691 = arith.constant 0 : i32
    %scan3A_692 = arith.constant 62 : i32
    %scan3A_693 = arith.addi %scan3A_691, %scan3A_692 : i32
    %scan3A_694 = arith.constant 1 : i32
    scf.for %scan3A_731 = %scan3A_691 to %scan3A_693 step %scan3A_694  : i32 {
      %mul3A_732 = arith.constant 2 : i32
      %mul3A_733 = arith.muli %scan3A_731, %mul3A_732 : i32
      %add3A_734 = arith.constant 0 : i32
      %add3A_735 = arith.addi %add3A_734, %mul3A_733 : i32
      %gt3A = arith.constant 0 : i32
      %gt3A_736 = arith.cmpi sgt, %add3A_735, %gt3A : i32
      %convert_element_type3A = arith.extui %gt3A_736 : i1 to i32
      %cond3A = arith.constant 0 : i32
      %cond3A_737 = arith.cmpi ne, %convert_element_type3A, %cond3A : i32
      scf.if %cond3A_737 {
        %sub3A = arith.constant 1 : i32
        %sub3A_794 = arith.subi %add3A_735, %sub3A : i32
        %dma_wait3A_795 = arith.constant 0 : i32
        %dma_wait3A_796 = tpu.memref_slice %arg8[%sub3A_794, %dma_wait3A_795] : memref<125x80xi32, #tpu.memory_space<vmem>> -> memref<1x80xi32, #tpu.memory_space<vmem>>
        %dma_wait3A_797 = tpu.memref_squeeze %dma_wait3A_796 : memref<1x80xi32, #tpu.memory_space<vmem>> -> memref<80xi32, #tpu.memory_space<vmem>>
        %dma_wait3A_798 = arith.constant 0 : i32
        %dma_wait3A_799 = arith.constant 0 : i32
        %dma_wait3A_800 = tpu.memref_slice %arg12[%dma_wait3A_798, %dma_wait3A_799] : memref<10000x128xf32, #tpu.memory_space<vmem_shared>> -> memref<10000x128xf32, #tpu.memory_space<vmem_shared>>
        tpu.wait_indirect_dma semaphore(%arg16 : memref<!tpu.dma_semaphore, #tpu.memory_space<semaphore_mem>>) src(%arg11 : memref<80x128xf32, #tpu.memory_space<vmem>>) dst(%dma_wait3A_800 : memref<10000x128xf32, #tpu.memory_space<vmem_shared>>)
      } else {
      }
      %add3A_738 = arith.constant 1 : i32
      %add3A_739 = arith.addi %add3A_735, %add3A_738 : i32
      %dma_start3A_740 = arith.constant 0 : i32
      %dma_start3A_741 = tpu.memref_slice %arg7[%add3A_739, %dma_start3A_740] : memref<125x80xi32, #tpu.memory_space<vmem>> -> memref<1x80xi32, #tpu.memory_space<vmem>>
      %dma_start3A_742 = tpu.memref_squeeze %dma_start3A_741 : memref<1x80xi32, #tpu.memory_space<vmem>> -> memref<80xi32, #tpu.memory_space<vmem>>
      %dma_start3A_743 = arith.constant 0 : i32
      %dma_start3A_744 = arith.constant 0 : i32
      %dma_start3A_745 = tpu.memref_slice %arg2[%dma_start3A_743, %dma_start3A_744] : memref<80000x128xf32, #tpu.memory_space<hbm>> -> memref<80000x128xf32, #tpu.memory_space<hbm>>
      tpu.enqueue_indirect_dma source(%dma_start3A_745 : memref<80000x128xf32, #tpu.memory_space<hbm>>) target(%arg11 : memref<80x128xf32, #tpu.memory_space<vmem>>) offsets(%dma_start3A_742 : memref<80xi32, #tpu.memory_space<vmem>>) semaphore(%arg14 : memref<!tpu.dma_semaphore, #tpu.memory_space<semaphore_mem>>)
      %dma_wait3A_746 = arith.constant 0 : i32
      %dma_wait3A_747 = tpu.memref_slice %arg7[%add3A_735, %dma_wait3A_746] : memref<125x80xi32, #tpu.memory_space<vmem>> -> memref<1x80xi32, #tpu.memory_space<vmem>>
      %dma_wait3A_748 = tpu.memref_squeeze %dma_wait3A_747 : memref<1x80xi32, #tpu.memory_space<vmem>> -> memref<80xi32, #tpu.memory_space<vmem>>
      %dma_wait3A_749 = arith.constant 0 : i32
      %dma_wait3A_750 = arith.constant 0 : i32
      %dma_wait3A_751 = tpu.memref_slice %arg2[%dma_wait3A_749, %dma_wait3A_750] : memref<80000x128xf32, #tpu.memory_space<hbm>> -> memref<80000x128xf32, #tpu.memory_space<hbm>>
      tpu.wait_indirect_dma semaphore(%arg13 : memref<!tpu.dma_semaphore, #tpu.memory_space<semaphore_mem>>) src(%dma_wait3A_751 : memref<80000x128xf32, #tpu.memory_space<hbm>>) dst(%arg10 : memref<80x128xf32, #tpu.memory_space<vmem>>)
      %parallel_loop3A_752 = arith.constant 0 : i32
      %parallel_loop3A_753 = arith.constant 40 : i32
      %parallel_loop3A_754 = arith.constant 1 : i32
      scf.for %parallel_loop3A_794 = %parallel_loop3A_752 to %parallel_loop3A_753 step %parallel_loop3A_754  : i32 {
        %parallel_loop3A_795 = vector.broadcast %add3A_735 : i32 to vector<16xi32>
        %parallel_loop3A_796 = vector.broadcast %parallel_loop3A_794 : i32 to vector<16xi32>
        %parallel_loop3A_797 = tpu.vector_load_idx %arg9[%parallel_loop3A_795, %parallel_loop3A_796] : memref<125x40xi32, #tpu.memory_space<vmem>>[vector<16xi32>, vector<16xi32>], vector<16xi32>,
        %parallel_loop3A_798 = arith.constant 16 : i32
        %parallel_loop3A_799 = vector.broadcast %parallel_loop3A_798 : i32 to vector<16xi32>
        %parallel_loop3A_800 = arith.shli %parallel_loop3A_797, %parallel_loop3A_799 : vector<16xi32>
        %parallel_loop3A_801 = vector.bitcast %parallel_loop3A_800 : vector<16xi32> to vector<16xf32>
        %parallel_loop3A_802 = arith.constant -65536 : i32
        %parallel_loop3A_803 = vector.broadcast %parallel_loop3A_802 : i32 to vector<16xi32>
        %parallel_loop3A_804 = arith.andi %parallel_loop3A_797, %parallel_loop3A_803 : vector<16xi32>
        %parallel_loop3A_805 = vector.bitcast %parallel_loop3A_804 : vector<16xi32> to vector<16xf32>
        %parallel_loop3A_806 = arith.constant 2 : i32
        %parallel_loop3A_807 = arith.muli %parallel_loop3A_794, %parallel_loop3A_806 : i32
        %parallel_loop3A_808 = arith.index_cast %parallel_loop3A_807 : i32 to index
        %parallel_loop3A_809 = arith.constant 0 : index
        %parallel_loop3A_810 = tpu.vector_load %arg10[%parallel_loop3A_808, %parallel_loop3A_809] {strides = array<i32>} : memref<80x128xf32, #tpu.memory_space<vmem>>, vector<16xf32>,
        %parallel_loop3A_811 = arith.mulf %parallel_loop3A_810, %parallel_loop3A_801 : vector<16xf32>
        %parallel_loop3A_812 = arith.index_cast %parallel_loop3A_807 : i32 to index
        %parallel_loop3A_813 = arith.constant 0 : index
        %parallel_loop3A_814 = tpu.vector_load %arg10[%parallel_loop3A_812, %parallel_loop3A_813] {strides = array<i32>} : memref<80x128xf32, #tpu.memory_space<vmem>>, vector<16xf32>,
        tpu.vector_store %arg10[%parallel_loop3A_812, %parallel_loop3A_813], %parallel_loop3A_811 {strides = array<i32>} : memref<80x128xf32, #tpu.memory_space<vmem>>, vector<16xf32>,
        %parallel_loop3A_815 = arith.index_cast %parallel_loop3A_807 : i32 to index
        %parallel_loop3A_816 = arith.constant 16 : index
        %parallel_loop3A_817 = tpu.vector_load %arg10[%parallel_loop3A_815, %parallel_loop3A_816] {strides = array<i32>} : memref<80x128xf32, #tpu.memory_space<vmem>>, vector<16xf32>,
        %parallel_loop3A_818 = arith.mulf %parallel_loop3A_817, %parallel_loop3A_801 : vector<16xf32>
        %parallel_loop3A_819 = arith.index_cast %parallel_loop3A_807 : i32 to index
        %parallel_loop3A_820 = arith.constant 16 : index
        %parallel_loop3A_821 = tpu.vector_load %arg10[%parallel_loop3A_819, %parallel_loop3A_820] {strides = array<i32>} : memref<80x128xf32, #tpu.memory_space<vmem>>, vector<16xf32>,
        tpu.vector_store %arg10[%parallel_loop3A_819, %parallel_loop3A_820], %parallel_loop3A_818 {strides = array<i32>} : memref<80x128xf32, #tpu.memory_space<vmem>>, vector<16xf32>,
        %parallel_loop3A_822 = arith.index_cast %parallel_loop3A_807 : i32 to index
        %parallel_loop3A_823 = arith.constant 32 : index
        %parallel_loop3A_824 = tpu.vector_load %arg10[%parallel_loop3A_822, %parallel_loop3A_823] {strides = array<i32>} : memref<80x128xf32, #tpu.memory_space<vmem>>, vector<16xf32>,
        %parallel_loop3A_825 = arith.mulf %parallel_loop3A_824, %parallel_loop3A_801 : vector<16xf32>
        %parallel_loop3A_826 = arith.index_cast %parallel_loop3A_807 : i32 to index
        %parallel_loop3A_827 = arith.constant 32 : index
        %parallel_loop3A_828 = tpu.vector_load %arg10[%parallel_loop3A_826, %parallel_loop3A_827] {strides = array<i32>} : memref<80x128xf32, #tpu.memory_space<vmem>>, vector<16xf32>,
        tpu.vector_store %arg10[%parallel_loop3A_826, %parallel_loop3A_827], %parallel_loop3A_825 {strides = array<i32>} : memref<80x128xf32, #tpu.memory_space<vmem>>, vector<16xf32>,
        %parallel_loop3A_829 = arith.index_cast %parallel_loop3A_807 : i32 to index
        %parallel_loop3A_830 = arith.constant 48 : index
        %parallel_loop3A_831 = tpu.vector_load %arg10[%parallel_loop3A_829, %parallel_loop3A_830] {strides = array<i32>} : memref<80x128xf32, #tpu.memory_space<vmem>>, vector<16xf32>,
        %parallel_loop3A_832 = arith.mulf %parallel_loop3A_831, %parallel_loop3A_801 : vector<16xf32>
        %parallel_loop3A_833 = arith.index_cast %parallel_loop3A_807 : i32 to index
        %parallel_loop3A_834 = arith.constant 48 : index
        %parallel_loop3A_835 = tpu.vector_load %arg10[%parallel_loop3A_833, %parallel_loop3A_834] {strides = array<i32>} : memref<80x128xf32, #tpu.memory_space<vmem>>, vector<16xf32>,
        tpu.vector_store %arg10[%parallel_loop3A_833, %parallel_loop3A_834], %parallel_loop3A_832 {strides = array<i32>} : memref<80x128xf32, #tpu.memory_space<vmem>>, vector<16xf32>,
        %parallel_loop3A_836 = arith.index_cast %parallel_loop3A_807 : i32 to index
        %parallel_loop3A_837 = arith.constant 64 : index
        %parallel_loop3A_838 = tpu.vector_load %arg10[%parallel_loop3A_836, %parallel_loop3A_837] {strides = array<i32>} : memref<80x128xf32, #tpu.memory_space<vmem>>, vector<16xf32>,
        %parallel_loop3A_839 = arith.mulf %parallel_loop3A_838, %parallel_loop3A_801 : vector<16xf32>
        %parallel_loop3A_840 = arith.index_cast %parallel_loop3A_807 : i32 to index
        %parallel_loop3A_841 = arith.constant 64 : index
        %parallel_loop3A_842 = tpu.vector_load %arg10[%parallel_loop3A_840, %parallel_loop3A_841] {strides = array<i32>} : memref<80x128xf32, #tpu.memory_space<vmem>>, vector<16xf32>,
        tpu.vector_store %arg10[%parallel_loop3A_840, %parallel_loop3A_841], %parallel_loop3A_839 {strides = array<i32>} : memref<80x128xf32, #tpu.memory_space<vmem>>, vector<16xf32>,
        %parallel_loop3A_843 = arith.index_cast %parallel_loop3A_807 : i32 to index
        %parallel_loop3A_844 = arith.constant 80 : index
        %parallel_loop3A_845 = tpu.vector_load %arg10[%parallel_loop3A_843, %parallel_loop3A_844] {strides = array<i32>} : memref<80x128xf32, #tpu.memory_space<vmem>>, vector<16xf32>,
        %parallel_loop3A_846 = arith.mulf %parallel_loop3A_845, %parallel_loop3A_801 : vector<16xf32>
        %parallel_loop3A_847 = arith.index_cast %parallel_loop3A_807 : i32 to index
        %parallel_loop3A_848 = arith.constant 80 : index
        %parallel_loop3A_849 = tpu.vector_load %arg10[%parallel_loop3A_847, %parallel_loop3A_848] {strides = array<i32>} : memref<80x128xf32, #tpu.memory_space<vmem>>, vector<16xf32>,
        tpu.vector_store %arg10[%parallel_loop3A_847, %parallel_loop3A_848], %parallel_loop3A_846 {strides = array<i32>} : memref<80x128xf32, #tpu.memory_space<vmem>>, vector<16xf32>,
        %parallel_loop3A_850 = arith.index_cast %parallel_loop3A_807 : i32 to index
        %parallel_loop3A_851 = arith.constant 96 : index
        %parallel_loop3A_852 = tpu.vector_load %arg10[%parallel_loop3A_850, %parallel_loop3A_851] {strides = array<i32>} : memref<80x128xf32, #tpu.memory_space<vmem>>, vector<16xf32>,
        %parallel_loop3A_853 = arith.mulf %parallel_loop3A_852, %parallel_loop3A_801 : vector<16xf32>
        %parallel_loop3A_854 = arith.index_cast %parallel_loop3A_807 : i32 to index
        %parallel_loop3A_855 = arith.constant 96 : index
        %parallel_loop3A_856 = tpu.vector_load %arg10[%parallel_loop3A_854, %parallel_loop3A_855] {strides = array<i32>} : memref<80x128xf32, #tpu.memory_space<vmem>>, vector<16xf32>,
        tpu.vector_store %arg10[%parallel_loop3A_854, %parallel_loop3A_855], %parallel_loop3A_853 {strides = array<i32>} : memref<80x128xf32, #tpu.memory_space<vmem>>, vector<16xf32>,
        %parallel_loop3A_857 = arith.index_cast %parallel_loop3A_807 : i32 to index
        %parallel_loop3A_858 = arith.constant 112 : index
        %parallel_loop3A_859 = tpu.vector_load %arg10[%parallel_loop3A_857, %parallel_loop3A_858] {strides = array<i32>} : memref<80x128xf32, #tpu.memory_space<vmem>>, vector<16xf32>,
        %parallel_loop3A_860 = arith.mulf %parallel_loop3A_859, %parallel_loop3A_801 : vector<16xf32>
        %parallel_loop3A_861 = arith.index_cast %parallel_loop3A_807 : i32 to index
        %parallel_loop3A_862 = arith.constant 112 : index
        %parallel_loop3A_863 = tpu.vector_load %arg10[%parallel_loop3A_861, %parallel_loop3A_862] {strides = array<i32>} : memref<80x128xf32, #tpu.memory_space<vmem>>, vector<16xf32>,
        tpu.vector_store %arg10[%parallel_loop3A_861, %parallel_loop3A_862], %parallel_loop3A_860 {strides = array<i32>} : memref<80x128xf32, #tpu.memory_space<vmem>>, vector<16xf32>,
        %parallel_loop3A_864 = arith.constant 1 : i32
        %parallel_loop3A_865 = arith.addi %parallel_loop3A_807, %parallel_loop3A_864 : i32
        %parallel_loop3A_866 = arith.index_cast %parallel_loop3A_865 : i32 to index
        %parallel_loop3A_867 = arith.constant 0 : index
        %parallel_loop3A_868 = tpu.vector_load %arg10[%parallel_loop3A_866, %parallel_loop3A_867] {strides = array<i32>} : memref<80x128xf32, #tpu.memory_space<vmem>>, vector<16xf32>,
        %parallel_loop3A_869 = arith.mulf %parallel_loop3A_868, %parallel_loop3A_805 : vector<16xf32>
        %parallel_loop3A_870 = arith.index_cast %parallel_loop3A_865 : i32 to index
        %parallel_loop3A_871 = arith.constant 0 : index
        %parallel_loop3A_872 = tpu.vector_load %arg10[%parallel_loop3A_870, %parallel_loop3A_871] {strides = array<i32>} : memref<80x128xf32, #tpu.memory_space<vmem>>, vector<16xf32>,
        tpu.vector_store %arg10[%parallel_loop3A_870, %parallel_loop3A_871], %parallel_loop3A_869 {strides = array<i32>} : memref<80x128xf32, #tpu.memory_space<vmem>>, vector<16xf32>,
        %parallel_loop3A_873 = arith.constant 1 : i32
        %parallel_loop3A_874 = arith.addi %parallel_loop3A_807, %parallel_loop3A_873 : i32
        %parallel_loop3A_875 = arith.index_cast %parallel_loop3A_874 : i32 to index
        %parallel_loop3A_876 = arith.constant 16 : index
        %parallel_loop3A_877 = tpu.vector_load %arg10[%parallel_loop3A_875, %parallel_loop3A_876] {strides = array<i32>} : memref<80x128xf32, #tpu.memory_space<vmem>>, vector<16xf32>,
        %parallel_loop3A_878 = arith.mulf %parallel_loop3A_877, %parallel_loop3A_805 : vector<16xf32>
        %parallel_loop3A_879 = arith.index_cast %parallel_loop3A_874 : i32 to index
        %parallel_loop3A_880 = arith.constant 16 : index
        %parallel_loop3A_881 = tpu.vector_load %arg10[%parallel_loop3A_879, %parallel_loop3A_880] {strides = array<i32>} : memref<80x128xf32, #tpu.memory_space<vmem>>, vector<16xf32>,
        tpu.vector_store %arg10[%parallel_loop3A_879, %parallel_loop3A_880], %parallel_loop3A_878 {strides = array<i32>} : memref<80x128xf32, #tpu.memory_space<vmem>>, vector<16xf32>,
        %parallel_loop3A_882 = arith.constant 1 : i32
        %parallel_loop3A_883 = arith.addi %parallel_loop3A_807, %parallel_loop3A_882 : i32
        %parallel_loop3A_884 = arith.index_cast %parallel_loop3A_883 : i32 to index
        %parallel_loop3A_885 = arith.constant 32 : index
        %parallel_loop3A_886 = tpu.vector_load %arg10[%parallel_loop3A_884, %parallel_loop3A_885] {strides = array<i32>} : memref<80x128xf32, #tpu.memory_space<vmem>>, vector<16xf32>,
        %parallel_loop3A_887 = arith.mulf %parallel_loop3A_886, %parallel_loop3A_805 : vector<16xf32>
        %parallel_loop3A_888 = arith.index_cast %parallel_loop3A_883 : i32 to index
        %parallel_loop3A_889 = arith.constant 32 : index
        %parallel_loop3A_890 = tpu.vector_load %arg10[%parallel_loop3A_888, %parallel_loop3A_889] {strides = array<i32>} : memref<80x128xf32, #tpu.memory_space<vmem>>, vector<16xf32>,
        tpu.vector_store %arg10[%parallel_loop3A_888, %parallel_loop3A_889], %parallel_loop3A_887 {strides = array<i32>} : memref<80x128xf32, #tpu.memory_space<vmem>>, vector<16xf32>,
        %parallel_loop3A_891 = arith.constant 1 : i32
        %parallel_loop3A_892 = arith.addi %parallel_loop3A_807, %parallel_loop3A_891 : i32
        %parallel_loop3A_893 = arith.index_cast %parallel_loop3A_892 : i32 to index
        %parallel_loop3A_894 = arith.constant 48 : index
        %parallel_loop3A_895 = tpu.vector_load %arg10[%parallel_loop3A_893, %parallel_loop3A_894] {strides = array<i32>} : memref<80x128xf32, #tpu.memory_space<vmem>>, vector<16xf32>,
        %parallel_loop3A_896 = arith.mulf %parallel_loop3A_895, %parallel_loop3A_805 : vector<16xf32>
        %parallel_loop3A_897 = arith.index_cast %parallel_loop3A_892 : i32 to index
        %parallel_loop3A_898 = arith.constant 48 : index
        %parallel_loop3A_899 = tpu.vector_load %arg10[%parallel_loop3A_897, %parallel_loop3A_898] {strides = array<i32>} : memref<80x128xf32, #tpu.memory_space<vmem>>, vector<16xf32>,
        tpu.vector_store %arg10[%parallel_loop3A_897, %parallel_loop3A_898], %parallel_loop3A_896 {strides = array<i32>} : memref<80x128xf32, #tpu.memory_space<vmem>>, vector<16xf32>,
        %parallel_loop3A_900 = arith.constant 1 : i32
        %parallel_loop3A_901 = arith.addi %parallel_loop3A_807, %parallel_loop3A_900 : i32
        %parallel_loop3A_902 = arith.index_cast %parallel_loop3A_901 : i32 to index
        %parallel_loop3A_903 = arith.constant 64 : index
        %parallel_loop3A_904 = tpu.vector_load %arg10[%parallel_loop3A_902, %parallel_loop3A_903] {strides = array<i32>} : memref<80x128xf32, #tpu.memory_space<vmem>>, vector<16xf32>,
        %parallel_loop3A_905 = arith.mulf %parallel_loop3A_904, %parallel_loop3A_805 : vector<16xf32>
        %parallel_loop3A_906 = arith.index_cast %parallel_loop3A_901 : i32 to index
        %parallel_loop3A_907 = arith.constant 64 : index
        %parallel_loop3A_908 = tpu.vector_load %arg10[%parallel_loop3A_906, %parallel_loop3A_907] {strides = array<i32>} : memref<80x128xf32, #tpu.memory_space<vmem>>, vector<16xf32>,
        tpu.vector_store %arg10[%parallel_loop3A_906, %parallel_loop3A_907], %parallel_loop3A_905 {strides = array<i32>} : memref<80x128xf32, #tpu.memory_space<vmem>>, vector<16xf32>,
        %parallel_loop3A_909 = arith.constant 1 : i32
        %parallel_loop3A_910 = arith.addi %parallel_loop3A_807, %parallel_loop3A_909 : i32
        %parallel_loop3A_911 = arith.index_cast %parallel_loop3A_910 : i32 to index
        %parallel_loop3A_912 = arith.constant 80 : index
        %parallel_loop3A_913 = tpu.vector_load %arg10[%parallel_loop3A_911, %parallel_loop3A_912] {strides = array<i32>} : memref<80x128xf32, #tpu.memory_space<vmem>>, vector<16xf32>,
        %parallel_loop3A_914 = arith.mulf %parallel_loop3A_913, %parallel_loop3A_805 : vector<16xf32>
        %parallel_loop3A_915 = arith.index_cast %parallel_loop3A_910 : i32 to index
        %parallel_loop3A_916 = arith.constant 80 : index
        %parallel_loop3A_917 = tpu.vector_load %arg10[%parallel_loop3A_915, %parallel_loop3A_916] {strides = array<i32>} : memref<80x128xf32, #tpu.memory_space<vmem>>, vector<16xf32>,
        tpu.vector_store %arg10[%parallel_loop3A_915, %parallel_loop3A_916], %parallel_loop3A_914 {strides = array<i32>} : memref<80x128xf32, #tpu.memory_space<vmem>>, vector<16xf32>,
        %parallel_loop3A_918 = arith.constant 1 : i32
        %parallel_loop3A_919 = arith.addi %parallel_loop3A_807, %parallel_loop3A_918 : i32
        %parallel_loop3A_920 = arith.index_cast %parallel_loop3A_919 : i32 to index
        %parallel_loop3A_921 = arith.constant 96 : index
        %parallel_loop3A_922 = tpu.vector_load %arg10[%parallel_loop3A_920, %parallel_loop3A_921] {strides = array<i32>} : memref<80x128xf32, #tpu.memory_space<vmem>>, vector<16xf32>,
        %parallel_loop3A_923 = arith.mulf %parallel_loop3A_922, %parallel_loop3A_805 : vector<16xf32>
        %parallel_loop3A_924 = arith.index_cast %parallel_loop3A_919 : i32 to index
        %parallel_loop3A_925 = arith.constant 96 : index
        %parallel_loop3A_926 = tpu.vector_load %arg10[%parallel_loop3A_924, %parallel_loop3A_925] {strides = array<i32>} : memref<80x128xf32, #tpu.memory_space<vmem>>, vector<16xf32>,
        tpu.vector_store %arg10[%parallel_loop3A_924, %parallel_loop3A_925], %parallel_loop3A_923 {strides = array<i32>} : memref<80x128xf32, #tpu.memory_space<vmem>>, vector<16xf32>,
        %parallel_loop3A_927 = arith.constant 1 : i32
        %parallel_loop3A_928 = arith.addi %parallel_loop3A_807, %parallel_loop3A_927 : i32
        %parallel_loop3A_929 = arith.index_cast %parallel_loop3A_928 : i32 to index
        %parallel_loop3A_930 = arith.constant 112 : index
        %parallel_loop3A_931 = tpu.vector_load %arg10[%parallel_loop3A_929, %parallel_loop3A_930] {strides = array<i32>} : memref<80x128xf32, #tpu.memory_space<vmem>>, vector<16xf32>,
        %parallel_loop3A_932 = arith.mulf %parallel_loop3A_931, %parallel_loop3A_805 : vector<16xf32>
        %parallel_loop3A_933 = arith.index_cast %parallel_loop3A_928 : i32 to index
        %parallel_loop3A_934 = arith.constant 112 : index
        %parallel_loop3A_935 = tpu.vector_load %arg10[%parallel_loop3A_933, %parallel_loop3A_934] {strides = array<i32>} : memref<80x128xf32, #tpu.memory_space<vmem>>, vector<16xf32>,
        tpu.vector_store %arg10[%parallel_loop3A_933, %parallel_loop3A_934], %parallel_loop3A_932 {strides = array<i32>} : memref<80x128xf32, #tpu.memory_space<vmem>>, vector<16xf32>,
      } {sc.loop_unroll_factor = 2 : i64, sc.parallel_access}
      %dma_start3A_755 = arith.constant 0 : i32
      %dma_start3A_756 = tpu.memref_slice %arg8[%add3A_735, %dma_start3A_755] : memref<125x80xi32, #tpu.memory_space<vmem>> -> memref<1x80xi32, #tpu.memory_space<vmem>>
      %dma_start3A_757 = tpu.memref_squeeze %dma_start3A_756 : memref<1x80xi32, #tpu.memory_space<vmem>> -> memref<80xi32, #tpu.memory_space<vmem>>
      %dma_start3A_758 = arith.constant 0 : i32
      %dma_start3A_759 = arith.constant 0 : i32
      %dma_start3A_760 = tpu.memref_slice %arg12[%dma_start3A_758, %dma_start3A_759] : memref<10000x128xf32, #tpu.memory_space<vmem_shared>> -> memref<10000x128xf32, #tpu.memory_space<vmem_shared>>
      tpu.enqueue_indirect_dma source(%arg10 : memref<80x128xf32, #tpu.memory_space<vmem>>) target(%dma_start3A_760 : memref<10000x128xf32, #tpu.memory_space<vmem_shared>>) offsets(%dma_start3A_757 : memref<80xi32, #tpu.memory_space<vmem>>) semaphore(%arg15 : memref<!tpu.dma_semaphore, #tpu.memory_space<semaphore_mem>>) {add = true}
      %dma_wait3A_761 = arith.constant 0 : i32
      %dma_wait3A_762 = tpu.memref_slice %arg7[%add3A_739, %dma_wait3A_761] : memref<125x80xi32, #tpu.memory_space<vmem>> -> memref<1x80xi32, #tpu.memory_space<vmem>>
      %dma_wait3A_763 = tpu.memref_squeeze %dma_wait3A_762 : memref<1x80xi32, #tpu.memory_space<vmem>> -> memref<80xi32, #tpu.memory_space<vmem>>
      %dma_wait3A_764 = arith.constant 0 : i32
      %dma_wait3A_765 = arith.constant 0 : i32
      %dma_wait3A_766 = tpu.memref_slice %arg2[%dma_wait3A_764, %dma_wait3A_765] : memref<80000x128xf32, #tpu.memory_space<hbm>> -> memref<80000x128xf32, #tpu.memory_space<hbm>>
      tpu.wait_indirect_dma semaphore(%arg14 : memref<!tpu.dma_semaphore, #tpu.memory_space<semaphore_mem>>) src(%dma_wait3A_766 : memref<80000x128xf32, #tpu.memory_space<hbm>>) dst(%arg11 : memref<80x128xf32, #tpu.memory_space<vmem>>)
      %add3A_767 = arith.constant 1 : i32
      %add3A_768 = arith.addi %add3A_735, %add3A_767 : i32
      %parallel_loop3A_769 = arith.constant 0 : i32
      %parallel_loop3A_770 = arith.constant 40 : i32
      %parallel_loop3A_771 = arith.constant 1 : i32
      scf.for %parallel_loop3A_794 = %parallel_loop3A_769 to %parallel_loop3A_770 step %parallel_loop3A_771  : i32 {
        %parallel_loop3A_795 = vector.broadcast %add3A_768 : i32 to vector<16xi32>
        %parallel_loop3A_796 = vector.broadcast %parallel_loop3A_794 : i32 to vector<16xi32>
        %parallel_loop3A_797 = tpu.vector_load_idx %arg9[%parallel_loop3A_795, %parallel_loop3A_796] : memref<125x40xi32, #tpu.memory_space<vmem>>[vector<16xi32>, vector<16xi32>], vector<16xi32>,
        %parallel_loop3A_798 = arith.constant 16 : i32
        %parallel_loop3A_799 = vector.broadcast %parallel_loop3A_798 : i32 to vector<16xi32>
        %parallel_loop3A_800 = arith.shli %parallel_loop3A_797, %parallel_loop3A_799 : vector<16xi32>
        %parallel_loop3A_801 = vector.bitcast %parallel_loop3A_800 : vector<16xi32> to vector<16xf32>
        %parallel_loop3A_802 = arith.constant -65536 : i32
        %parallel_loop3A_803 = vector.broadcast %parallel_loop3A_802 : i32 to vector<16xi32>
        %parallel_loop3A_804 = arith.andi %parallel_loop3A_797, %parallel_loop3A_803 : vector<16xi32>
        %parallel_loop3A_805 = vector.bitcast %parallel_loop3A_804 : vector<16xi32> to vector<16xf32>
        %parallel_loop3A_806 = arith.constant 2 : i32
        %parallel_loop3A_807 = arith.muli %parallel_loop3A_794, %parallel_loop3A_806 : i32
        %parallel_loop3A_808 = arith.index_cast %parallel_loop3A_807 : i32 to index
        %parallel_loop3A_809 = arith.constant 0 : index
        %parallel_loop3A_810 = tpu.vector_load %arg11[%parallel_loop3A_808, %parallel_loop3A_809] {strides = array<i32>} : memref<80x128xf32, #tpu.memory_space<vmem>>, vector<16xf32>,
        %parallel_loop3A_811 = arith.mulf %parallel_loop3A_810, %parallel_loop3A_801 : vector<16xf32>
        %parallel_loop3A_812 = arith.index_cast %parallel_loop3A_807 : i32 to index
        %parallel_loop3A_813 = arith.constant 0 : index
        %parallel_loop3A_814 = tpu.vector_load %arg11[%parallel_loop3A_812, %parallel_loop3A_813] {strides = array<i32>} : memref<80x128xf32, #tpu.memory_space<vmem>>, vector<16xf32>,
        tpu.vector_store %arg11[%parallel_loop3A_812, %parallel_loop3A_813], %parallel_loop3A_811 {strides = array<i32>} : memref<80x128xf32, #tpu.memory_space<vmem>>, vector<16xf32>,
        %parallel_loop3A_815 = arith.index_cast %parallel_loop3A_807 : i32 to index
        %parallel_loop3A_816 = arith.constant 16 : index
        %parallel_loop3A_817 = tpu.vector_load %arg11[%parallel_loop3A_815, %parallel_loop3A_816] {strides = array<i32>} : memref<80x128xf32, #tpu.memory_space<vmem>>, vector<16xf32>,
        %parallel_loop3A_818 = arith.mulf %parallel_loop3A_817, %parallel_loop3A_801 : vector<16xf32>
        %parallel_loop3A_819 = arith.index_cast %parallel_loop3A_807 : i32 to index
        %parallel_loop3A_820 = arith.constant 16 : index
        %parallel_loop3A_821 = tpu.vector_load %arg11[%parallel_loop3A_819, %parallel_loop3A_820] {strides = array<i32>} : memref<80x128xf32, #tpu.memory_space<vmem>>, vector<16xf32>,
        tpu.vector_store %arg11[%parallel_loop3A_819, %parallel_loop3A_820], %parallel_loop3A_818 {strides = array<i32>} : memref<80x128xf32, #tpu.memory_space<vmem>>, vector<16xf32>,
        %parallel_loop3A_822 = arith.index_cast %parallel_loop3A_807 : i32 to index
        %parallel_loop3A_823 = arith.constant 32 : index
        %parallel_loop3A_824 = tpu.vector_load %arg11[%parallel_loop3A_822, %parallel_loop3A_823] {strides = array<i32>} : memref<80x128xf32, #tpu.memory_space<vmem>>, vector<16xf32>,
        %parallel_loop3A_825 = arith.mulf %parallel_loop3A_824, %parallel_loop3A_801 : vector<16xf32>
        %parallel_loop3A_826 = arith.index_cast %parallel_loop3A_807 : i32 to index
        %parallel_loop3A_827 = arith.constant 32 : index
        %parallel_loop3A_828 = tpu.vector_load %arg11[%parallel_loop3A_826, %parallel_loop3A_827] {strides = array<i32>} : memref<80x128xf32, #tpu.memory_space<vmem>>, vector<16xf32>,
        tpu.vector_store %arg11[%parallel_loop3A_826, %parallel_loop3A_827], %parallel_loop3A_825 {strides = array<i32>} : memref<80x128xf32, #tpu.memory_space<vmem>>, vector<16xf32>,
        %parallel_loop3A_829 = arith.index_cast %parallel_loop3A_807 : i32 to index
        %parallel_loop3A_830 = arith.constant 48 : index
        %parallel_loop3A_831 = tpu.vector_load %arg11[%parallel_loop3A_829, %parallel_loop3A_830] {strides = array<i32>} : memref<80x128xf32, #tpu.memory_space<vmem>>, vector<16xf32>,
        %parallel_loop3A_832 = arith.mulf %parallel_loop3A_831, %parallel_loop3A_801 : vector<16xf32>
        %parallel_loop3A_833 = arith.index_cast %parallel_loop3A_807 : i32 to index
        %parallel_loop3A_834 = arith.constant 48 : index
        %parallel_loop3A_835 = tpu.vector_load %arg11[%parallel_loop3A_833, %parallel_loop3A_834] {strides = array<i32>} : memref<80x128xf32, #tpu.memory_space<vmem>>, vector<16xf32>,
        tpu.vector_store %arg11[%parallel_loop3A_833, %parallel_loop3A_834], %parallel_loop3A_832 {strides = array<i32>} : memref<80x128xf32, #tpu.memory_space<vmem>>, vector<16xf32>,
        %parallel_loop3A_836 = arith.index_cast %parallel_loop3A_807 : i32 to index
        %parallel_loop3A_837 = arith.constant 64 : index
        %parallel_loop3A_838 = tpu.vector_load %arg11[%parallel_loop3A_836, %parallel_loop3A_837] {strides = array<i32>} : memref<80x128xf32, #tpu.memory_space<vmem>>, vector<16xf32>,
        %parallel_loop3A_839 = arith.mulf %parallel_loop3A_838, %parallel_loop3A_801 : vector<16xf32>
        %parallel_loop3A_840 = arith.index_cast %parallel_loop3A_807 : i32 to index
        %parallel_loop3A_841 = arith.constant 64 : index
        %parallel_loop3A_842 = tpu.vector_load %arg11[%parallel_loop3A_840, %parallel_loop3A_841] {strides = array<i32>} : memref<80x128xf32, #tpu.memory_space<vmem>>, vector<16xf32>,
        tpu.vector_store %arg11[%parallel_loop3A_840, %parallel_loop3A_841], %parallel_loop3A_839 {strides = array<i32>} : memref<80x128xf32, #tpu.memory_space<vmem>>, vector<16xf32>,
        %parallel_loop3A_843 = arith.index_cast %parallel_loop3A_807 : i32 to index
        %parallel_loop3A_844 = arith.constant 80 : index
        %parallel_loop3A_845 = tpu.vector_load %arg11[%parallel_loop3A_843, %parallel_loop3A_844] {strides = array<i32>} : memref<80x128xf32, #tpu.memory_space<vmem>>, vector<16xf32>,
        %parallel_loop3A_846 = arith.mulf %parallel_loop3A_845, %parallel_loop3A_801 : vector<16xf32>
        %parallel_loop3A_847 = arith.index_cast %parallel_loop3A_807 : i32 to index
        %parallel_loop3A_848 = arith.constant 80 : index
        %parallel_loop3A_849 = tpu.vector_load %arg11[%parallel_loop3A_847, %parallel_loop3A_848] {strides = array<i32>} : memref<80x128xf32, #tpu.memory_space<vmem>>, vector<16xf32>,
        tpu.vector_store %arg11[%parallel_loop3A_847, %parallel_loop3A_848], %parallel_loop3A_846 {strides = array<i32>} : memref<80x128xf32, #tpu.memory_space<vmem>>, vector<16xf32>,
        %parallel_loop3A_850 = arith.index_cast %parallel_loop3A_807 : i32 to index
        %parallel_loop3A_851 = arith.constant 96 : index
        %parallel_loop3A_852 = tpu.vector_load %arg11[%parallel_loop3A_850, %parallel_loop3A_851] {strides = array<i32>} : memref<80x128xf32, #tpu.memory_space<vmem>>, vector<16xf32>,
        %parallel_loop3A_853 = arith.mulf %parallel_loop3A_852, %parallel_loop3A_801 : vector<16xf32>
        %parallel_loop3A_854 = arith.index_cast %parallel_loop3A_807 : i32 to index
        %parallel_loop3A_855 = arith.constant 96 : index
        %parallel_loop3A_856 = tpu.vector_load %arg11[%parallel_loop3A_854, %parallel_loop3A_855] {strides = array<i32>} : memref<80x128xf32, #tpu.memory_space<vmem>>, vector<16xf32>,
        tpu.vector_store %arg11[%parallel_loop3A_854, %parallel_loop3A_855], %parallel_loop3A_853 {strides = array<i32>} : memref<80x128xf32, #tpu.memory_space<vmem>>, vector<16xf32>,
        %parallel_loop3A_857 = arith.index_cast %parallel_loop3A_807 : i32 to index
        %parallel_loop3A_858 = arith.constant 112 : index
        %parallel_loop3A_859 = tpu.vector_load %arg11[%parallel_loop3A_857, %parallel_loop3A_858] {strides = array<i32>} : memref<80x128xf32, #tpu.memory_space<vmem>>, vector<16xf32>,
        %parallel_loop3A_860 = arith.mulf %parallel_loop3A_859, %parallel_loop3A_801 : vector<16xf32>
        %parallel_loop3A_861 = arith.index_cast %parallel_loop3A_807 : i32 to index
        %parallel_loop3A_862 = arith.constant 112 : index
        %parallel_loop3A_863 = tpu.vector_load %arg11[%parallel_loop3A_861, %parallel_loop3A_862] {strides = array<i32>} : memref<80x128xf32, #tpu.memory_space<vmem>>, vector<16xf32>,
        tpu.vector_store %arg11[%parallel_loop3A_861, %parallel_loop3A_862], %parallel_loop3A_860 {strides = array<i32>} : memref<80x128xf32, #tpu.memory_space<vmem>>, vector<16xf32>,
        %parallel_loop3A_864 = arith.constant 1 : i32
        %parallel_loop3A_865 = arith.addi %parallel_loop3A_807, %parallel_loop3A_864 : i32
        %parallel_loop3A_866 = arith.index_cast %parallel_loop3A_865 : i32 to index
        %parallel_loop3A_867 = arith.constant 0 : index
        %parallel_loop3A_868 = tpu.vector_load %arg11[%parallel_loop3A_866, %parallel_loop3A_867] {strides = array<i32>} : memref<80x128xf32, #tpu.memory_space<vmem>>, vector<16xf32>,
        %parallel_loop3A_869 = arith.mulf %parallel_loop3A_868, %parallel_loop3A_805 : vector<16xf32>
        %parallel_loop3A_870 = arith.index_cast %parallel_loop3A_865 : i32 to index
        %parallel_loop3A_871 = arith.constant 0 : index
        %parallel_loop3A_872 = tpu.vector_load %arg11[%parallel_loop3A_870, %parallel_loop3A_871] {strides = array<i32>} : memref<80x128xf32, #tpu.memory_space<vmem>>, vector<16xf32>,
        tpu.vector_store %arg11[%parallel_loop3A_870, %parallel_loop3A_871], %parallel_loop3A_869 {strides = array<i32>} : memref<80x128xf32, #tpu.memory_space<vmem>>, vector<16xf32>,
        %parallel_loop3A_873 = arith.constant 1 : i32
        %parallel_loop3A_874 = arith.addi %parallel_loop3A_807, %parallel_loop3A_873 : i32
        %parallel_loop3A_875 = arith.index_cast %parallel_loop3A_874 : i32 to index
        %parallel_loop3A_876 = arith.constant 16 : index
        %parallel_loop3A_877 = tpu.vector_load %arg11[%parallel_loop3A_875, %parallel_loop3A_876] {strides = array<i32>} : memref<80x128xf32, #tpu.memory_space<vmem>>, vector<16xf32>,
        %parallel_loop3A_878 = arith.mulf %parallel_loop3A_877, %parallel_loop3A_805 : vector<16xf32>
        %parallel_loop3A_879 = arith.index_cast %parallel_loop3A_874 : i32 to index
        %parallel_loop3A_880 = arith.constant 16 : index
        %parallel_loop3A_881 = tpu.vector_load %arg11[%parallel_loop3A_879, %parallel_loop3A_880] {strides = array<i32>} : memref<80x128xf32, #tpu.memory_space<vmem>>, vector<16xf32>,
        tpu.vector_store %arg11[%parallel_loop3A_879, %parallel_loop3A_880], %parallel_loop3A_878 {strides = array<i32>} : memref<80x128xf32, #tpu.memory_space<vmem>>, vector<16xf32>,
        %parallel_loop3A_882 = arith.constant 1 : i32
        %parallel_loop3A_883 = arith.addi %parallel_loop3A_807, %parallel_loop3A_882 : i32
        %parallel_loop3A_884 = arith.index_cast %parallel_loop3A_883 : i32 to index
        %parallel_loop3A_885 = arith.constant 32 : index
        %parallel_loop3A_886 = tpu.vector_load %arg11[%parallel_loop3A_884, %parallel_loop3A_885] {strides = array<i32>} : memref<80x128xf32, #tpu.memory_space<vmem>>, vector<16xf32>,
        %parallel_loop3A_887 = arith.mulf %parallel_loop3A_886, %parallel_loop3A_805 : vector<16xf32>
        %parallel_loop3A_888 = arith.index_cast %parallel_loop3A_883 : i32 to index
        %parallel_loop3A_889 = arith.constant 32 : index
        %parallel_loop3A_890 = tpu.vector_load %arg11[%parallel_loop3A_888, %parallel_loop3A_889] {strides = array<i32>} : memref<80x128xf32, #tpu.memory_space<vmem>>, vector<16xf32>,
        tpu.vector_store %arg11[%parallel_loop3A_888, %parallel_loop3A_889], %parallel_loop3A_887 {strides = array<i32>} : memref<80x128xf32, #tpu.memory_space<vmem>>, vector<16xf32>,
        %parallel_loop3A_891 = arith.constant 1 : i32
        %parallel_loop3A_892 = arith.addi %parallel_loop3A_807, %parallel_loop3A_891 : i32
        %parallel_loop3A_893 = arith.index_cast %parallel_loop3A_892 : i32 to index
        %parallel_loop3A_894 = arith.constant 48 : index
        %parallel_loop3A_895 = tpu.vector_load %arg11[%parallel_loop3A_893, %parallel_loop3A_894] {strides = array<i32>} : memref<80x128xf32, #tpu.memory_space<vmem>>, vector<16xf32>,
        %parallel_loop3A_896 = arith.mulf %parallel_loop3A_895, %parallel_loop3A_805 : vector<16xf32>
        %parallel_loop3A_897 = arith.index_cast %parallel_loop3A_892 : i32 to index
        %parallel_loop3A_898 = arith.constant 48 : index
        %parallel_loop3A_899 = tpu.vector_load %arg11[%parallel_loop3A_897, %parallel_loop3A_898] {strides = array<i32>} : memref<80x128xf32, #tpu.memory_space<vmem>>, vector<16xf32>,
        tpu.vector_store %arg11[%parallel_loop3A_897, %parallel_loop3A_898], %parallel_loop3A_896 {strides = array<i32>} : memref<80x128xf32, #tpu.memory_space<vmem>>, vector<16xf32>,
        %parallel_loop3A_900 = arith.constant 1 : i32
        %parallel_loop3A_901 = arith.addi %parallel_loop3A_807, %parallel_loop3A_900 : i32
        %parallel_loop3A_902 = arith.index_cast %parallel_loop3A_901 : i32 to index
        %parallel_loop3A_903 = arith.constant 64 : index
        %parallel_loop3A_904 = tpu.vector_load %arg11[%parallel_loop3A_902, %parallel_loop3A_903] {strides = array<i32>} : memref<80x128xf32, #tpu.memory_space<vmem>>, vector<16xf32>,
        %parallel_loop3A_905 = arith.mulf %parallel_loop3A_904, %parallel_loop3A_805 : vector<16xf32>
        %parallel_loop3A_906 = arith.index_cast %parallel_loop3A_901 : i32 to index
        %parallel_loop3A_907 = arith.constant 64 : index
        %parallel_loop3A_908 = tpu.vector_load %arg11[%parallel_loop3A_906, %parallel_loop3A_907] {strides = array<i32>} : memref<80x128xf32, #tpu.memory_space<vmem>>, vector<16xf32>,
        tpu.vector_store %arg11[%parallel_loop3A_906, %parallel_loop3A_907], %parallel_loop3A_905 {strides = array<i32>} : memref<80x128xf32, #tpu.memory_space<vmem>>, vector<16xf32>,
        %parallel_loop3A_909 = arith.constant 1 : i32
        %parallel_loop3A_910 = arith.addi %parallel_loop3A_807, %parallel_loop3A_909 : i32
        %parallel_loop3A_911 = arith.index_cast %parallel_loop3A_910 : i32 to index
        %parallel_loop3A_912 = arith.constant 80 : index
        %parallel_loop3A_913 = tpu.vector_load %arg11[%parallel_loop3A_911, %parallel_loop3A_912] {strides = array<i32>} : memref<80x128xf32, #tpu.memory_space<vmem>>, vector<16xf32>,
        %parallel_loop3A_914 = arith.mulf %parallel_loop3A_913, %parallel_loop3A_805 : vector<16xf32>
        %parallel_loop3A_915 = arith.index_cast %parallel_loop3A_910 : i32 to index
        %parallel_loop3A_916 = arith.constant 80 : index
        %parallel_loop3A_917 = tpu.vector_load %arg11[%parallel_loop3A_915, %parallel_loop3A_916] {strides = array<i32>} : memref<80x128xf32, #tpu.memory_space<vmem>>, vector<16xf32>,
        tpu.vector_store %arg11[%parallel_loop3A_915, %parallel_loop3A_916], %parallel_loop3A_914 {strides = array<i32>} : memref<80x128xf32, #tpu.memory_space<vmem>>, vector<16xf32>,
        %parallel_loop3A_918 = arith.constant 1 : i32
        %parallel_loop3A_919 = arith.addi %parallel_loop3A_807, %parallel_loop3A_918 : i32
        %parallel_loop3A_920 = arith.index_cast %parallel_loop3A_919 : i32 to index
        %parallel_loop3A_921 = arith.constant 96 : index
        %parallel_loop3A_922 = tpu.vector_load %arg11[%parallel_loop3A_920, %parallel_loop3A_921] {strides = array<i32>} : memref<80x128xf32, #tpu.memory_space<vmem>>, vector<16xf32>,
        %parallel_loop3A_923 = arith.mulf %parallel_loop3A_922, %parallel_loop3A_805 : vector<16xf32>
        %parallel_loop3A_924 = arith.index_cast %parallel_loop3A_919 : i32 to index
        %parallel_loop3A_925 = arith.constant 96 : index
        %parallel_loop3A_926 = tpu.vector_load %arg11[%parallel_loop3A_924, %parallel_loop3A_925] {strides = array<i32>} : memref<80x128xf32, #tpu.memory_space<vmem>>, vector<16xf32>,
        tpu.vector_store %arg11[%parallel_loop3A_924, %parallel_loop3A_925], %parallel_loop3A_923 {strides = array<i32>} : memref<80x128xf32, #tpu.memory_space<vmem>>, vector<16xf32>,
        %parallel_loop3A_927 = arith.constant 1 : i32
        %parallel_loop3A_928 = arith.addi %parallel_loop3A_807, %parallel_loop3A_927 : i32
        %parallel_loop3A_929 = arith.index_cast %parallel_loop3A_928 : i32 to index
        %parallel_loop3A_930 = arith.constant 112 : index
        %parallel_loop3A_931 = tpu.vector_load %arg11[%parallel_loop3A_929, %parallel_loop3A_930] {strides = array<i32>} : memref<80x128xf32, #tpu.memory_space<vmem>>, vector<16xf32>,
        %parallel_loop3A_932 = arith.mulf %parallel_loop3A_931, %parallel_loop3A_805 : vector<16xf32>
        %parallel_loop3A_933 = arith.index_cast %parallel_loop3A_928 : i32 to index
        %parallel_loop3A_934 = arith.constant 112 : index
        %parallel_loop3A_935 = tpu.vector_load %arg11[%parallel_loop3A_933, %parallel_loop3A_934] {strides = array<i32>} : memref<80x128xf32, #tpu.memory_space<vmem>>, vector<16xf32>,
        tpu.vector_store %arg11[%parallel_loop3A_933, %parallel_loop3A_934], %parallel_loop3A_932 {strides = array<i32>} : memref<80x128xf32, #tpu.memory_space<vmem>>, vector<16xf32>,
      } {sc.loop_unroll_factor = 2 : i64, sc.parallel_access}
      %dma_wait3A_772 = arith.constant 0 : i32
      %dma_wait3A_773 = tpu.memref_slice %arg8[%add3A_735, %dma_wait3A_772] : memref<125x80xi32, #tpu.memory_space<vmem>> -> memref<1x80xi32, #tpu.memory_space<vmem>>
      %dma_wait3A_774 = tpu.memref_squeeze %dma_wait3A_773 : memref<1x80xi32, #tpu.memory_space<vmem>> -> memref<80xi32, #tpu.memory_space<vmem>>
      %dma_wait3A_775 = arith.constant 0 : i32
      %dma_wait3A_776 = arith.constant 0 : i32
      %dma_wait3A_777 = tpu.memref_slice %arg12[%dma_wait3A_775, %dma_wait3A_776] : memref<10000x128xf32, #tpu.memory_space<vmem_shared>> -> memref<10000x128xf32, #tpu.memory_space<vmem_shared>>
      tpu.wait_indirect_dma semaphore(%arg15 : memref<!tpu.dma_semaphore, #tpu.memory_space<semaphore_mem>>) src(%arg10 : memref<80x128xf32, #tpu.memory_space<vmem>>) dst(%dma_wait3A_777 : memref<10000x128xf32, #tpu.memory_space<vmem_shared>>)
      %add3A_778 = arith.constant 2 : i32
      %add3A_779 = arith.addi %add3A_735, %add3A_778 : i32
      %dma_start3A_780 = arith.constant 0 : i32
      %dma_start3A_781 = tpu.memref_slice %arg7[%add3A_779, %dma_start3A_780] : memref<125x80xi32, #tpu.memory_space<vmem>> -> memref<1x80xi32, #tpu.memory_space<vmem>>
      %dma_start3A_782 = tpu.memref_squeeze %dma_start3A_781 : memref<1x80xi32, #tpu.memory_space<vmem>> -> memref<80xi32, #tpu.memory_space<vmem>>
      %dma_start3A_783 = arith.constant 0 : i32
      %dma_start3A_784 = arith.constant 0 : i32
      %dma_start3A_785 = tpu.memref_slice %arg2[%dma_start3A_783, %dma_start3A_784] : memref<80000x128xf32, #tpu.memory_space<hbm>> -> memref<80000x128xf32, #tpu.memory_space<hbm>>
      tpu.enqueue_indirect_dma source(%dma_start3A_785 : memref<80000x128xf32, #tpu.memory_space<hbm>>) target(%arg10 : memref<80x128xf32, #tpu.memory_space<vmem>>) offsets(%dma_start3A_782 : memref<80xi32, #tpu.memory_space<vmem>>) semaphore(%arg13 : memref<!tpu.dma_semaphore, #tpu.memory_space<semaphore_mem>>)
      %add3A_786 = arith.constant 1 : i32
      %add3A_787 = arith.addi %add3A_735, %add3A_786 : i32
      %dma_start3A_788 = arith.constant 0 : i32
      %dma_start3A_789 = tpu.memref_slice %arg8[%add3A_787, %dma_start3A_788] : memref<125x80xi32, #tpu.memory_space<vmem>> -> memref<1x80xi32, #tpu.memory_space<vmem>>
      %dma_start3A_790 = tpu.memref_squeeze %dma_start3A_789 : memref<1x80xi32, #tpu.memory_space<vmem>> -> memref<80xi32, #tpu.memory_space<vmem>>
      %dma_start3A_791 = arith.constant 0 : i32
      %dma_start3A_792 = arith.constant 0 : i32
      %dma_start3A_793 = tpu.memref_slice %arg12[%dma_start3A_791, %dma_start3A_792] : memref<10000x128xf32, #tpu.memory_space<vmem_shared>> -> memref<10000x128xf32, #tpu.memory_space<vmem_shared>>
      tpu.enqueue_indirect_dma source(%arg11 : memref<80x128xf32, #tpu.memory_space<vmem>>) target(%dma_start3A_793 : memref<10000x128xf32, #tpu.memory_space<vmem_shared>>) offsets(%dma_start3A_790 : memref<80xi32, #tpu.memory_space<vmem>>) semaphore(%arg16 : memref<!tpu.dma_semaphore, #tpu.memory_space<semaphore_mem>>) {add = true}
    }
    %scan3A_695 = arith.constant 62 : i32
    %dma_wait3A_696 = arith.constant 124 : i32
    %dma_wait3A_697 = arith.constant 0 : i32
    %dma_wait3A_698 = tpu.memref_slice %arg7[%dma_wait3A_696, %dma_wait3A_697] : memref<125x80xi32, #tpu.memory_space<vmem>> -> memref<1x80xi32, #tpu.memory_space<vmem>>
    %dma_wait3A_699 = tpu.memref_squeeze %dma_wait3A_698 : memref<1x80xi32, #tpu.memory_space<vmem>> -> memref<80xi32, #tpu.memory_space<vmem>>
    %dma_wait3A_700 = arith.constant 0 : i32
    %dma_wait3A_701 = arith.constant 0 : i32
    %dma_wait3A_702 = tpu.memref_slice %arg2[%dma_wait3A_700, %dma_wait3A_701] : memref<80000x128xf32, #tpu.memory_space<hbm>> -> memref<80000x128xf32, #tpu.memory_space<hbm>>
    tpu.wait_indirect_dma semaphore(%arg13 : memref<!tpu.dma_semaphore, #tpu.memory_space<semaphore_mem>>) src(%dma_wait3A_702 : memref<80000x128xf32, #tpu.memory_space<hbm>>) dst(%arg10 : memref<80x128xf32, #tpu.memory_space<vmem>>)
    %parallel_loop3A = arith.constant 0 : i32
    %parallel_loop3A_703 = arith.constant 40 : i32
    %parallel_loop3A_704 = arith.constant 1 : i32
    scf.for %parallel_loop3A_731 = %parallel_loop3A to %parallel_loop3A_703 step %parallel_loop3A_704  : i32 {
      %parallel_loop3A_732 = arith.constant 124 : i32
      %parallel_loop3A_733 = vector.broadcast %parallel_loop3A_732 : i32 to vector<16xi32>
      %parallel_loop3A_734 = vector.broadcast %parallel_loop3A_731 : i32 to vector<16xi32>
      %parallel_loop3A_735 = tpu.vector_load_idx %arg9[%parallel_loop3A_733, %parallel_loop3A_734] : memref<125x40xi32, #tpu.memory_space<vmem>>[vector<16xi32>, vector<16xi32>], vector<16xi32>,
      %parallel_loop3A_736 = arith.constant 16 : i32
      %parallel_loop3A_737 = vector.broadcast %parallel_loop3A_736 : i32 to vector<16xi32>
      %parallel_loop3A_738 = arith.shli %parallel_loop3A_735, %parallel_loop3A_737 : vector<16xi32>
      %parallel_loop3A_739 = vector.bitcast %parallel_loop3A_738 : vector<16xi32> to vector<16xf32>
      %parallel_loop3A_740 = arith.constant -65536 : i32
      %parallel_loop3A_741 = vector.broadcast %parallel_loop3A_740 : i32 to vector<16xi32>
      %parallel_loop3A_742 = arith.andi %parallel_loop3A_735, %parallel_loop3A_741 : vector<16xi32>
      %parallel_loop3A_743 = vector.bitcast %parallel_loop3A_742 : vector<16xi32> to vector<16xf32>
      %parallel_loop3A_744 = arith.constant 2 : i32
      %parallel_loop3A_745 = arith.muli %parallel_loop3A_731, %parallel_loop3A_744 : i32
      %parallel_loop3A_746 = arith.index_cast %parallel_loop3A_745 : i32 to index
      %parallel_loop3A_747 = arith.constant 0 : index
      %parallel_loop3A_748 = tpu.vector_load %arg10[%parallel_loop3A_746, %parallel_loop3A_747] {strides = array<i32>} : memref<80x128xf32, #tpu.memory_space<vmem>>, vector<16xf32>,
      %parallel_loop3A_749 = arith.mulf %parallel_loop3A_748, %parallel_loop3A_739 : vector<16xf32>
      %parallel_loop3A_750 = arith.index_cast %parallel_loop3A_745 : i32 to index
      %parallel_loop3A_751 = arith.constant 0 : index
      %parallel_loop3A_752 = tpu.vector_load %arg10[%parallel_loop3A_750, %parallel_loop3A_751] {strides = array<i32>} : memref<80x128xf32, #tpu.memory_space<vmem>>, vector<16xf32>,
      tpu.vector_store %arg10[%parallel_loop3A_750, %parallel_loop3A_751], %parallel_loop3A_749 {strides = array<i32>} : memref<80x128xf32, #tpu.memory_space<vmem>>, vector<16xf32>,
      %parallel_loop3A_753 = arith.index_cast %parallel_loop3A_745 : i32 to index
      %parallel_loop3A_754 = arith.constant 16 : index
      %parallel_loop3A_755 = tpu.vector_load %arg10[%parallel_loop3A_753, %parallel_loop3A_754] {strides = array<i32>} : memref<80x128xf32, #tpu.memory_space<vmem>>, vector<16xf32>,
      %parallel_loop3A_756 = arith.mulf %parallel_loop3A_755, %parallel_loop3A_739 : vector<16xf32>
      %parallel_loop3A_757 = arith.index_cast %parallel_loop3A_745 : i32 to index
      %parallel_loop3A_758 = arith.constant 16 : index
      %parallel_loop3A_759 = tpu.vector_load %arg10[%parallel_loop3A_757, %parallel_loop3A_758] {strides = array<i32>} : memref<80x128xf32, #tpu.memory_space<vmem>>, vector<16xf32>,
      tpu.vector_store %arg10[%parallel_loop3A_757, %parallel_loop3A_758], %parallel_loop3A_756 {strides = array<i32>} : memref<80x128xf32, #tpu.memory_space<vmem>>, vector<16xf32>,
      %parallel_loop3A_760 = arith.index_cast %parallel_loop3A_745 : i32 to index
      %parallel_loop3A_761 = arith.constant 32 : index
      %parallel_loop3A_762 = tpu.vector_load %arg10[%parallel_loop3A_760, %parallel_loop3A_761] {strides = array<i32>} : memref<80x128xf32, #tpu.memory_space<vmem>>, vector<16xf32>,
      %parallel_loop3A_763 = arith.mulf %parallel_loop3A_762, %parallel_loop3A_739 : vector<16xf32>
      %parallel_loop3A_764 = arith.index_cast %parallel_loop3A_745 : i32 to index
      %parallel_loop3A_765 = arith.constant 32 : index
      %parallel_loop3A_766 = tpu.vector_load %arg10[%parallel_loop3A_764, %parallel_loop3A_765] {strides = array<i32>} : memref<80x128xf32, #tpu.memory_space<vmem>>, vector<16xf32>,
      tpu.vector_store %arg10[%parallel_loop3A_764, %parallel_loop3A_765], %parallel_loop3A_763 {strides = array<i32>} : memref<80x128xf32, #tpu.memory_space<vmem>>, vector<16xf32>,
      %parallel_loop3A_767 = arith.index_cast %parallel_loop3A_745 : i32 to index
      %parallel_loop3A_768 = arith.constant 48 : index
      %parallel_loop3A_769 = tpu.vector_load %arg10[%parallel_loop3A_767, %parallel_loop3A_768] {strides = array<i32>} : memref<80x128xf32, #tpu.memory_space<vmem>>, vector<16xf32>,
      %parallel_loop3A_770 = arith.mulf %parallel_loop3A_769, %parallel_loop3A_739 : vector<16xf32>
      %parallel_loop3A_771 = arith.index_cast %parallel_loop3A_745 : i32 to index
      %parallel_loop3A_772 = arith.constant 48 : index
      %parallel_loop3A_773 = tpu.vector_load %arg10[%parallel_loop3A_771, %parallel_loop3A_772] {strides = array<i32>} : memref<80x128xf32, #tpu.memory_space<vmem>>, vector<16xf32>,
      tpu.vector_store %arg10[%parallel_loop3A_771, %parallel_loop3A_772], %parallel_loop3A_770 {strides = array<i32>} : memref<80x128xf32, #tpu.memory_space<vmem>>, vector<16xf32>,
      %parallel_loop3A_774 = arith.index_cast %parallel_loop3A_745 : i32 to index
      %parallel_loop3A_775 = arith.constant 64 : index
      %parallel_loop3A_776 = tpu.vector_load %arg10[%parallel_loop3A_774, %parallel_loop3A_775] {strides = array<i32>} : memref<80x128xf32, #tpu.memory_space<vmem>>, vector<16xf32>,
      %parallel_loop3A_777 = arith.mulf %parallel_loop3A_776, %parallel_loop3A_739 : vector<16xf32>
      %parallel_loop3A_778 = arith.index_cast %parallel_loop3A_745 : i32 to index
      %parallel_loop3A_779 = arith.constant 64 : index
      %parallel_loop3A_780 = tpu.vector_load %arg10[%parallel_loop3A_778, %parallel_loop3A_779] {strides = array<i32>} : memref<80x128xf32, #tpu.memory_space<vmem>>, vector<16xf32>,
      tpu.vector_store %arg10[%parallel_loop3A_778, %parallel_loop3A_779], %parallel_loop3A_777 {strides = array<i32>} : memref<80x128xf32, #tpu.memory_space<vmem>>, vector<16xf32>,
      %parallel_loop3A_781 = arith.index_cast %parallel_loop3A_745 : i32 to index
      %parallel_loop3A_782 = arith.constant 80 : index
      %parallel_loop3A_783 = tpu.vector_load %arg10[%parallel_loop3A_781, %parallel_loop3A_782] {strides = array<i32>} : memref<80x128xf32, #tpu.memory_space<vmem>>, vector<16xf32>,
      %parallel_loop3A_784 = arith.mulf %parallel_loop3A_783, %parallel_loop3A_739 : vector<16xf32>
      %parallel_loop3A_785 = arith.index_cast %parallel_loop3A_745 : i32 to index
      %parallel_loop3A_786 = arith.constant 80 : index
      %parallel_loop3A_787 = tpu.vector_load %arg10[%parallel_loop3A_785, %parallel_loop3A_786] {strides = array<i32>} : memref<80x128xf32, #tpu.memory_space<vmem>>, vector<16xf32>,
      tpu.vector_store %arg10[%parallel_loop3A_785, %parallel_loop3A_786], %parallel_loop3A_784 {strides = array<i32>} : memref<80x128xf32, #tpu.memory_space<vmem>>, vector<16xf32>,
      %parallel_loop3A_788 = arith.index_cast %parallel_loop3A_745 : i32 to index
      %parallel_loop3A_789 = arith.constant 96 : index
      %parallel_loop3A_790 = tpu.vector_load %arg10[%parallel_loop3A_788, %parallel_loop3A_789] {strides = array<i32>} : memref<80x128xf32, #tpu.memory_space<vmem>>, vector<16xf32>,
      %parallel_loop3A_791 = arith.mulf %parallel_loop3A_790, %parallel_loop3A_739 : vector<16xf32>
      %parallel_loop3A_792 = arith.index_cast %parallel_loop3A_745 : i32 to index
      %parallel_loop3A_793 = arith.constant 96 : index
      %parallel_loop3A_794 = tpu.vector_load %arg10[%parallel_loop3A_792, %parallel_loop3A_793] {strides = array<i32>} : memref<80x128xf32, #tpu.memory_space<vmem>>, vector<16xf32>,
      tpu.vector_store %arg10[%parallel_loop3A_792, %parallel_loop3A_793], %parallel_loop3A_791 {strides = array<i32>} : memref<80x128xf32, #tpu.memory_space<vmem>>, vector<16xf32>,
      %parallel_loop3A_795 = arith.index_cast %parallel_loop3A_745 : i32 to index
      %parallel_loop3A_796 = arith.constant 112 : index
      %parallel_loop3A_797 = tpu.vector_load %arg10[%parallel_loop3A_795, %parallel_loop3A_796] {strides = array<i32>} : memref<80x128xf32, #tpu.memory_space<vmem>>, vector<16xf32>,
      %parallel_loop3A_798 = arith.mulf %parallel_loop3A_797, %parallel_loop3A_739 : vector<16xf32>
      %parallel_loop3A_799 = arith.index_cast %parallel_loop3A_745 : i32 to index
      %parallel_loop3A_800 = arith.constant 112 : index
      %parallel_loop3A_801 = tpu.vector_load %arg10[%parallel_loop3A_799, %parallel_loop3A_800] {strides = array<i32>} : memref<80x128xf32, #tpu.memory_space<vmem>>, vector<16xf32>,
      tpu.vector_store %arg10[%parallel_loop3A_799, %parallel_loop3A_800], %parallel_loop3A_798 {strides = array<i32>} : memref<80x128xf32, #tpu.memory_space<vmem>>, vector<16xf32>,
      %parallel_loop3A_802 = arith.constant 1 : i32
      %parallel_loop3A_803 = arith.addi %parallel_loop3A_745, %parallel_loop3A_802 : i32
      %parallel_loop3A_804 = arith.index_cast %parallel_loop3A_803 : i32 to index
      %parallel_loop3A_805 = arith.constant 0 : index
      %parallel_loop3A_806 = tpu.vector_load %arg10[%parallel_loop3A_804, %parallel_loop3A_805] {strides = array<i32>} : memref<80x128xf32, #tpu.memory_space<vmem>>, vector<16xf32>,
      %parallel_loop3A_807 = arith.mulf %parallel_loop3A_806, %parallel_loop3A_743 : vector<16xf32>
      %parallel_loop3A_808 = arith.index_cast %parallel_loop3A_803 : i32 to index
      %parallel_loop3A_809 = arith.constant 0 : index
      %parallel_loop3A_810 = tpu.vector_load %arg10[%parallel_loop3A_808, %parallel_loop3A_809] {strides = array<i32>} : memref<80x128xf32, #tpu.memory_space<vmem>>, vector<16xf32>,
      tpu.vector_store %arg10[%parallel_loop3A_808, %parallel_loop3A_809], %parallel_loop3A_807 {strides = array<i32>} : memref<80x128xf32, #tpu.memory_space<vmem>>, vector<16xf32>,
      %parallel_loop3A_811 = arith.constant 1 : i32
      %parallel_loop3A_812 = arith.addi %parallel_loop3A_745, %parallel_loop3A_811 : i32
      %parallel_loop3A_813 = arith.index_cast %parallel_loop3A_812 : i32 to index
      %parallel_loop3A_814 = arith.constant 16 : index
      %parallel_loop3A_815 = tpu.vector_load %arg10[%parallel_loop3A_813, %parallel_loop3A_814] {strides = array<i32>} : memref<80x128xf32, #tpu.memory_space<vmem>>, vector<16xf32>,
      %parallel_loop3A_816 = arith.mulf %parallel_loop3A_815, %parallel_loop3A_743 : vector<16xf32>
      %parallel_loop3A_817 = arith.index_cast %parallel_loop3A_812 : i32 to index
      %parallel_loop3A_818 = arith.constant 16 : index
      %parallel_loop3A_819 = tpu.vector_load %arg10[%parallel_loop3A_817, %parallel_loop3A_818] {strides = array<i32>} : memref<80x128xf32, #tpu.memory_space<vmem>>, vector<16xf32>,
      tpu.vector_store %arg10[%parallel_loop3A_817, %parallel_loop3A_818], %parallel_loop3A_816 {strides = array<i32>} : memref<80x128xf32, #tpu.memory_space<vmem>>, vector<16xf32>,
      %parallel_loop3A_820 = arith.constant 1 : i32
      %parallel_loop3A_821 = arith.addi %parallel_loop3A_745, %parallel_loop3A_820 : i32
      %parallel_loop3A_822 = arith.index_cast %parallel_loop3A_821 : i32 to index
      %parallel_loop3A_823 = arith.constant 32 : index
      %parallel_loop3A_824 = tpu.vector_load %arg10[%parallel_loop3A_822, %parallel_loop3A_823] {strides = array<i32>} : memref<80x128xf32, #tpu.memory_space<vmem>>, vector<16xf32>,
      %parallel_loop3A_825 = arith.mulf %parallel_loop3A_824, %parallel_loop3A_743 : vector<16xf32>
      %parallel_loop3A_826 = arith.index_cast %parallel_loop3A_821 : i32 to index
      %parallel_loop3A_827 = arith.constant 32 : index
      %parallel_loop3A_828 = tpu.vector_load %arg10[%parallel_loop3A_826, %parallel_loop3A_827] {strides = array<i32>} : memref<80x128xf32, #tpu.memory_space<vmem>>, vector<16xf32>,
      tpu.vector_store %arg10[%parallel_loop3A_826, %parallel_loop3A_827], %parallel_loop3A_825 {strides = array<i32>} : memref<80x128xf32, #tpu.memory_space<vmem>>, vector<16xf32>,
      %parallel_loop3A_829 = arith.constant 1 : i32
      %parallel_loop3A_830 = arith.addi %parallel_loop3A_745, %parallel_loop3A_829 : i32
      %parallel_loop3A_831 = arith.index_cast %parallel_loop3A_830 : i32 to index
      %parallel_loop3A_832 = arith.constant 48 : index
      %parallel_loop3A_833 = tpu.vector_load %arg10[%parallel_loop3A_831, %parallel_loop3A_832] {strides = array<i32>} : memref<80x128xf32, #tpu.memory_space<vmem>>, vector<16xf32>,
      %parallel_loop3A_834 = arith.mulf %parallel_loop3A_833, %parallel_loop3A_743 : vector<16xf32>
      %parallel_loop3A_835 = arith.index_cast %parallel_loop3A_830 : i32 to index
      %parallel_loop3A_836 = arith.constant 48 : index
      %parallel_loop3A_837 = tpu.vector_load %arg10[%parallel_loop3A_835, %parallel_loop3A_836] {strides = array<i32>} : memref<80x128xf32, #tpu.memory_space<vmem>>, vector<16xf32>,
      tpu.vector_store %arg10[%parallel_loop3A_835, %parallel_loop3A_836], %parallel_loop3A_834 {strides = array<i32>} : memref<80x128xf32, #tpu.memory_space<vmem>>, vector<16xf32>,
      %parallel_loop3A_838 = arith.constant 1 : i32
      %parallel_loop3A_839 = arith.addi %parallel_loop3A_745, %parallel_loop3A_838 : i32
      %parallel_loop3A_840 = arith.index_cast %parallel_loop3A_839 : i32 to index
      %parallel_loop3A_841 = arith.constant 64 : index
      %parallel_loop3A_842 = tpu.vector_load %arg10[%parallel_loop3A_840, %parallel_loop3A_841] {strides = array<i32>} : memref<80x128xf32, #tpu.memory_space<vmem>>, vector<16xf32>,
      %parallel_loop3A_843 = arith.mulf %parallel_loop3A_842, %parallel_loop3A_743 : vector<16xf32>
      %parallel_loop3A_844 = arith.index_cast %parallel_loop3A_839 : i32 to index
      %parallel_loop3A_845 = arith.constant 64 : index
      %parallel_loop3A_846 = tpu.vector_load %arg10[%parallel_loop3A_844, %parallel_loop3A_845] {strides = array<i32>} : memref<80x128xf32, #tpu.memory_space<vmem>>, vector<16xf32>,
      tpu.vector_store %arg10[%parallel_loop3A_844, %parallel_loop3A_845], %parallel_loop3A_843 {strides = array<i32>} : memref<80x128xf32, #tpu.memory_space<vmem>>, vector<16xf32>,
      %parallel_loop3A_847 = arith.constant 1 : i32
      %parallel_loop3A_848 = arith.addi %parallel_loop3A_745, %parallel_loop3A_847 : i32
      %parallel_loop3A_849 = arith.index_cast %parallel_loop3A_848 : i32 to index
      %parallel_loop3A_850 = arith.constant 80 : index
      %parallel_loop3A_851 = tpu.vector_load %arg10[%parallel_loop3A_849, %parallel_loop3A_850] {strides = array<i32>} : memref<80x128xf32, #tpu.memory_space<vmem>>, vector<16xf32>,
      %parallel_loop3A_852 = arith.mulf %parallel_loop3A_851, %parallel_loop3A_743 : vector<16xf32>
      %parallel_loop3A_853 = arith.index_cast %parallel_loop3A_848 : i32 to index
      %parallel_loop3A_854 = arith.constant 80 : index
      %parallel_loop3A_855 = tpu.vector_load %arg10[%parallel_loop3A_853, %parallel_loop3A_854] {strides = array<i32>} : memref<80x128xf32, #tpu.memory_space<vmem>>, vector<16xf32>,
      tpu.vector_store %arg10[%parallel_loop3A_853, %parallel_loop3A_854], %parallel_loop3A_852 {strides = array<i32>} : memref<80x128xf32, #tpu.memory_space<vmem>>, vector<16xf32>,
      %parallel_loop3A_856 = arith.constant 1 : i32
      %parallel_loop3A_857 = arith.addi %parallel_loop3A_745, %parallel_loop3A_856 : i32
      %parallel_loop3A_858 = arith.index_cast %parallel_loop3A_857 : i32 to index
      %parallel_loop3A_859 = arith.constant 96 : index
      %parallel_loop3A_860 = tpu.vector_load %arg10[%parallel_loop3A_858, %parallel_loop3A_859] {strides = array<i32>} : memref<80x128xf32, #tpu.memory_space<vmem>>, vector<16xf32>,
      %parallel_loop3A_861 = arith.mulf %parallel_loop3A_860, %parallel_loop3A_743 : vector<16xf32>
      %parallel_loop3A_862 = arith.index_cast %parallel_loop3A_857 : i32 to index
      %parallel_loop3A_863 = arith.constant 96 : index
      %parallel_loop3A_864 = tpu.vector_load %arg10[%parallel_loop3A_862, %parallel_loop3A_863] {strides = array<i32>} : memref<80x128xf32, #tpu.memory_space<vmem>>, vector<16xf32>,
      tpu.vector_store %arg10[%parallel_loop3A_862, %parallel_loop3A_863], %parallel_loop3A_861 {strides = array<i32>} : memref<80x128xf32, #tpu.memory_space<vmem>>, vector<16xf32>,
      %parallel_loop3A_865 = arith.constant 1 : i32
      %parallel_loop3A_866 = arith.addi %parallel_loop3A_745, %parallel_loop3A_865 : i32
      %parallel_loop3A_867 = arith.index_cast %parallel_loop3A_866 : i32 to index
      %parallel_loop3A_868 = arith.constant 112 : index
      %parallel_loop3A_869 = tpu.vector_load %arg10[%parallel_loop3A_867, %parallel_loop3A_868] {strides = array<i32>} : memref<80x128xf32, #tpu.memory_space<vmem>>, vector<16xf32>,
      %parallel_loop3A_870 = arith.mulf %parallel_loop3A_869, %parallel_loop3A_743 : vector<16xf32>
      %parallel_loop3A_871 = arith.index_cast %parallel_loop3A_866 : i32 to index
      %parallel_loop3A_872 = arith.constant 112 : index
      %parallel_loop3A_873 = tpu.vector_load %arg10[%parallel_loop3A_871, %parallel_loop3A_872] {strides = array<i32>} : memref<80x128xf32, #tpu.memory_space<vmem>>, vector<16xf32>,
      tpu.vector_store %arg10[%parallel_loop3A_871, %parallel_loop3A_872], %parallel_loop3A_870 {strides = array<i32>} : memref<80x128xf32, #tpu.memory_space<vmem>>, vector<16xf32>,
    } {sc.loop_unroll_factor = 2 : i64, sc.parallel_access}
    %dma_start3A_705 = arith.constant 124 : i32
    %dma_start3A_706 = arith.constant 0 : i32
    %dma_start3A_707 = tpu.memref_slice %arg8[%dma_start3A_705, %dma_start3A_706] : memref<125x80xi32, #tpu.memory_space<vmem>> -> memref<1x80xi32, #tpu.memory_space<vmem>>
    %dma_start3A_708 = tpu.memref_squeeze %dma_start3A_707 : memref<1x80xi32, #tpu.memory_space<vmem>> -> memref<80xi32, #tpu.memory_space<vmem>>
    %dma_start3A_709 = arith.constant 0 : i32
    %dma_start3A_710 = arith.constant 0 : i32
    %dma_start3A_711 = tpu.memref_slice %arg12[%dma_start3A_709, %dma_start3A_710] : memref<10000x128xf32, #tpu.memory_space<vmem_shared>> -> memref<10000x128xf32, #tpu.memory_space<vmem_shared>>
    tpu.enqueue_indirect_dma source(%arg10 : memref<80x128xf32, #tpu.memory_space<vmem>>) target(%dma_start3A_711 : memref<10000x128xf32, #tpu.memory_space<vmem_shared>>) offsets(%dma_start3A_708 : memref<80xi32, #tpu.memory_space<vmem>>) semaphore(%arg15 : memref<!tpu.dma_semaphore, #tpu.memory_space<semaphore_mem>>) {add = true}
    %dma_wait3A_712 = arith.constant 124 : i32
    %dma_wait3A_713 = arith.constant 0 : i32
    %dma_wait3A_714 = tpu.memref_slice %arg8[%dma_wait3A_712, %dma_wait3A_713] : memref<125x80xi32, #tpu.memory_space<vmem>> -> memref<1x80xi32, #tpu.memory_space<vmem>>
    %dma_wait3A_715 = tpu.memref_squeeze %dma_wait3A_714 : memref<1x80xi32, #tpu.memory_space<vmem>> -> memref<80xi32, #tpu.memory_space<vmem>>
    %dma_wait3A_716 = arith.constant 0 : i32
    %dma_wait3A_717 = arith.constant 0 : i32
    %dma_wait3A_718 = tpu.memref_slice %arg12[%dma_wait3A_716, %dma_wait3A_717] : memref<10000x128xf32, #tpu.memory_space<vmem_shared>> -> memref<10000x128xf32, #tpu.memory_space<vmem_shared>>
    tpu.wait_indirect_dma semaphore(%arg15 : memref<!tpu.dma_semaphore, #tpu.memory_space<semaphore_mem>>) src(%arg10 : memref<80x128xf32, #tpu.memory_space<vmem>>) dst(%dma_wait3A_718 : memref<10000x128xf32, #tpu.memory_space<vmem_shared>>)
    %dma_wait3A_719 = arith.constant 123 : i32
    %dma_wait3A_720 = arith.constant 0 : i32
    %dma_wait3A_721 = tpu.memref_slice %arg8[%dma_wait3A_719, %dma_wait3A_720] : memref<125x80xi32, #tpu.memory_space<vmem>> -> memref<1x80xi32, #tpu.memory_space<vmem>>
    %dma_wait3A_722 = tpu.memref_squeeze %dma_wait3A_721 : memref<1x80xi32, #tpu.memory_space<vmem>> -> memref<80xi32, #tpu.memory_space<vmem>>
    %dma_wait3A_723 = arith.constant 0 : i32
    %dma_wait3A_724 = arith.constant 0 : i32
    %dma_wait3A_725 = tpu.memref_slice %arg12[%dma_wait3A_723, %dma_wait3A_724] : memref<10000x128xf32, #tpu.memory_space<vmem_shared>> -> memref<10000x128xf32, #tpu.memory_space<vmem_shared>>
    tpu.wait_indirect_dma semaphore(%arg16 : memref<!tpu.dma_semaphore, #tpu.memory_space<semaphore_mem>>) src(%arg11 : memref<80x128xf32, #tpu.memory_space<vmem>>) dst(%dma_wait3A_725 : memref<10000x128xf32, #tpu.memory_space<vmem_shared>>)
    %barrier3A_726 = arith.constant 0 : index
    tpu.barrier barrier_id(%barrier3A_726)
    %mul3A_727 = arith.constant 625 : i32
    %mul3A_728 = arith.muli %arg1, %mul3A_727 : i32
    %mul3A_729 = arith.constant 625 : i32
    %mul3A_730 = arith.muli %arg1, %mul3A_729 : i32
    "tpu.region"() ({
      %run_scoped3A = tpu.sem_alloc : memref<!tpu.dma_semaphore, #tpu.memory_space<semaphore_mem>>
      %dma_start3A_731 = arith.constant 0 : i32
      %dma_start3A_732 = tpu.memref_slice %arg6[%arg0, %mul3A_730, %dma_start3A_731] : memref<2x10000x128xf32, #tpu.memory_space<hbm>> -> memref<1x625x128xf32, #tpu.memory_space<hbm>>
      %dma_start3A_733 = tpu.memref_squeeze %dma_start3A_732 : memref<1x625x128xf32, #tpu.memory_space<hbm>> -> memref<625x128xf32, #tpu.memory_space<hbm>>
      %dma_start3A_734 = arith.constant 0 : i32
      %dma_start3A_735 = tpu.memref_slice %arg12[%mul3A_728, %dma_start3A_734] : memref<10000x128xf32, #tpu.memory_space<vmem_shared>> -> memref<625x128xf32, #tpu.memory_space<vmem_shared>>
      tpu.enqueue_dma source(%dma_start3A_735 : memref<625x128xf32, #tpu.memory_space<vmem_shared>>) target(%dma_start3A_733 : memref<625x128xf32, #tpu.memory_space<hbm>>) target_semaphore(%run_scoped3A : memref<!tpu.dma_semaphore, #tpu.memory_space<semaphore_mem>>)
      %dma_wait3A_736 = arith.constant 0 : i32
      %dma_wait3A_737 = tpu.memref_slice %arg6[%arg0, %mul3A_730, %dma_wait3A_736] : memref<2x10000x128xf32, #tpu.memory_space<hbm>> -> memref<1x625x128xf32, #tpu.memory_space<hbm>>
      %dma_wait3A_738 = tpu.memref_squeeze %dma_wait3A_737 : memref<1x625x128xf32, #tpu.memory_space<hbm>> -> memref<625x128xf32, #tpu.memory_space<hbm>>
      %dma_wait3A_739 = arith.constant 0 : i32
      %dma_wait3A_740 = tpu.memref_slice %arg12[%mul3A_728, %dma_wait3A_739] : memref<10000x128xf32, #tpu.memory_space<vmem_shared>> -> memref<625x128xf32, #tpu.memory_space<vmem_shared>>
      tpu.wait_dma2 semaphore(%run_scoped3A : memref<!tpu.dma_semaphore, #tpu.memory_space<semaphore_mem>>) src(%dma_wait3A_740 : memref<625x128xf32, #tpu.memory_space<vmem_shared>>) dst(%dma_wait3A_738 : memref<625x128xf32, #tpu.memory_space<hbm>>)
      tpu.yield
    }) : () -> ()
    return
  }
}

module attributes {stable_mosaic.version = 14 : i64} {
  func.func @_xw_body(%arg0: i32, %arg1: memref<8x4xf32, #tpu.memory_space<smem>>, %arg2: memref<4x128x128xf32, #tpu.memory_space<vmem>>, %arg3: memref<128x128xf32, #tpu.memory_space<vmem>>, %arg4: memref<1x128xf32, #tpu.memory_space<vmem>>, %arg5: memref<400x128xf32, #tpu.memory_space<vmem>>, %arg6: memref<8x400x128xf32, #tpu.memory_space<vmem>>, %arg7: memref<400x128xf32, #tpu.memory_space<vmem>>) attributes {dimension_semantics = [#tpu.dimension_semantics<arbitrary>], iteration_bounds = array<i64: 25>, scalar_prefetch = 0 : i64, scratch_operands = 0 : i64, tpu.core_type = #tpu.core_type<tc>, window_params = [{transform_indices = @transform_0, window_bounds = array<i64: 8, 4>}, {pipeline_mode = #tpu.pipeline_mode<synchronous>, transform_indices = @transform_1, window_bounds = array<i64: 4, 128, 128>}, {pipeline_mode = #tpu.pipeline_mode<synchronous>, transform_indices = @transform_2, window_bounds = array<i64: 128, 128>}, {pipeline_mode = #tpu.pipeline_mode<synchronous>, transform_indices = @transform_3, window_bounds = array<i64: 1, 128>}, {transform_indices = @transform_4, window_bounds = array<i64: 400, 128>}, {transform_indices = @transform_5, window_bounds = array<i64: 8, 400, 128>}, {transform_indices = @transform_6, window_bounds = array<i64: 400, 128>}]} {
    %get3A = arith.constant 0 : index
    %get3A_0 = arith.constant 0 : index
    %get3A_1 = vector.load %arg5[%get3A, %get3A_0] : memref<400x128xf32, #tpu.memory_space<vmem>>, vector<400x128xf32>
    %get3A_2 = arith.constant 0 : index
    %get3A_3 = arith.constant 0 : index
    %get3A_4 = arith.constant 0 : index
    %get3A_5 = vector.load %arg2[%get3A_2, %get3A_3, %get3A_4] : memref<4x128x128xf32, #tpu.memory_space<vmem>>, vector<1x128x128xf32>
    %get3A_6 = vector.shape_cast %get3A_5 : vector<1x128x128xf32> to vector<128x128xf32>
    %dot_general3A = arith.constant dense<0.000000e+00> : vector<400x128xf32>
    %dot_general3A_7 = tpu.matmul %get3A_1, %get3A_6, %dot_general3A {dimension_numbers = #tpu.dot_dimension_numbers<[1], [0], [0], [1], [0, 0, 1, 1], [], []>, transpose_lhs_hint = false} : vector<400x128xf32>, vector<128x128xf32>, vector<400x128xf32> -> vector<400x128xf32>
    %get3A_8 = arith.constant 1 : index
    %get3A_9 = arith.constant 0 : index
    %get3A_10 = arith.constant 0 : index
    %get3A_11 = vector.load %arg2[%get3A_8, %get3A_9, %get3A_10] : memref<4x128x128xf32, #tpu.memory_space<vmem>>, vector<1x128x128xf32>
    %get3A_12 = vector.shape_cast %get3A_11 : vector<1x128x128xf32> to vector<128x128xf32>
    %dot_general3A_13 = arith.constant dense<0.000000e+00> : vector<400x128xf32>
    %dot_general3A_14 = tpu.matmul %get3A_1, %get3A_12, %dot_general3A_13 {dimension_numbers = #tpu.dot_dimension_numbers<[1], [0], [0], [1], [0, 0, 1, 1], [], []>, transpose_lhs_hint = false} : vector<400x128xf32>, vector<128x128xf32>, vector<400x128xf32> -> vector<400x128xf32>
    %get3A_15 = arith.constant 2 : index
    %get3A_16 = arith.constant 0 : index
    %get3A_17 = arith.constant 0 : index
    %get3A_18 = vector.load %arg2[%get3A_15, %get3A_16, %get3A_17] : memref<4x128x128xf32, #tpu.memory_space<vmem>>, vector<1x128x128xf32>
    %get3A_19 = vector.shape_cast %get3A_18 : vector<1x128x128xf32> to vector<128x128xf32>
    %dot_general3A_20 = arith.constant dense<0.000000e+00> : vector<400x128xf32>
    %dot_general3A_21 = tpu.matmul %get3A_1, %get3A_19, %dot_general3A_20 {dimension_numbers = #tpu.dot_dimension_numbers<[1], [0], [0], [1], [0, 0, 1, 1], [], []>, transpose_lhs_hint = false} : vector<400x128xf32>, vector<128x128xf32>, vector<400x128xf32> -> vector<400x128xf32>
    %get3A_22 = arith.constant 3 : index
    %get3A_23 = arith.constant 0 : index
    %get3A_24 = arith.constant 0 : index
    %get3A_25 = vector.load %arg2[%get3A_22, %get3A_23, %get3A_24] : memref<4x128x128xf32, #tpu.memory_space<vmem>>, vector<1x128x128xf32>
    %get3A_26 = vector.shape_cast %get3A_25 : vector<1x128x128xf32> to vector<128x128xf32>
    %dot_general3A_27 = arith.constant dense<0.000000e+00> : vector<400x128xf32>
    %dot_general3A_28 = tpu.matmul %get3A_1, %get3A_26, %dot_general3A_27 {dimension_numbers = #tpu.dot_dimension_numbers<[1], [0], [0], [1], [0, 0, 1, 1], [], []>, transpose_lhs_hint = false} : vector<400x128xf32>, vector<128x128xf32>, vector<400x128xf32> -> vector<400x128xf32>
    %get3A_29 = arith.constant 0 : index
    %get3A_30 = arith.constant 0 : index
    %get3A_31 = memref.load %arg1[%get3A_29, %get3A_30] : memref<8x4xf32, #tpu.memory_space<smem>>
    %mul3A = vector.broadcast %get3A_31 : f32 to vector<400x128xf32>
    %mul3A_32 = arith.mulf %dot_general3A_7, %mul3A : vector<400x128xf32>
    %get3A_33 = arith.constant 0 : index
    %get3A_34 = arith.constant 1 : index
    %get3A_35 = memref.load %arg1[%get3A_33, %get3A_34] : memref<8x4xf32, #tpu.memory_space<smem>>
    %mul3A_36 = vector.broadcast %get3A_35 : f32 to vector<400x128xf32>
    %mul3A_37 = arith.mulf %dot_general3A_14, %mul3A_36 : vector<400x128xf32>
    %add3A = arith.addf %mul3A_32, %mul3A_37 : vector<400x128xf32>
    %get3A_38 = arith.constant 0 : index
    %get3A_39 = arith.constant 2 : index
    %get3A_40 = memref.load %arg1[%get3A_38, %get3A_39] : memref<8x4xf32, #tpu.memory_space<smem>>
    %mul3A_41 = vector.broadcast %get3A_40 : f32 to vector<400x128xf32>
    %mul3A_42 = arith.mulf %dot_general3A_21, %mul3A_41 : vector<400x128xf32>
    %add3A_43 = arith.addf %add3A, %mul3A_42 : vector<400x128xf32>
    %get3A_44 = arith.constant 0 : index
    %get3A_45 = arith.constant 3 : index
    %get3A_46 = memref.load %arg1[%get3A_44, %get3A_45] : memref<8x4xf32, #tpu.memory_space<smem>>
    %mul3A_47 = vector.broadcast %get3A_46 : f32 to vector<400x128xf32>
    %mul3A_48 = arith.mulf %dot_general3A_28, %mul3A_47 : vector<400x128xf32>
    %add3A_49 = arith.addf %add3A_43, %mul3A_48 : vector<400x128xf32>
    %swap3A = arith.constant 0 : index
    %swap3A_50 = arith.constant 0 : index
    %swap3A_51 = arith.constant 0 : index
    %swap3A_52 = vector.load %arg6[%swap3A, %swap3A_50, %swap3A_51] : memref<8x400x128xf32, #tpu.memory_space<vmem>>, vector<1x400x128xf32>
    %swap3A_53 = vector.shape_cast %swap3A_52 : vector<1x400x128xf32> to vector<400x128xf32>
    %swap3A_54 = vector.shape_cast %add3A_49 : vector<400x128xf32> to vector<1x400x128xf32>
    tpu.vector_store %arg6[%swap3A, %swap3A_50, %swap3A_51], %swap3A_54 {strides = array<i32>} : memref<8x400x128xf32, #tpu.memory_space<vmem>>, vector<1x400x128xf32>,
    %get3A_55 = arith.constant 1 : index
    %get3A_56 = arith.constant 0 : index
    %get3A_57 = memref.load %arg1[%get3A_55, %get3A_56] : memref<8x4xf32, #tpu.memory_space<smem>>
    %mul3A_58 = vector.broadcast %get3A_57 : f32 to vector<400x128xf32>
    %mul3A_59 = arith.mulf %dot_general3A_7, %mul3A_58 : vector<400x128xf32>
    %get3A_60 = arith.constant 1 : index
    %get3A_61 = arith.constant 1 : index
    %get3A_62 = memref.load %arg1[%get3A_60, %get3A_61] : memref<8x4xf32, #tpu.memory_space<smem>>
    %mul3A_63 = vector.broadcast %get3A_62 : f32 to vector<400x128xf32>
    %mul3A_64 = arith.mulf %dot_general3A_14, %mul3A_63 : vector<400x128xf32>
    %add3A_65 = arith.addf %mul3A_59, %mul3A_64 : vector<400x128xf32>
    %get3A_66 = arith.constant 1 : index
    %get3A_67 = arith.constant 2 : index
    %get3A_68 = memref.load %arg1[%get3A_66, %get3A_67] : memref<8x4xf32, #tpu.memory_space<smem>>
    %mul3A_69 = vector.broadcast %get3A_68 : f32 to vector<400x128xf32>
    %mul3A_70 = arith.mulf %dot_general3A_21, %mul3A_69 : vector<400x128xf32>
    %add3A_71 = arith.addf %add3A_65, %mul3A_70 : vector<400x128xf32>
    %get3A_72 = arith.constant 1 : index
    %get3A_73 = arith.constant 3 : index
    %get3A_74 = memref.load %arg1[%get3A_72, %get3A_73] : memref<8x4xf32, #tpu.memory_space<smem>>
    %mul3A_75 = vector.broadcast %get3A_74 : f32 to vector<400x128xf32>
    %mul3A_76 = arith.mulf %dot_general3A_28, %mul3A_75 : vector<400x128xf32>
    %add3A_77 = arith.addf %add3A_71, %mul3A_76 : vector<400x128xf32>
    %swap3A_78 = arith.constant 1 : index
    %swap3A_79 = arith.constant 0 : index
    %swap3A_80 = arith.constant 0 : index
    %swap3A_81 = vector.load %arg6[%swap3A_78, %swap3A_79, %swap3A_80] : memref<8x400x128xf32, #tpu.memory_space<vmem>>, vector<1x400x128xf32>
    %swap3A_82 = vector.shape_cast %swap3A_81 : vector<1x400x128xf32> to vector<400x128xf32>
    %swap3A_83 = vector.shape_cast %add3A_77 : vector<400x128xf32> to vector<1x400x128xf32>
    tpu.vector_store %arg6[%swap3A_78, %swap3A_79, %swap3A_80], %swap3A_83 {strides = array<i32>} : memref<8x400x128xf32, #tpu.memory_space<vmem>>, vector<1x400x128xf32>,
    %get3A_84 = arith.constant 2 : index
    %get3A_85 = arith.constant 0 : index
    %get3A_86 = memref.load %arg1[%get3A_84, %get3A_85] : memref<8x4xf32, #tpu.memory_space<smem>>
    %mul3A_87 = vector.broadcast %get3A_86 : f32 to vector<400x128xf32>
    %mul3A_88 = arith.mulf %dot_general3A_7, %mul3A_87 : vector<400x128xf32>
    %get3A_89 = arith.constant 2 : index
    %get3A_90 = arith.constant 1 : index
    %get3A_91 = memref.load %arg1[%get3A_89, %get3A_90] : memref<8x4xf32, #tpu.memory_space<smem>>
    %mul3A_92 = vector.broadcast %get3A_91 : f32 to vector<400x128xf32>
    %mul3A_93 = arith.mulf %dot_general3A_14, %mul3A_92 : vector<400x128xf32>
    %add3A_94 = arith.addf %mul3A_88, %mul3A_93 : vector<400x128xf32>
    %get3A_95 = arith.constant 2 : index
    %get3A_96 = arith.constant 2 : index
    %get3A_97 = memref.load %arg1[%get3A_95, %get3A_96] : memref<8x4xf32, #tpu.memory_space<smem>>
    %mul3A_98 = vector.broadcast %get3A_97 : f32 to vector<400x128xf32>
    %mul3A_99 = arith.mulf %dot_general3A_21, %mul3A_98 : vector<400x128xf32>
    %add3A_100 = arith.addf %add3A_94, %mul3A_99 : vector<400x128xf32>
    %get3A_101 = arith.constant 2 : index
    %get3A_102 = arith.constant 3 : index
    %get3A_103 = memref.load %arg1[%get3A_101, %get3A_102] : memref<8x4xf32, #tpu.memory_space<smem>>
    %mul3A_104 = vector.broadcast %get3A_103 : f32 to vector<400x128xf32>
    %mul3A_105 = arith.mulf %dot_general3A_28, %mul3A_104 : vector<400x128xf32>
    %add3A_106 = arith.addf %add3A_100, %mul3A_105 : vector<400x128xf32>
    %swap3A_107 = arith.constant 2 : index
    %swap3A_108 = arith.constant 0 : index
    %swap3A_109 = arith.constant 0 : index
    %swap3A_110 = vector.load %arg6[%swap3A_107, %swap3A_108, %swap3A_109] : memref<8x400x128xf32, #tpu.memory_space<vmem>>, vector<1x400x128xf32>
    %swap3A_111 = vector.shape_cast %swap3A_110 : vector<1x400x128xf32> to vector<400x128xf32>
    %swap3A_112 = vector.shape_cast %add3A_106 : vector<400x128xf32> to vector<1x400x128xf32>
    tpu.vector_store %arg6[%swap3A_107, %swap3A_108, %swap3A_109], %swap3A_112 {strides = array<i32>} : memref<8x400x128xf32, #tpu.memory_space<vmem>>, vector<1x400x128xf32>,
    %get3A_113 = arith.constant 3 : index
    %get3A_114 = arith.constant 0 : index
    %get3A_115 = memref.load %arg1[%get3A_113, %get3A_114] : memref<8x4xf32, #tpu.memory_space<smem>>
    %mul3A_116 = vector.broadcast %get3A_115 : f32 to vector<400x128xf32>
    %mul3A_117 = arith.mulf %dot_general3A_7, %mul3A_116 : vector<400x128xf32>
    %get3A_118 = arith.constant 3 : index
    %get3A_119 = arith.constant 1 : index
    %get3A_120 = memref.load %arg1[%get3A_118, %get3A_119] : memref<8x4xf32, #tpu.memory_space<smem>>
    %mul3A_121 = vector.broadcast %get3A_120 : f32 to vector<400x128xf32>
    %mul3A_122 = arith.mulf %dot_general3A_14, %mul3A_121 : vector<400x128xf32>
    %add3A_123 = arith.addf %mul3A_117, %mul3A_122 : vector<400x128xf32>
    %get3A_124 = arith.constant 3 : index
    %get3A_125 = arith.constant 2 : index
    %get3A_126 = memref.load %arg1[%get3A_124, %get3A_125] : memref<8x4xf32, #tpu.memory_space<smem>>
    %mul3A_127 = vector.broadcast %get3A_126 : f32 to vector<400x128xf32>
    %mul3A_128 = arith.mulf %dot_general3A_21, %mul3A_127 : vector<400x128xf32>
    %add3A_129 = arith.addf %add3A_123, %mul3A_128 : vector<400x128xf32>
    %get3A_130 = arith.constant 3 : index
    %get3A_131 = arith.constant 3 : index
    %get3A_132 = memref.load %arg1[%get3A_130, %get3A_131] : memref<8x4xf32, #tpu.memory_space<smem>>
    %mul3A_133 = vector.broadcast %get3A_132 : f32 to vector<400x128xf32>
    %mul3A_134 = arith.mulf %dot_general3A_28, %mul3A_133 : vector<400x128xf32>
    %add3A_135 = arith.addf %add3A_129, %mul3A_134 : vector<400x128xf32>
    %swap3A_136 = arith.constant 3 : index
    %swap3A_137 = arith.constant 0 : index
    %swap3A_138 = arith.constant 0 : index
    %swap3A_139 = vector.load %arg6[%swap3A_136, %swap3A_137, %swap3A_138] : memref<8x400x128xf32, #tpu.memory_space<vmem>>, vector<1x400x128xf32>
    %swap3A_140 = vector.shape_cast %swap3A_139 : vector<1x400x128xf32> to vector<400x128xf32>
    %swap3A_141 = vector.shape_cast %add3A_135 : vector<400x128xf32> to vector<1x400x128xf32>
    tpu.vector_store %arg6[%swap3A_136, %swap3A_137, %swap3A_138], %swap3A_141 {strides = array<i32>} : memref<8x400x128xf32, #tpu.memory_space<vmem>>, vector<1x400x128xf32>,
    %get3A_142 = arith.constant 4 : index
    %get3A_143 = arith.constant 0 : index
    %get3A_144 = memref.load %arg1[%get3A_142, %get3A_143] : memref<8x4xf32, #tpu.memory_space<smem>>
    %mul3A_145 = vector.broadcast %get3A_144 : f32 to vector<400x128xf32>
    %mul3A_146 = arith.mulf %dot_general3A_7, %mul3A_145 : vector<400x128xf32>
    %get3A_147 = arith.constant 4 : index
    %get3A_148 = arith.constant 1 : index
    %get3A_149 = memref.load %arg1[%get3A_147, %get3A_148] : memref<8x4xf32, #tpu.memory_space<smem>>
    %mul3A_150 = vector.broadcast %get3A_149 : f32 to vector<400x128xf32>
    %mul3A_151 = arith.mulf %dot_general3A_14, %mul3A_150 : vector<400x128xf32>
    %add3A_152 = arith.addf %mul3A_146, %mul3A_151 : vector<400x128xf32>
    %get3A_153 = arith.constant 4 : index
    %get3A_154 = arith.constant 2 : index
    %get3A_155 = memref.load %arg1[%get3A_153, %get3A_154] : memref<8x4xf32, #tpu.memory_space<smem>>
    %mul3A_156 = vector.broadcast %get3A_155 : f32 to vector<400x128xf32>
    %mul3A_157 = arith.mulf %dot_general3A_21, %mul3A_156 : vector<400x128xf32>
    %add3A_158 = arith.addf %add3A_152, %mul3A_157 : vector<400x128xf32>
    %get3A_159 = arith.constant 4 : index
    %get3A_160 = arith.constant 3 : index
    %get3A_161 = memref.load %arg1[%get3A_159, %get3A_160] : memref<8x4xf32, #tpu.memory_space<smem>>
    %mul3A_162 = vector.broadcast %get3A_161 : f32 to vector<400x128xf32>
    %mul3A_163 = arith.mulf %dot_general3A_28, %mul3A_162 : vector<400x128xf32>
    %add3A_164 = arith.addf %add3A_158, %mul3A_163 : vector<400x128xf32>
    %swap3A_165 = arith.constant 4 : index
    %swap3A_166 = arith.constant 0 : index
    %swap3A_167 = arith.constant 0 : index
    %swap3A_168 = vector.load %arg6[%swap3A_165, %swap3A_166, %swap3A_167] : memref<8x400x128xf32, #tpu.memory_space<vmem>>, vector<1x400x128xf32>
    %swap3A_169 = vector.shape_cast %swap3A_168 : vector<1x400x128xf32> to vector<400x128xf32>
    %swap3A_170 = vector.shape_cast %add3A_164 : vector<400x128xf32> to vector<1x400x128xf32>
    tpu.vector_store %arg6[%swap3A_165, %swap3A_166, %swap3A_167], %swap3A_170 {strides = array<i32>} : memref<8x400x128xf32, #tpu.memory_space<vmem>>, vector<1x400x128xf32>,
    %get3A_171 = arith.constant 5 : index
    %get3A_172 = arith.constant 0 : index
    %get3A_173 = memref.load %arg1[%get3A_171, %get3A_172] : memref<8x4xf32, #tpu.memory_space<smem>>
    %mul3A_174 = vector.broadcast %get3A_173 : f32 to vector<400x128xf32>
    %mul3A_175 = arith.mulf %dot_general3A_7, %mul3A_174 : vector<400x128xf32>
    %get3A_176 = arith.constant 5 : index
    %get3A_177 = arith.constant 1 : index
    %get3A_178 = memref.load %arg1[%get3A_176, %get3A_177] : memref<8x4xf32, #tpu.memory_space<smem>>
    %mul3A_179 = vector.broadcast %get3A_178 : f32 to vector<400x128xf32>
    %mul3A_180 = arith.mulf %dot_general3A_14, %mul3A_179 : vector<400x128xf32>
    %add3A_181 = arith.addf %mul3A_175, %mul3A_180 : vector<400x128xf32>
    %get3A_182 = arith.constant 5 : index
    %get3A_183 = arith.constant 2 : index
    %get3A_184 = memref.load %arg1[%get3A_182, %get3A_183] : memref<8x4xf32, #tpu.memory_space<smem>>
    %mul3A_185 = vector.broadcast %get3A_184 : f32 to vector<400x128xf32>
    %mul3A_186 = arith.mulf %dot_general3A_21, %mul3A_185 : vector<400x128xf32>
    %add3A_187 = arith.addf %add3A_181, %mul3A_186 : vector<400x128xf32>
    %get3A_188 = arith.constant 5 : index
    %get3A_189 = arith.constant 3 : index
    %get3A_190 = memref.load %arg1[%get3A_188, %get3A_189] : memref<8x4xf32, #tpu.memory_space<smem>>
    %mul3A_191 = vector.broadcast %get3A_190 : f32 to vector<400x128xf32>
    %mul3A_192 = arith.mulf %dot_general3A_28, %mul3A_191 : vector<400x128xf32>
    %add3A_193 = arith.addf %add3A_187, %mul3A_192 : vector<400x128xf32>
    %swap3A_194 = arith.constant 5 : index
    %swap3A_195 = arith.constant 0 : index
    %swap3A_196 = arith.constant 0 : index
    %swap3A_197 = vector.load %arg6[%swap3A_194, %swap3A_195, %swap3A_196] : memref<8x400x128xf32, #tpu.memory_space<vmem>>, vector<1x400x128xf32>
    %swap3A_198 = vector.shape_cast %swap3A_197 : vector<1x400x128xf32> to vector<400x128xf32>
    %swap3A_199 = vector.shape_cast %add3A_193 : vector<400x128xf32> to vector<1x400x128xf32>
    tpu.vector_store %arg6[%swap3A_194, %swap3A_195, %swap3A_196], %swap3A_199 {strides = array<i32>} : memref<8x400x128xf32, #tpu.memory_space<vmem>>, vector<1x400x128xf32>,
    %get3A_200 = arith.constant 6 : index
    %get3A_201 = arith.constant 0 : index
    %get3A_202 = memref.load %arg1[%get3A_200, %get3A_201] : memref<8x4xf32, #tpu.memory_space<smem>>
    %mul3A_203 = vector.broadcast %get3A_202 : f32 to vector<400x128xf32>
    %mul3A_204 = arith.mulf %dot_general3A_7, %mul3A_203 : vector<400x128xf32>
    %get3A_205 = arith.constant 6 : index
    %get3A_206 = arith.constant 1 : index
    %get3A_207 = memref.load %arg1[%get3A_205, %get3A_206] : memref<8x4xf32, #tpu.memory_space<smem>>
    %mul3A_208 = vector.broadcast %get3A_207 : f32 to vector<400x128xf32>
    %mul3A_209 = arith.mulf %dot_general3A_14, %mul3A_208 : vector<400x128xf32>
    %add3A_210 = arith.addf %mul3A_204, %mul3A_209 : vector<400x128xf32>
    %get3A_211 = arith.constant 6 : index
    %get3A_212 = arith.constant 2 : index
    %get3A_213 = memref.load %arg1[%get3A_211, %get3A_212] : memref<8x4xf32, #tpu.memory_space<smem>>
    %mul3A_214 = vector.broadcast %get3A_213 : f32 to vector<400x128xf32>
    %mul3A_215 = arith.mulf %dot_general3A_21, %mul3A_214 : vector<400x128xf32>
    %add3A_216 = arith.addf %add3A_210, %mul3A_215 : vector<400x128xf32>
    %get3A_217 = arith.constant 6 : index
    %get3A_218 = arith.constant 3 : index
    %get3A_219 = memref.load %arg1[%get3A_217, %get3A_218] : memref<8x4xf32, #tpu.memory_space<smem>>
    %mul3A_220 = vector.broadcast %get3A_219 : f32 to vector<400x128xf32>
    %mul3A_221 = arith.mulf %dot_general3A_28, %mul3A_220 : vector<400x128xf32>
    %add3A_222 = arith.addf %add3A_216, %mul3A_221 : vector<400x128xf32>
    %swap3A_223 = arith.constant 6 : index
    %swap3A_224 = arith.constant 0 : index
    %swap3A_225 = arith.constant 0 : index
    %swap3A_226 = vector.load %arg6[%swap3A_223, %swap3A_224, %swap3A_225] : memref<8x400x128xf32, #tpu.memory_space<vmem>>, vector<1x400x128xf32>
    %swap3A_227 = vector.shape_cast %swap3A_226 : vector<1x400x128xf32> to vector<400x128xf32>
    %swap3A_228 = vector.shape_cast %add3A_222 : vector<400x128xf32> to vector<1x400x128xf32>
    tpu.vector_store %arg6[%swap3A_223, %swap3A_224, %swap3A_225], %swap3A_228 {strides = array<i32>} : memref<8x400x128xf32, #tpu.memory_space<vmem>>, vector<1x400x128xf32>,
    %get3A_229 = arith.constant 7 : index
    %get3A_230 = arith.constant 0 : index
    %get3A_231 = memref.load %arg1[%get3A_229, %get3A_230] : memref<8x4xf32, #tpu.memory_space<smem>>
    %mul3A_232 = vector.broadcast %get3A_231 : f32 to vector<400x128xf32>
    %mul3A_233 = arith.mulf %dot_general3A_7, %mul3A_232 : vector<400x128xf32>
    %get3A_234 = arith.constant 7 : index
    %get3A_235 = arith.constant 1 : index
    %get3A_236 = memref.load %arg1[%get3A_234, %get3A_235] : memref<8x4xf32, #tpu.memory_space<smem>>
    %mul3A_237 = vector.broadcast %get3A_236 : f32 to vector<400x128xf32>
    %mul3A_238 = arith.mulf %dot_general3A_14, %mul3A_237 : vector<400x128xf32>
    %add3A_239 = arith.addf %mul3A_233, %mul3A_238 : vector<400x128xf32>
    %get3A_240 = arith.constant 7 : index
    %get3A_241 = arith.constant 2 : index
    %get3A_242 = memref.load %arg1[%get3A_240, %get3A_241] : memref<8x4xf32, #tpu.memory_space<smem>>
    %mul3A_243 = vector.broadcast %get3A_242 : f32 to vector<400x128xf32>
    %mul3A_244 = arith.mulf %dot_general3A_21, %mul3A_243 : vector<400x128xf32>
    %add3A_245 = arith.addf %add3A_239, %mul3A_244 : vector<400x128xf32>
    %get3A_246 = arith.constant 7 : index
    %get3A_247 = arith.constant 3 : index
    %get3A_248 = memref.load %arg1[%get3A_246, %get3A_247] : memref<8x4xf32, #tpu.memory_space<smem>>
    %mul3A_249 = vector.broadcast %get3A_248 : f32 to vector<400x128xf32>
    %mul3A_250 = arith.mulf %dot_general3A_28, %mul3A_249 : vector<400x128xf32>
    %add3A_251 = arith.addf %add3A_245, %mul3A_250 : vector<400x128xf32>
    %swap3A_252 = arith.constant 7 : index
    %swap3A_253 = arith.constant 0 : index
    %swap3A_254 = arith.constant 0 : index
    %swap3A_255 = vector.load %arg6[%swap3A_252, %swap3A_253, %swap3A_254] : memref<8x400x128xf32, #tpu.memory_space<vmem>>, vector<1x400x128xf32>
    %swap3A_256 = vector.shape_cast %swap3A_255 : vector<1x400x128xf32> to vector<400x128xf32>
    %swap3A_257 = vector.shape_cast %add3A_251 : vector<400x128xf32> to vector<1x400x128xf32>
    tpu.vector_store %arg6[%swap3A_252, %swap3A_253, %swap3A_254], %swap3A_257 {strides = array<i32>} : memref<8x400x128xf32, #tpu.memory_space<vmem>>, vector<1x400x128xf32>,
    %get3A_258 = arith.constant 0 : index
    %get3A_259 = arith.constant 0 : index
    %get3A_260 = vector.load %arg3[%get3A_258, %get3A_259] : memref<128x128xf32, #tpu.memory_space<vmem>>, vector<128x128xf32>
    %dot_general3A_261 = arith.constant dense<0.000000e+00> : vector<400x128xf32>
    %dot_general3A_262 = tpu.matmul %get3A_1, %get3A_260, %dot_general3A_261 {dimension_numbers = #tpu.dot_dimension_numbers<[1], [0], [0], [1], [0, 0, 1, 1], [], []>, transpose_lhs_hint = false} : vector<400x128xf32>, vector<128x128xf32>, vector<400x128xf32> -> vector<400x128xf32>
    %get3A_263 = arith.constant 0 : index
    %get3A_264 = arith.constant 0 : index
    %get3A_265 = vector.load %arg4[%get3A_263, %get3A_264] : memref<1x128xf32, #tpu.memory_space<vmem>>, vector<1x128xf32>
    %add3A_266 = vector.broadcast %get3A_265 : vector<1x128xf32> to vector<400x128xf32>
    %add3A_267 = arith.addf %dot_general3A_262, %add3A_266 : vector<400x128xf32>
    %swap3A_268 = arith.constant 0 : index
    %swap3A_269 = arith.constant 0 : index
    %swap3A_270 = vector.load %arg7[%swap3A_268, %swap3A_269] : memref<400x128xf32, #tpu.memory_space<vmem>>, vector<400x128xf32>
    tpu.vector_store %arg7[%swap3A_268, %swap3A_269], %add3A_267 {strides = array<i32>} : memref<400x128xf32, #tpu.memory_space<vmem>>, vector<400x128xf32>,
    return
  }
  func.func @transform_0(%arg0: i32) -> (i32, i32) {
    %c0_i32 = arith.constant 0 : i32
    %c0_i32_0 = arith.constant 0 : i32
    %c0_i32_1 = arith.constant 0 : i32
    return %c0_i32, %c0_i32_0 : i32, i32
  }
  func.func @transform_1(%arg0: i32) -> (i32, i32, i32) {
    %c0_i32 = arith.constant 0 : i32
    %c0_i32_0 = arith.constant 0 : i32
    %c0_i32_1 = arith.constant 0 : i32
    %c0_i32_2 = arith.constant 0 : i32
    return %c0_i32, %c0_i32_0, %c0_i32_1 : i32, i32, i32
  }
  func.func @transform_2(%arg0: i32) -> (i32, i32) {
    %c0_i32 = arith.constant 0 : i32
    %c0_i32_0 = arith.constant 0 : i32
    %c0_i32_1 = arith.constant 0 : i32
    return %c0_i32, %c0_i32_0 : i32, i32
  }
  func.func @transform_3(%arg0: i32) -> (i32, i32) {
    %c0_i32 = arith.constant 0 : i32
    %c0_i32_0 = arith.constant 0 : i32
    %c0_i32_1 = arith.constant 0 : i32
    return %c0_i32, %c0_i32_0 : i32, i32
  }
  func.func @transform_4(%arg0: i32) -> (i32, i32) {
    %c0_i32 = arith.constant 0 : i32
    %c0_i32_0 = arith.constant 0 : i32
    return %arg0, %c0_i32 : i32, i32
  }
  func.func @transform_5(%arg0: i32) -> (i32, i32, i32) {
    %c0_i32 = arith.constant 0 : i32
    %c0_i32_0 = arith.constant 0 : i32
    %c0_i32_1 = arith.constant 0 : i32
    return %c0_i32, %arg0, %c0_i32_0 : i32, i32, i32
  }
  func.func @transform_6(%arg0: i32) -> (i32, i32) {
    %c0_i32 = arith.constant 0 : i32
    %c0_i32_0 = arith.constant 0 : i32
    return %arg0, %c0_i32 : i32, i32
  }
}

module attributes {stable_mosaic.version = 14 : i64} {
  func.func @_combine_body(%arg0: i32, %arg1: memref<400x128xf32, #tpu.memory_space<vmem>>, %arg2: memref<2x400x128xf32, #tpu.memory_space<vmem>>, %arg3: memref<400x128xf32, #tpu.memory_space<vmem>>) attributes {dimension_semantics = [#tpu.dimension_semantics<arbitrary>], iteration_bounds = array<i64: 25>, scalar_prefetch = 0 : i64, scratch_operands = 0 : i64, tpu.core_type = #tpu.core_type<tc>, window_params = [{transform_indices = @transform_0, window_bounds = array<i64: 400, 128>}, {transform_indices = @transform_1, window_bounds = array<i64: 2, 400, 128>}, {transform_indices = @transform_2, window_bounds = array<i64: 400, 128>}]} {
    %get3A = arith.constant 0 : index
    %get3A_0 = arith.constant 0 : index
    %get3A_1 = arith.constant 0 : index
    %get3A_2 = vector.load %arg2[%get3A, %get3A_0, %get3A_1] : memref<2x400x128xf32, #tpu.memory_space<vmem>>, vector<1x400x128xf32>
    %get3A_3 = vector.shape_cast %get3A_2 : vector<1x400x128xf32> to vector<400x128xf32>
    %get3A_4 = arith.constant 1 : index
    %get3A_5 = arith.constant 0 : index
    %get3A_6 = arith.constant 0 : index
    %get3A_7 = vector.load %arg2[%get3A_4, %get3A_5, %get3A_6] : memref<2x400x128xf32, #tpu.memory_space<vmem>>, vector<1x400x128xf32>
    %get3A_8 = vector.shape_cast %get3A_7 : vector<1x400x128xf32> to vector<400x128xf32>
    %add3A = arith.addf %get3A_3, %get3A_8 : vector<400x128xf32>
    %get3A_9 = arith.constant 0 : index
    %get3A_10 = arith.constant 0 : index
    %get3A_11 = vector.load %arg1[%get3A_9, %get3A_10] : memref<400x128xf32, #tpu.memory_space<vmem>>, vector<400x128xf32>
    %add3A_12 = arith.addf %add3A, %get3A_11 : vector<400x128xf32>
    %swap3A = arith.constant 0 : index
    %swap3A_13 = arith.constant 0 : index
    %swap3A_14 = vector.load %arg3[%swap3A, %swap3A_13] : memref<400x128xf32, #tpu.memory_space<vmem>>, vector<400x128xf32>
    tpu.vector_store %arg3[%swap3A, %swap3A_13], %add3A_12 {strides = array<i32>} : memref<400x128xf32, #tpu.memory_space<vmem>>, vector<400x128xf32>,
    return
  }
  func.func @transform_0(%arg0: i32) -> (i32, i32) {
    %c0_i32 = arith.constant 0 : i32
    %c0_i32_0 = arith.constant 0 : i32
    return %arg0, %c0_i32 : i32, i32
  }
  func.func @transform_1(%arg0: i32) -> (i32, i32, i32) {
    %c0_i32 = arith.constant 0 : i32
    %c0_i32_0 = arith.constant 0 : i32
    %c0_i32_1 = arith.constant 0 : i32
    return %c0_i32, %arg0, %c0_i32_0 : i32, i32, i32
  }
  func.func @transform_2(%arg0: i32) -> (i32, i32) {
    %c0_i32 = arith.constant 0 : i32
    %c0_i32_0 = arith.constant 0 : i32
    return %arg0, %c0_i32 : i32, i32
  }
}

</mosaic_0001>

<sc_bundles>
// kernel: kernel.5.cloned.1.call-start
scs
__scs_entry_jumppad:
0x0: {  	(pc) =	sbr.rel $0x88, $3  }
0x1: {  	(tag) =	ssettag $0x0;
	lr =	simm.s32 $0x1  }
0x2: {  	[smem:$0x3F99] =	sst lr;
	_ =	strace $0xD0000000  }
0x3: {  	_ = 	snop  }
0x4: {  	_ = 	snop  }
0x5: {  	_ = 	snop  }
0x6: {  	_ = 	snop  }
0x7: {  	_ = 	snop  }
__scs_overlays_trampoline_lowered:
0x8: {  	[smem:$0x3FA8] =	sst s0  }
0x9: {  	[smem:$0x3FA9] =	sst s1  }
0xa: {  	[smem:$0x3FAA] =	sst s2  }
0xb: {  	[smem:$0x3FAB] =	sst s3  }
0xc: {  	[smem:$0x3FAC] =	sst s4  }
0xd: {  	[smem:$0x3FAD] =	sst s5  }
0xe: {  	[smem:$0x3FAE] =	sst s6  }
0xf: {  	[smem:$0x3FAF] =	sst s7  }
0x10: {  	[smem:$0x3FB0] =	sst s8  }
0x11: {  	[smem:$0x3FB1] =	sst s9;
	s0 =	simm.s32 @!p0 $0x0  }
0x12: {  	s1 =	sld [smem:$0x3F97];
	s0 =	simm.s32 @p0 $0x1  }
0x13: {  	[smem:$0x3FB2] =	sst s0;
	s0 =	simm.s32 @!p1 $0x0  }
0x14: {  	s2 =	sld [smem:$0x3F96];
	s0 =	simm.s32 @p1 $0x1  }
0x15: {  	[smem:$0x3FB3] =	sst s0;
	s0 =	simm.s32 @!p2 $0x0  }
0x16: {  	s3 =	sld [smem:$0x3FDB];
	s0 =	simm.s32 @p2 $0x1  }
0x17: {  	s4 =	simm.s32 $0x1BF5;
	[smem:$0x3FB5] =	sst s0  }
0x18: {  	s0 =	sld [smem:$0x3F98];
	_ =	swait.ge [sflag:s4], $0x0  }
0x19: {  	s7 =	sld [smem:$0x3F99]  }
0x1a: {  	s8 =	sadd.s32 $0xFFFFE003, lr  }
0x1b: {  	s9 =	sadd.s32 $0xFFFFFEF7, lr;
	s5 =	simm.s32 $0xFFFFFFFF;
	p2 =	slt.u32 s8, $0xFFFFF086  }
0x1c: {  	p1 =	slt.u32 s9, $0xF7A;
	s5 =	simm.s32 @!p2 $0x0  }
0x1d: {  	s5 =	simm.s32 @p1 $0x1;
	p0 =	seq.s32 s7, s2  }
0x1e: {  	s7 =	smul.u32 @!p0 $0xF7A, s2;
	p2 =	seq.s32 @!p0 s5, $0x0  }
0x1f: {  	s9 =	smul.u32 $0xF7A, s1;
	s8 =	simm.s32 @!p0 $0x1BF5;
	p2 =	por !p2, p0  }
0x20: {  	[sflag:s8] =	ssyncset.s32 @!p0 $0xFFFFF086;
	s6 =	sadd.s32 @!p0 s3, s7;
	s7 =	simm.s32 @!p0 $0x108  }
0x21: {  	s3 =	sadd.s32 s3, s9;
	s6 =	sadd.s32 @!p0 $0x88, s6;
	s7 =	simm.s32 @p2 $0x1082  }
0x22: {  	[simem:s7], [sflag:s8] =	dma.local @!p0 [hbm:s6], $0xF7A  }
0x23: {  	s9 =	sor.u32 $0xD0000000, s2;
	s6 =	simm.s32 $0x108;
	_ =	swait.ge @!p0 [sflag:s8], $0x0  }
0x24: {  	s3 =	sadd.s32 $0x88, s3;
	s6 =	simm.s32 @!p1 $0x1082;
	[sflag:s4] =	ssyncset.s32 $0xFFFFF086  }
0x25: {  	[simem:s6], [sflag:s4] =	dma.local [hbm:s3], $0xF7A  }
0x26: {  	[smem:$0x3F99] =	sst s1;
	(tag) =	ssettag s2;
	_ =	strace s9  }
0x27: {  	s1 =	sld [smem:$0x3FA9]  }
0x28: {  	s2 =	sld [smem:$0x3FAA]  }
0x29: {  	s4 =	sld [smem:$0x3FAC]  }
0x2a: {  	p0 =	seq.s32 s5, $0x0;
	s5 =	sld [smem:$0x3FAD]  }
0x2b: {  	s6 =	sld [smem:$0x3FAE]  }
0x2c: {  	s7 =	sld [smem:$0x3FAF]  }
0x2d: {  	s3 =	simm.s32 $0x108;
	s8 =	sld [smem:$0x3FB0]  }
0x2e: {  	s3 =	simm.s32 @!p0 $0x1082;
	s9 =	sld [smem:$0x3FB1]  }
0x2f: {  	lr =	sadd.s32 s0, s3;
	s0 =	sld [smem:$0x3FA8]  }
0x30: {  	s3 =	sld [smem:$0x3FAB]  }
0x31: {  	[smem:$0x3FB4] =	sst s10  }
0x32: {  	s10 =	sld [smem:$0x3FB2];
	_ =	sdelay $0x3  }
0x33: {  	p0 =	seq.s32 s10, $0x1;
	s10 =	sld [smem:$0x3FB4];
	_ =	sdelay $0x3  }
0x34: {  	[smem:$0x3FB4] =	sst s10  }
0x35: {  	s10 =	sld [smem:$0x3FB3];
	_ =	sdelay $0x3  }
0x36: {  	p1 =	seq.s32 s10, $0x1;
	s10 =	sld [smem:$0x3FB4];
	_ =	sdelay $0x3  }
0x37: {  	[smem:$0x3FB4] =	sst s10  }
0x38: {  	s10 =	sld [smem:$0x3FB5]  }
0x39: {  	_ = 	snop;
	(pc) =	sbr.ind lr, $3  }
0x3a: {  	_ = 	snop  }
0x3b: {  	_ = 	snop  }
0x3c: {  	p2 =	seq.s32 s10, $0x1;
	s10 =	sld [smem:$0x3FB4]  }
0x3d: {  	_ =	shalt  }
0x3e: {  	_ =	shalt  }
0x3f: {  	_ =	shalt  }
0x40: {  	_ =	shalt  }
0x41: {  	_ =	shalt  }
0x42: {  	_ =	shalt  }
0x43: {  	_ =	shalt  }
0x44: {  	_ =	shalt  }
0x45: {  	_ =	shalt  }
0x46: {  	_ =	shalt  }
0x47: {  	_ =	shalt  }
0x48: {  	_ =	shalt  }
0x49: {  	_ =	shalt  }
0x4a: {  	_ =	shalt  }
0x4b: {  	_ =	shalt  }
0x4c: {  	_ =	shalt  }
0x4d: {  	_ =	shalt  }
0x4e: {  	_ =	shalt  }
0x4f: {  	_ =	shalt  }
0x50: {  	_ =	shalt  }
0x51: {  	_ =	shalt  }
0x52: {  	_ =	shalt  }
0x53: {  	_ =	shalt  }
0x54: {  	_ =	shalt  }
0x55: {  	_ =	shalt  }
0x56: {  	_ =	shalt  }
0x57: {  	_ =	shalt  }
0x58: {  	_ =	shalt  }
0x59: {  	_ =	shalt  }
0x5a: {  	_ =	shalt  }
0x5b: {  	_ =	shalt  }
0x5c: {  	_ =	shalt  }
0x5d: {  	_ =	shalt  }
0x5e: {  	_ =	shalt  }
0x5f: {  	_ =	shalt  }
0x60: {  	_ =	shalt  }
0x61: {  	_ =	shalt  }
0x62: {  	_ =	shalt  }
0x63: {  	_ =	shalt  }
0x64: {  	_ =	shalt  }
0x65: {  	_ =	shalt  }
0x66: {  	_ =	shalt  }
0x67: {  	_ =	shalt  }
0x68: {  	_ =	shalt  }
0x69: {  	_ =	shalt  }
0x6a: {  	_ =	shalt  }
0x6b: {  	_ =	shalt  }
0x6c: {  	_ =	shalt  }
0x6d: {  	_ =	shalt  }
0x6e: {  	_ =	shalt  }
0x6f: {  	_ =	shalt  }
0x70: {  	_ =	shalt  }
0x71: {  	_ =	shalt  }
0x72: {  	_ =	shalt  }
0x73: {  	_ =	shalt  }
0x74: {  	_ =	shalt  }
0x75: {  	_ =	shalt  }
0x76: {  	_ =	shalt  }
0x77: {  	_ =	shalt  }
0x78: {  	_ =	shalt  }
0x79: {  	_ =	shalt  }
0x7a: {  	_ =	shalt  }
0x7b: {  	_ =	shalt  }
0x7c: {  	_ =	shalt  }
0x7d: {  	_ =	shalt  }
0x7e: {  	_ =	shalt  }
0x7f: {  	_ =	shalt  }
0x80: {  	_ =	shalt  }
0x81: {  	_ =	shalt  }
0x82: {  	_ =	shalt  }
0x83: {  	_ =	shalt  }
0x84: {  	_ =	shalt  }
0x85: {  	_ =	shalt  }
0x86: {  	_ =	shalt  }
0x87: {  	_ =	shalt  }
.Lfunc_end0:
.L_simem_size_0:
called_computation_lowered:
.L_overlay_start_0:
0x88: {  	s2 =	sld [smem:$0x3FD9]  }
0x89: {  	s3 =	sld [smem:$0x3FFE];
	_ =	sdelay $0x1  }
0x8a: {  	s1 =	srdreg.scid  }
0x8b: {  	s0 =	sand.u32 $0x1, s1  }
0x8c: {  	s17 =	sshll.u32 s0, $0xA;
	s2 =	sadd.s32 s3, s2  }
0x8d: {  	s2 =	sadd.s32 s2, s17  }
0x8e: {  	[smem:$0x3FC0] =	sst s2  }
0x8f: {  	_ = 	snop  }
0x90: {  	s2 =	sld [smem:$0x3FD0];
	(tm) =	ssettm $0x1  }
0x91: {  	s18 =	sld [smem:$0x3FFB];
	_ =	sdelay $0x3  }
0x92: {  	_ =	strace s18  }
0x93: {  	s3 =	sld [smem:$0x3FFC];
	_ =	sdelay $0x3  }
0x94: {  	_ =	strace s3  }
0x95: {  	s3 =	sld [smem:$0x3FFD];
	_ =	sdelay $0x3  }
0x96: {  	_ =	strace s3  }
0x97: {  	_ =	strace $0x8FFFFFFF  }
0x98: {  	s19 =	sld [smem:$0x3FDB];
	_ =	sdelay $0x1  }
0x99: {  	s4 =	simm.s32 $_scs_section_size  }
0x9a: {  	s5 =	simm.s32 $_size__tile_overlayer_lowered;
	s6 =	simm.s32 $_tile_overlayer_lowered  }
0x9b: {  	s22 =	simm.s32 $0x1BFF;
	s21 =	sshll.u32 s6, $0x1;
	s3 =	sadd.s32 s4, s19  }
0x9c: {  	s7 =	simm.s32 $0x0;
	s20 =	sshll.u32 s5, $0x1;
	s5 =	sadd.s32 s21, s3  }
0x9d: {  	[timem:s7], [sflag:s22] =	dma.local [hbm:s5], s20  }
0x9e: {  	_ =	swait.ge [sflag:s22], s20  }
0x9f: {  	s4 =	ssub.s32 $0x0, s20;
	[sflag:s22] =	ssyncset.done $0x0  }
0xa0: {  	[sflag:s22] =	ssyncadd.s32 s4;
	_ =	sdelay $0x1  }
0xa1: {  	s23 =	simm.s32 $0x1B8B  }
0xa2: {  	_ =	swait.ge [sflag:s23], $0x1  }
0xa3: {  	[sflag:s23] =	ssyncset.done $0x0  }
0xa4: {  	s25 =	simm.s32 $0x1B8E;
	s24 =	sld [smem:$0x3FFE];
	[sflag:s23] =	ssyncadd.s32 $0xFFFFFFFF  }
0xa5: {  	s26 =	simm.s32 $execute0_lowered;
	[smem:$0x3FD2] =	sst s25  }
0xa6: {  	s5 =	sshll.u32 s26, $0x1;
	_ =	strace $0x80000046;
	[dreg:$0x1] =	wrdreg $0xFFFFFFFF  }
0xa7: {  	s28 =	simm.s32 $_size_execute0_lowered;
	s3 =	sadd.s32 s3, s5;
	[dreg:$0x0] =	wrdreg $0x0  }
0xa8: {  	s5 =	sshll.u32 s28, $0x1;
	[dreg:$0x2] =	wrdreg s3  }
0xa9: {  	[dreg:$0x3] =	wrdreg s5  }
0xaa: {  	[dreg:$0x4] =	wrdreg $0xC0  }
0xab: {  	_ =	task [dreg:s7], $0x5FFFF  }
0xac: {  	[dreg:$0x1] =	wrdreg $0xFFFFFFFF  }
0xad: {  	[dreg:$0x0] =	wrdreg $0x60  }
0xae: {  	[dreg:$0x2] =	wrdreg s24  }
0xaf: {  	[dreg:$0x3] =	wrdreg s2  }
0xb0: {  	[dreg:$0x4] =	wrdreg $0xB1A80  }
0xb1: {  	[dreg:$0x5] =	wrdreg $0x9  }
0xb2: {  	_ =	task.clear_ibuf [dreg:s7], $0x6FFFF;
	_ =	strace $0x90000046  }
0xb3: {  	s29 =	simm.s32 $0x9;
	_ =	strace $0x80000048  }
0xb4: {  	_ =	swait.ge [sflag:s29], $0x1  }
0xb5: {  	[sflag:s29] =	ssyncadd.s32 $0xFFFFFFFF  }
0xb6: {  	_ =	strace $0x90000048  }
0xb7: {  	_ =	sfence  }
0xb8: {  	s30 =	sld [smem:$0x0];
	_ =	sdelay $0x2  }
0xb9: {  	s31 =	sshll.u32 s1, $0xD;
	s1 =	sshrl.u32 s1, $0x2  }
0xba: {  	s3 =	sand.u32 $0x4000, s31;
	s1 =	sadd.s32 s1, s30  }
0xbb: {  	s0 =	sor.u32 s3, s0;
	s1 =	sshll.u32 s1, $0x11  }
0xbc: {  	s0 =	sor.u32 s1, s0  }
0xbd: {  	s0 =	sadd.s32 $0x8F2B, s0  }
0xbe: {  	[sflag:s0] =	ssyncadd.remote.s32 $0x1  }
0xbf: {  	_ =	sfence.sel $0xFFFF  }
0xc0: {  	[dreg:$0x0] =	wrdreg $0xFFFFFFFF;
	(pc) =	sbr.abs _section_cstart, $3  }
0xc1: {  	[dreg:$0x1] =	wrdreg $0xFFFFFFFF  }
0xc2: {  	_ =	task.clear_ibuf [dreg:s7], $0x2FFFF;
	_ =	strace $0x9FFFFFFF  }
0xc3: {  	(tm) =	ssettm $0x7FFFFFFF  }
tec
execute0_lowered:
.L_overlay_start_1:
0x0: {  	(tag) =	ssettag $0x1  }
0x1: {  	s0 =	srdreg.scid;
	s1 =	rddreg [dreg:$0x0]  }
0x2: {  	s11 =	stileid.u32;
	s5 =	rddreg [dreg:$0x1]  }
0x3: {  	s3 =	simm.s32 $0x0;
	s0 =	sand.u32 $0x1, s0;
	s8 =	smul.u32 $0x13880, s11  }
0x4: {  	[smem:$0x7FF] =	sst s3;
	s2 =	sshll.u32 s0, $0x4;
	s9 =	smul.u32 $0x138800, s0  }
0x5: {  	s0 =	ssub.s32 $0x2, s0;
	s6 =	sor.u32 s11, s2;
	s11 =	smul.u32 $0x4E200, s11  }
0x6: {  	s2 =	rddreg [dreg:$0x2];
	s24 =	sshrl.u32 s0, $0x1;
	s7 =	smul.u32 $0x4E2, s6  }
0x7: {  	_ =	strace $0x80000047;
	s6 =	smul.u32 $0x271, s6;
	s12 =	ssub.s32 s0, s24  }
0x8: {  	s26 =	sshrl.u32 s11, $0x2;
	s10 =	sadd.s32 s7, s1;
	s5 =	sadd.s32 s5, s7  }
0x9: {  	s6 =	sadd.s32 s6, s1;
	s25 =	sadd.s32 $0x5600, s10;
	[dreg:$0x5] =	wrdreg s5  }
0xa: {  	s0 =	sadd.s32 s26, s2;
	s6 =	sadd.s32 $0x600, s6;
	[dreg:$0x4] =	wrdreg s25  }
0xb: {  	s7 =	sadd.s32 $0xC80, s0;
	[dreg:$0x6] =	wrdreg s6  }
0xc: {  	s10 =	sadd.s32 $0x1900, s0;
	[dreg:$0x7] =	wrdreg s7  }
0xd: {  	s11 =	sadd.s32 $0x2580, s0;
	[dreg:$0x8] =	wrdreg s10  }
0xe: {  	s13 =	sadd.s32 $0x3200, s0;
	[dreg:$0x9] =	wrdreg s11  }
0xf: {  	s4 =	sadd.s32 $0xF400, s1;
	s14 =	sadd.s32 $0x3E80, s0;
	[dreg:$0xa] =	wrdreg s13  }
0x10: {  	s9 =	sadd.s32 s8, s9;
	s15 =	sadd.s32 $0x4B00, s0;
	[dreg:$0xb] =	wrdreg s14  }
0x11: {  	s8 =	sadd.s32 s8, s2;
	s16 =	sadd.s32 $0x5780, s0;
	[dreg:$0xc] =	wrdreg s15  }
0x12: {  	s9 =	sshrl.u32 s9, $0x3;
	s17 =	sadd.s32 $0x6400, s0;
	[dreg:$0xd] =	wrdreg s16  }
0x13: {  	s9 =	sadd.s32 s9, s1;
	s18 =	sadd.s32 $0x7080, s0;
	[dreg:$0xe] =	wrdreg s17  }
0x14: {  	s19 =	sadd.s32 $0x7D00, s0;
	s20 =	sadd.s32 $0x8980, s0;
	[dreg:$0xf] =	wrdreg s18  }
0x15: {  	s21 =	sadd.s32 $0x9600, s0;
	s22 =	sadd.s32 $0xA280, s0;
	[dreg:$0x10] =	wrdreg s19  }
0x16: {  	s23 =	sadd.s32 $0xAF00, s0;
	s24 =	sadd.s32 $0xBB80, s0;
	[dreg:$0x11] =	wrdreg s20  }
0x17: {  	s26 =	sadd.s32 $0xD480, s0;
	s28 =	sadd.s32 $0xED80, s0;
	[dreg:$0x12] =	wrdreg s21  }
0x18: {  	s29 =	sadd.s32 $0xFA00, s0;
	s30 =	sadd.s32 $0x10680, s0;
	[dreg:$0x13] =	wrdreg s22  }
0x19: {  	s31 =	sadd.s32 $0x11300, s0;
	s1 =	sadd.s32 $0x11F80, s0;
	[dreg:$0x14] =	wrdreg s23  }
0x1a: {  	s5 =	sadd.s32 $0x147C00, s9;
	s9 =	simm.s32 $0x89A8;
	[dreg:$0x15] =	wrdreg s24  }
0x1b: {  	s25 =	sadd.s32 $0xC800, s0;
	[dreg:$0x17] =	wrdreg s26;
	s26 =	sadd.s32 $0xE100, s0  }
0x1c: {  	s0 =	sadd.s32 $0x12C00, s0;
	s6 =	smax.u32 s12, $0x1;
	s7 =	simm.s32 $0x4E20  }
0x1d: {  	s10 =	simm.s32 $0x4;
	s11 =	simm.s32 $0x1;
	s12 =	simm.s32 $0x2  }
0x1e: {  	s13 =	simm.s32 $0x3;
	s14 =	simm.s32 $0x50;
	s15 =	simm.s32 $0x61A8  }
0x1f: {  	v0 =	vimm.f32 $0.0e+00;
	s16 =	simm.s32 $0x5;
	s17 =	simm.s32 $0x0;
	[dreg:$0x16] =	wrdreg s25  }
.LBB2_1:
0x20: {  	s18 =	rddreg [dreg:$0x4]  }
0x21: {  	[tilespmem:s3], [sflag:$0x1] =	stream.linear.gather [hbm4b:s18+s3], $0x2710, $0x38;
	[tilespmem:$0x1EA28] =	vst v63  }
0x22: {  	s24 =	rddreg [dreg:$0x5];
	s19 =	simm.s32 $0x2710  }
0x23: {  	[tilespmem:s19], [sflag:$0x2] =	stream.linear.gather [hbm4b:s24+s3], $0x2710, $0x38;
	[tilespmem:$0x1EA28] =	vst v63  }
0x24: {  	s25 =	rddreg [dreg:$0x6];
	s18 =	simm.s32 $0x0;
	s19 =	simm.s32 $0x200  }
0x25: {  	[tilespmem:s7], [sflag:$0x3] =	stream.linear.gather [hbm4b:s25+s3], $0x1388, $0x38;
	[tilespmem:$0x1EA28] =	vst v63  }
.LBB2_2:
0x26: {  	p0 =	sne.s32 s19, $0x3000;
	[tilespmem:s18+$0x8A18] =	vst v0  }
0x27: {  	[tilespmem:s18+$0x89A8] =	vst v0  }
0x28: {  	[tilespmem:s18+$0x89B8] =	vst v0  }
.Ltmp0:
0x29: {  	[tilespmem:s18+$0x89C8] =	vst v0;
	(pc) =	sbr.rel @p0 .LBB2_2-.Ltmp0, $4  }
0x2a: {  	[tilespmem:s18+$0x89D8] =	vst v0  }
0x2b: {  	[tilespmem:s18+$0x89E8] =	vst v0  }
0x2c: {  	[tilespmem:s18+$0x89F8] =	vst v0  }
0x2d: {  	[tilespmem:s18+$0x8A08] =	vst v0;
	s18 =	sshra.s32 s19, $0x2;
	s19 =	sadd.s32 $0x200, s19  }
0x2e: {  	[tilespmem:s18+$0x8A18] =	vst v0  }
0x2f: {  	[tilespmem:s18+$0x89A8] =	vst v0  }
0x30: {  	[tilespmem:s18+$0x89B8] =	vst v0  }
0x31: {  	[tilespmem:s18+$0x89C8] =	vst v0  }
0x32: {  	[tilespmem:s18+$0x89D8] =	vst v0  }
0x33: {  	[tilespmem:s18+$0x89E8] =	vst v0  }
0x34: {  	[tilespmem:s18+$0x89F8] =	vst v0  }
0x35: {  	[tilespmem:s18+$0x8A08] =	vst v0  }
0x36: {  	[spmem:s8] =	stream.linear.scatter [tilespmem:s9], [sflag:$0x4], $0xC80, $0x38;
	[tilespmem:$0x1EA28] =	vst v63  }
0x37: {  	s23 =	rddreg [dreg:$0x7]  }
0x38: {  	[spmem:s23] =	stream.linear.scatter [tilespmem:s9], [sflag:$0x4], $0xC80, $0x38;
	[tilespmem:$0x1EA28] =	vst v63  }
0x39: {  	s24 =	rddreg [dreg:$0x8]  }
0x3a: {  	[spmem:s24] =	stream.linear.scatter [tilespmem:s9], [sflag:$0x4], $0xC80, $0x38;
	[tilespmem:$0x1EA28] =	vst v63  }
0x3b: {  	s25 =	rddreg [dreg:$0x9]  }
0x3c: {  	[spmem:s25] =	stream.linear.scatter [tilespmem:s9], [sflag:$0x4], $0xC80, $0x38;
	[tilespmem:$0x1EA28] =	vst v63  }
0x3d: {  	s19 =	rddreg [dreg:$0xa]  }
0x3e: {  	[spmem:s19] =	stream.linear.scatter [tilespmem:s9], [sflag:$0x4], $0xC80, $0x38;
	[tilespmem:$0x1EA28] =	vst v63  }
0x3f: {  	s20 =	rddreg [dreg:$0xb]  }
0x40: {  	[spmem:s20] =	stream.linear.scatter [tilespmem:s9], [sflag:$0x4], $0xC80, $0x38;
	[tilespmem:$0x1EA28] =	vst v63  }
0x41: {  	s21 =	rddreg [dreg:$0xc]  }
0x42: {  	[spmem:s21] =	stream.linear.scatter [tilespmem:s9], [sflag:$0x4], $0xC80, $0x38;
	[tilespmem:$0x1EA28] =	vst v63  }
0x43: {  	s22 =	rddreg [dreg:$0xd]  }
0x44: {  	[spmem:s22] =	stream.linear.scatter [tilespmem:s9], [sflag:$0x4], $0xC80, $0x38;
	[tilespmem:$0x1EA28] =	vst v63  }
0x45: {  	s23 =	rddreg [dreg:$0xe]  }
0x46: {  	[spmem:s23] =	stream.linear.scatter [tilespmem:s9], [sflag:$0x4], $0xC80, $0x38;
	[tilespmem:$0x1EA28] =	vst v63  }
0x47: {  	s24 =	rddreg [dreg:$0xf]  }
0x48: {  	[spmem:s24] =	stream.linear.scatter [tilespmem:s9], [sflag:$0x4], $0xC80, $0x38;
	[tilespmem:$0x1EA28] =	vst v63  }
0x49: {  	s25 =	rddreg [dreg:$0x10]  }
0x4a: {  	[spmem:s25] =	stream.linear.scatter [tilespmem:s9], [sflag:$0x4], $0xC80, $0x38;
	[tilespmem:$0x1EA28] =	vst v63  }
0x4b: {  	s19 =	rddreg [dreg:$0x11]  }
0x4c: {  	[spmem:s19] =	stream.linear.scatter [tilespmem:s9], [sflag:$0x4], $0xC80, $0x38;
	[tilespmem:$0x1EA28] =	vst v63  }
0x4d: {  	s20 =	rddreg [dreg:$0x12]  }
0x4e: {  	[spmem:s20] =	stream.linear.scatter [tilespmem:s9], [sflag:$0x4], $0xC80, $0x38;
	[tilespmem:$0x1EA28] =	vst v63  }
0x4f: {  	s21 =	rddreg [dreg:$0x13]  }
0x50: {  	[spmem:s21] =	stream.linear.scatter [tilespmem:s9], [sflag:$0x4], $0xC80, $0x38;
	[tilespmem:$0x1EA28] =	vst v63  }
0x51: {  	s22 =	rddreg [dreg:$0x14]  }
0x52: {  	[spmem:s22] =	stream.linear.scatter [tilespmem:s9], [sflag:$0x4], $0xC80, $0x38;
	[tilespmem:$0x1EA28] =	vst v63  }
0x53: {  	s23 =	rddreg [dreg:$0x15]  }
0x54: {  	[spmem:s23] =	stream.linear.scatter [tilespmem:s9], [sflag:$0x4], $0xC80, $0x38;
	[tilespmem:$0x1EA28] =	vst v63  }
0x55: {  	s24 =	rddreg [dreg:$0x16]  }
0x56: {  	[spmem:s24] =	stream.linear.scatter [tilespmem:s9], [sflag:$0x4], $0xC80, $0x38;
	[tilespmem:$0x1EA28] =	vst v63  }
0x57: {  	s25 =	rddreg [dreg:$0x17]  }
0x58: {  	[spmem:s25] =	stream.linear.scatter [tilespmem:s9], [sflag:$0x4], $0xC80, $0x38;
	[tilespmem:$0x1EA28] =	vst v63  }
0x59: {  	_ = 	snop  }
0x5a: {  	[spmem:s26] =	stream.linear.scatter [tilespmem:s9], [sflag:$0x4], $0xC80, $0x38;
	[tilespmem:$0x1EA28] =	vst v63  }
0x5b: {  	_ = 	snop  }
0x5c: {  	[spmem:s28] =	stream.linear.scatter [tilespmem:s9], [sflag:$0x4], $0xC80, $0x38;
	[tilespmem:$0x1EA28] =	vst v63  }
0x5d: {  	_ = 	snop  }
0x5e: {  	[spmem:s29] =	stream.linear.scatter [tilespmem:s9], [sflag:$0x4], $0xC80, $0x38;
	[tilespmem:$0x1EA28] =	vst v63  }
0x5f: {  	_ = 	snop  }
0x60: {  	[spmem:s30] =	stream.linear.scatter [tilespmem:s9], [sflag:$0x4], $0xC80, $0x38;
	[tilespmem:$0x1EA28] =	vst v63  }
0x61: {  	_ = 	snop  }
0x62: {  	[spmem:s31] =	stream.linear.scatter [tilespmem:s9], [sflag:$0x4], $0xC80, $0x38;
	[tilespmem:$0x1EA28] =	vst v63  }
0x63: {  	_ = 	snop  }
0x64: {  	[spmem:s1] =	stream.linear.scatter [tilespmem:s9], [sflag:$0x4], $0xC80, $0x38;
	[tilespmem:$0x1EA28] =	vst v63  }
0x65: {  	_ = 	snop  }
0x66: {  	[spmem:s0] =	stream.linear.scatter [tilespmem:s9], [sflag:$0x4], $0xC80, $0x38;
	[tilespmem:$0x1EA28] =	vst v63  }
0x67: {  	_ =	swait.ge [sflag:s10], $0xC80  }
0x68: {  	[sflag:s10] =	ssyncset.done $0x0  }
0x69: {  	[sflag:s10] =	ssyncadd.s32 $0xFFFFF380  }
0x6a: {  	_ =	swait.ge [sflag:s10], $0xC80  }
0x6b: {  	[sflag:s10] =	ssyncset.done $0x0  }
0x6c: {  	[sflag:s10] =	ssyncadd.s32 $0xFFFFF380  }
0x6d: {  	_ =	swait.ge [sflag:s10], $0xC80  }
0x6e: {  	[sflag:s10] =	ssyncset.done $0x0  }
0x6f: {  	[sflag:s10] =	ssyncadd.s32 $0xFFFFF380  }
0x70: {  	_ =	swait.ge [sflag:s10], $0xC80  }
0x71: {  	[sflag:s10] =	ssyncset.done $0x0  }
0x72: {  	[sflag:s10] =	ssyncadd.s32 $0xFFFFF380  }
0x73: {  	_ =	swait.ge [sflag:s10], $0xC80  }
0x74: {  	[sflag:s10] =	ssyncset.done $0x0  }
0x75: {  	[sflag:s10] =	ssyncadd.s32 $0xFFFFF380  }
0x76: {  	_ =	swait.ge [sflag:s10], $0xC80  }
0x77: {  	[sflag:s10] =	ssyncset.done $0x0  }
0x78: {  	[sflag:s10] =	ssyncadd.s32 $0xFFFFF380  }
0x79: {  	_ =	swait.ge [sflag:s10], $0xC80  }
0x7a: {  	[sflag:s10] =	ssyncset.done $0x0  }
0x7b: {  	[sflag:s10] =	ssyncadd.s32 $0xFFFFF380  }
0x7c: {  	_ =	swait.ge [sflag:s10], $0xC80  }
0x7d: {  	[sflag:s10] =	ssyncset.done $0x0  }
0x7e: {  	[sflag:s10] =	ssyncadd.s32 $0xFFFFF380  }
0x7f: {  	_ =	swait.ge [sflag:s10], $0xC80  }
0x80: {  	[sflag:s10] =	ssyncset.done $0x0  }
0x81: {  	[sflag:s10] =	ssyncadd.s32 $0xFFFFF380  }
0x82: {  	_ =	swait.ge [sflag:s10], $0xC80  }
0x83: {  	[sflag:s10] =	ssyncset.done $0x0  }
0x84: {  	[sflag:s10] =	ssyncadd.s32 $0xFFFFF380  }
0x85: {  	_ =	swait.ge [sflag:s10], $0xC80  }
0x86: {  	[sflag:s10] =	ssyncset.done $0x0  }
0x87: {  	[sflag:s10] =	ssyncadd.s32 $0xFFFFF380  }
0x88: {  	_ =	swait.ge [sflag:s10], $0xC80  }
0x89: {  	[sflag:s10] =	ssyncset.done $0x0  }
0x8a: {  	[sflag:s10] =	ssyncadd.s32 $0xFFFFF380  }
0x8b: {  	_ =	swait.ge [sflag:s10], $0xC80  }
0x8c: {  	[sflag:s10] =	ssyncset.done $0x0  }
0x8d: {  	[sflag:s10] =	ssyncadd.s32 $0xFFFFF380  }
0x8e: {  	_ =	swait.ge [sflag:s10], $0xC80  }
0x8f: {  	[sflag:s10] =	ssyncset.done $0x0  }
0x90: {  	[sflag:s10] =	ssyncadd.s32 $0xFFFFF380  }
0x91: {  	_ =	swait.ge [sflag:s10], $0xC80  }
0x92: {  	[sflag:s10] =	ssyncset.done $0x0  }
0x93: {  	[sflag:s10] =	ssyncadd.s32 $0xFFFFF380  }
0x94: {  	_ =	swait.ge [sflag:s10], $0xC80  }
0x95: {  	[sflag:s10] =	ssyncset.done $0x0  }
0x96: {  	[sflag:s10] =	ssyncadd.s32 $0xFFFFF380  }
0x97: {  	_ =	swait.ge [sflag:s10], $0xC80  }
0x98: {  	[sflag:s10] =	ssyncset.done $0x0  }
0x99: {  	[sflag:s10] =	ssyncadd.s32 $0xFFFFF380  }
0x9a: {  	_ =	swait.ge [sflag:s10], $0xC80  }
0x9b: {  	[sflag:s10] =	ssyncset.done $0x0  }
0x9c: {  	[sflag:s10] =	ssyncadd.s32 $0xFFFFF380  }
0x9d: {  	_ =	swait.ge [sflag:s10], $0xC80  }
0x9e: {  	[sflag:s10] =	ssyncset.done $0x0  }
0x9f: {  	[sflag:s10] =	ssyncadd.s32 $0xFFFFF380  }
0xa0: {  	_ =	swait.ge [sflag:s10], $0xC80  }
0xa1: {  	[sflag:s10] =	ssyncset.done $0x0  }
0xa2: {  	[sflag:s10] =	ssyncadd.s32 $0xFFFFF380  }
0xa3: {  	_ =	swait.ge [sflag:s10], $0xC80  }
0xa4: {  	[sflag:s10] =	ssyncset.done $0x0  }
0xa5: {  	[sflag:s10] =	ssyncadd.s32 $0xFFFFF380  }
0xa6: {  	_ =	swait.ge [sflag:s10], $0xC80  }
0xa7: {  	[sflag:s10] =	ssyncset.done $0x0  }
0xa8: {  	[sflag:s10] =	ssyncadd.s32 $0xFFFFF380  }
0xa9: {  	_ =	swait.ge [sflag:s10], $0xC80  }
0xaa: {  	[sflag:s10] =	ssyncset.done $0x0  }
0xab: {  	[sflag:s10] =	ssyncadd.s32 $0xFFFFF380  }
0xac: {  	_ =	swait.ge [sflag:s10], $0xC80  }
0xad: {  	[sflag:s10] =	ssyncset.done $0x0  }
0xae: {  	[sflag:s10] =	ssyncadd.s32 $0xFFFFF380  }
0xaf: {  	_ =	swait.ge [sflag:s10], $0xC80  }
0xb0: {  	[sflag:s10] =	ssyncset.done $0x0  }
0xb1: {  	[sflag:s10] =	ssyncadd.s32 $0xFFFFF380  }
0xb2: {  	_ =	swait.ge [sflag:s11], $0x2710  }
0xb3: {  	[sflag:s11] =	ssyncset.done $0x0  }
0xb4: {  	[sflag:s11] =	ssyncadd.s32 $0xFFFFD8F0  }
0xb5: {  	_ =	swait.ge [sflag:s12], $0x2710  }
0xb6: {  	[sflag:s12] =	ssyncset.done $0x0  }
0xb7: {  	[sflag:s12] =	ssyncadd.s32 $0xFFFFD8F0  }
0xb8: {  	_ =	swait.ge [sflag:s13], $0x1388  }
0xb9: {  	[sflag:s13] =	ssyncset.done $0x0  }
0xba: {  	[sflag:s13] =	ssyncadd.s32 $0xFFFFEC78  }
0xbb: {  	s18 =	simm.s32 $0x0;
	s19 =	simm.s32 $0x0;
	[bflag:$0x0] =	sbarrier.arrive $0xFFFF  }
0xbc: {  	[tilespmem:s15], [sflag:$0x1] =	stream.indirect.gather [hbm4b:s4+s14], $0x80, s18, s14, $0xb8;
	[tilespmem:$0x1EA28] =	vst v63  }
.LBB2_4:
0xbd: {  	s20 =	sshll.u32 s19, $0x1  }
0xbe: {  	v1 =	vmov s20  }
0xbf: {  	v1 =	vmul.u32 $0x28, v1  }
0xc0: {  	p0 =	seq.s32 s19, $0x0  }
0xc1: {  	v2 =	vmov s18;
	s22 =	simm.s32 @!p0 $0x4;
	v1 =	vbroadcast v1, $0x0  }
0xc2: {  	s21 =	sor.u32 $0x1, s20;
	v3 =	vand.u32 $0x38, v2;
	_ =	swait.ge @!p0 [sflag:s22], $0x2800  }
0xc3: {  	v2 =	vand.u32 $0x6, v2;
	s20 =	smul.u32 $0x50, s21;
	[sflag:s22] =	ssyncset.done @!p0 $0x0;
	v3 =	vadd.s32 v1, v3  }
0xc4: {  	[sflag:s22] =	ssyncadd.s32 @!p0 $0xFFFFD800;
	v2 =	vor.u32 v2, v3  }
0xc5: {  	[tilespmem:s9], [sflag:$0x2] =	stream.indirect.gather [hbm4b:s4+s14], $0x80, s20, s14, $0xb8;
	[tilespmem:$0x1EA28] =	vst v63  }
0xc6: {  	_ =	swait.ge [sflag:s11], $0x2800  }
0xc7: {  	[sflag:s11] =	ssyncset.done $0x0  }
0xc8: {  	[sflag:s11] =	ssyncadd.s32 $0xFFFFD800  }
0xc9: {  	s22 =	simm.s32 $0x62A8;
	v2 =	vld.idx.msk [tilespmem:v2+s7+$0x0], $0xffff  }
0xca: {  	v3 =	vld [tilespmem:s22+$0xFFFFFF00];
	_ =	sdelay $0x3  }
0xcb: {  	v4 =	vld [tilespmem:s22+$0xFFFFFF10];
	v7 =	vshll.u32 v2, $0x10  }
0xcc: {  	s23 =	simm.s32 $0x1;
	v5 =	vld [tilespmem:s22+$0xFFFFFF20];
	v3 =	vmul.f32 v7, v3  }
0xcd: {  	v11 =	vmov s23;
	v6 =	vld [tilespmem:s22+$0xFFFFFF30]  }
0xce: {  	v8 =	vld [tilespmem:s22+$0xFFFFFF40];
	[tilespmem:s22+$0xFFFFFF00] =	vst v3;
	v3 =	vand.u32 $0x38, v11  }
0xcf: {  	v9 =	vld [tilespmem:s22+$0xFFFFFF50];
	v11 =	vand.u32 $0x7, v11;
	v3 =	vadd.s32 v1, v3  }
0xd0: {  	v10 =	vld [tilespmem:s22+$0xFFFFFF60];
	v4 =	vmul.f32 v7, v4;
	v3 =	vor.u32 v11, v3  }
0xd1: {  	v12 =	vld [tilespmem:s22+$0xFFFFFF70];
	v5 =	vmul.f32 v7, v5  }
0xd2: {  	v6 =	vmul.f32 v7, v6;
	[tilespmem:s22+$0xFFFFFF10] =	vst v4;
	v4 =	vld [tilespmem:s22+$0xFFFFFF80]  }
0xd3: {  	[tilespmem:s22+$0xFFFFFF20] =	vst v5;
	v5 =	vld [tilespmem:s22+$0xFFFFFF90]  }
0xd4: {  	v8 =	vmul.f32 v7, v8;
	[tilespmem:s22+$0xFFFFFF30] =	vst v6;
	v6 =	vld [tilespmem:s22+$0xFFFFFFA0]  }
0xd5: {  	v9 =	vmul.f32 v7, v9;
	v3 =	vld.idx.msk [tilespmem:v3+s7+$0x0], $0xffff  }
0xd6: {  	v10 =	vmul.f32 v7, v10;
	[tilespmem:s22+$0xFFFFFF40] =	vst v8;
	v11 =	vld [tilespmem:s22+$0xF0]  }
0xd7: {  	v8 =	vld [tilespmem:s22+$0xFFFFFFB0];
	[tilespmem:s22+$0xFFFFFF50] =	vst v9  }
0xd8: {  	v7 =	vmul.f32 v7, v12;
	v9 =	vld [tilespmem:s22+$0xFFFFFFC0];
	[tilespmem:s22+$0xFFFFFF60] =	vst v10;
	v10 =	vand.u32 $0xFFFF0000, v2  }
0xd9: {  	v4 =	vmul.f32 v10, v4  }
0xda: {  	v63 =	vld [tilespmem:s22+$0xFFFFFFD0];
	[tilespmem:s22+$0xFFFFFF70] =	vst v7;
	v5 =	vmul.f32 v10, v5;
	v2 =	vand.u32 $0xFFFF0000, v3  }
0xdb: {  	[tilespmem:s22+$0xFFFFFF80] =	vst v4;
	v4 =	vmul.f32 v10, v6;
	v7 =	vmul.f32 v2, v11;
	v11 =	vld [tilespmem:s22+$0xFFFFFFE0]  }
0xdc: {  	v6 =	vld [tilespmem:s22+$0xFFFFFFF0];
	[tilespmem:s22+$0xFFFFFF90] =	vst v5;
	v5 =	vmul.f32 v10, v8  }
0xdd: {  	v13 =	vld [tilespmem:s22+$0x0];
	[tilespmem:s22+$0xFFFFFFA0] =	vst v4;
	v4 =	vmul.f32 v10, v9  }
0xde: {  	v14 =	vld [tilespmem:s22+$0x10];
	[tilespmem:s22+$0xFFFFFFB0] =	vst v5  }
0xdf: {  	v8 =	vld [tilespmem:s22+$0x20];
	v5 =	vmul.f32 v10, v63;
	[tilespmem:s22+$0xFFFFFFC0] =	vst v4  }
0xe0: {  	[tilespmem:s22+$0xF0] =	vst v7;
	v7 =	vld [tilespmem:s22+$0x30];
	v4 =	vmul.f32 v10, v11  }
0xe1: {  	[tilespmem:s22+$0xFFFFFFD0] =	vst v5;
	v5 =	vld [tilespmem:s22+$0x40];
	v6 =	vmul.f32 v10, v6;
	v3 =	vshll.u32 v3, $0x10  }
0xe2: {  	s25 =	simm.s32 $0x2;
	v10 =	vmul.f32 v3, v13;
	[tilespmem:s22+$0xFFFFFFE0] =	vst v4;
	v4 =	vld [tilespmem:s22+$0x50]  }
0xe3: {  	s24 =	simm.s32 $0x4;
	s23 =	simm.s32 $0x62A8;
	v9 =	vmov s25;
	s25 =	simm.s32 $0x3;
	[tilespmem:s22+$0xFFFFFFF0] =	vst v6;
	v6 =	vld [tilespmem:s22+$0x60];
	v11 =	vmul.f32 v3, v14  }
.LBB2_5:
0xe4: {  	p0 =	slt.u32 s24, $0x26;
	v12 =	vand.u32 $0x6, v9;
	v13 =	vmov s25;
	[tilespmem:s22+$0x0] =	vst v10;
	v8 =	vmul.f32 v3, v8;
	v10 =	vld [tilespmem:s22+$0x70]  }
0xe5: {  	v9 =	vand.u32 $0x38, v9;
	v14 =	vand.u32 $0x38, v13;
	[tilespmem:s22+$0x10] =	vst v11;
	v7 =	vmul.f32 v3, v7;
	v11 =	vld [tilespmem:s22+$0x80]  }
0xe6: {  	v13 =	vand.u32 $0x7, v13;
	v14 =	vadd.s32 v1, v14;
	[tilespmem:s22+$0x20] =	vst v8;
	v5 =	vmul.f32 v3, v5;
	v8 =	vld [tilespmem:s22+$0x90]  }
0xe7: {  	v9 =	vadd.s32 v1, v9;
	v13 =	vor.u32 v13, v14;
	[tilespmem:s22+$0x30] =	vst v7;
	v4 =	vmul.f32 v3, v4;
	v7 =	vld [tilespmem:s22+$0xA0]  }
0xe8: {  	v9 =	vor.u32 v12, v9;
	[tilespmem:s22+$0x40] =	vst v5;
	v5 =	vmul.f32 v3, v6;
	v6 =	vld [tilespmem:s22+$0xB0]  }
0xe9: {  	[tilespmem:s22+$0x50] =	vst v4;
	v3 =	vmul.f32 v3, v10;
	v4 =	vld [tilespmem:s22+$0xC0]  }
0xea: {  	[tilespmem:s22+$0x60] =	vst v5;
	v5 =	vmul.f32 v2, v11;
	v10 =	vld [tilespmem:s22+$0xD0]  }
0xeb: {  	[tilespmem:s22+$0x70] =	vst v3;
	v3 =	vmul.f32 v2, v8;
	v8 =	vld [tilespmem:s22+$0xE0]  }
0xec: {  	v11 =	vld.idx.msk [tilespmem:v13+s7+$0x0], $0xffff;
	[tilespmem:s22+$0x80] =	vst v5;
	v5 =	vmul.f32 v2, v7  }
0xed: {  	s22 =	sadd.s32 $0x200, s22;
	v7 =	vld.idx.msk [tilespmem:v9+s7+$0x0], $0xffff;
	[tilespmem:s23+$0x90] =	vst v3;
	v3 =	vmul.f32 v2, v6  }
0xee: {  	v6 =	vld [tilespmem:s22+$0xF0];
	[tilespmem:s23+$0xA0] =	vst v5;
	v4 =	vmul.f32 v2, v4  }
0xef: {  	v5 =	vld [tilespmem:s22+$0xFFFFFF00];
	[tilespmem:s23+$0xB0] =	vst v3;
	v3 =	vmul.f32 v2, v10  }
0xf0: {  	v9 =	vld [tilespmem:s22+$0xFFFFFF10];
	[tilespmem:s23+$0xC0] =	vst v4;
	v4 =	vmul.f32 v2, v8  }
0xf1: {  	v8 =	vld [tilespmem:s22+$0xFFFFFF20];
	[tilespmem:s23+$0xD0] =	vst v3  }
0xf2: {  	v3 =	vshll.u32 v11, $0x10;
	v2 =	vand.u32 $0xFFFF0000, v11;
	v10 =	vld [tilespmem:s22+$0xFFFFFF30];
	[tilespmem:s23+$0xE0] =	vst v4;
	s23 =	smov.u32 s22  }
0xf3: {  	v4 =	vshll.u32 v7, $0x10;
	v11 =	vld [tilespmem:s22+$0xFFFFFF40];
	v6 =	vmul.f32 v2, v6  }
0xf4: {  	v5 =	vmul.f32 v4, v5;
	v12 =	vld [tilespmem:s22+$0xFFFFFF50]  }
0xf5: {  	v9 =	vmul.f32 v4, v9;
	v13 =	vld [tilespmem:s22+$0xFFFFFF60];
	[tilespmem:s22+$0xF0] =	vst v6  }
0xf6: {  	[tilespmem:s22+$0xFFFFFF00] =	vst v5;
	v5 =	vmul.f32 v4, v8;
	v6 =	vld [tilespmem:s22+$0xFFFFFF70]  }
0xf7: {  	[tilespmem:s22+$0xFFFFFF10] =	vst v9;
	v8 =	vmul.f32 v4, v10;
	v9 =	vld [tilespmem:s22+$0xFFFFFF80]  }
0xf8: {  	[tilespmem:s22+$0xFFFFFF20] =	vst v5;
	v5 =	vmul.f32 v4, v11;
	v10 =	vld [tilespmem:s22+$0xFFFFFF90]  }
0xf9: {  	[tilespmem:s22+$0xFFFFFF30] =	vst v8;
	v8 =	vmul.f32 v4, v12;
	v11 =	vld [tilespmem:s22+$0xFFFFFFA0]  }
0xfa: {  	[tilespmem:s22+$0xFFFFFF40] =	vst v5;
	v5 =	vmul.f32 v4, v13;
	v12 =	vld [tilespmem:s22+$0xFFFFFFB0]  }
0xfb: {  	v13 =	vand.u32 $0xFFFF0000, v7;
	[tilespmem:s22+$0xFFFFFF50] =	vst v8;
	v4 =	vmul.f32 v4, v6;
	v6 =	vld [tilespmem:s22+$0xFFFFFFC0]  }
0xfc: {  	[tilespmem:s22+$0xFFFFFF60] =	vst v5;
	v5 =	vmul.f32 v13, v9;
	v7 =	vld [tilespmem:s22+$0xFFFFFFD0]  }
0xfd: {  	[tilespmem:s22+$0xFFFFFF70] =	vst v4;
	v4 =	vmul.f32 v13, v10;
	v9 =	vld [tilespmem:s22+$0xFFFFFFE0]  }
0xfe: {  	[tilespmem:s22+$0xFFFFFF80] =	vst v5;
	v5 =	vmul.f32 v13, v11;
	v10 =	vld [tilespmem:s22+$0xFFFFFFF0]  }
0xff: {  	[tilespmem:s22+$0xFFFFFF90] =	vst v4;
	v4 =	vmul.f32 v13, v12;
	v11 =	vld [tilespmem:s22+$0x0]  }
0x100: {  	[tilespmem:s22+$0xFFFFFFA0] =	vst v5;
	v5 =	vmul.f32 v13, v6;
	v6 =	vld [tilespmem:s22+$0x10]  }
.Ltmp1:
0x101: {  	[tilespmem:s22+$0xFFFFFFB0] =	vst v4;
	v4 =	vmul.f32 v13, v7;
	v8 =	vld [tilespmem:s22+$0x20];
	(pc) =	sbr.rel @p0 .LBB2_5-.Ltmp1, $4  }
0x102: {  	[tilespmem:s22+$0xFFFFFFC0] =	vst v5;
	v9 =	vmul.f32 v13, v9;
	v7 =	vld [tilespmem:s22+$0x30]  }
0x103: {  	[tilespmem:s22+$0xFFFFFFD0] =	vst v4;
	v12 =	vmul.f32 v13, v10;
	v5 =	vld [tilespmem:s22+$0x40]  }
0x104: {  	[tilespmem:s22+$0xFFFFFFE0] =	vst v9;
	v10 =	vmul.f32 v3, v11;
	v4 =	vld [tilespmem:s22+$0x50]  }
0x105: {  	s25 =	sadd.s32 $0x1, s24;
	v9 =	vmov s24;
	s24 =	sadd.s32 $0x2, s24;
	[tilespmem:s22+$0xFFFFFFF0] =	vst v12;
	v11 =	vmul.f32 v3, v6;
	v6 =	vld [tilespmem:s22+$0x60]  }
0x106: {  	[tilespmem:s22+$0x0] =	vst v10;
	v8 =	vmul.f32 v3, v8  }
0x107: {  	v10 =	vld [tilespmem:s22+$0x70];
	[tilespmem:s22+$0x10] =	vst v11;
	v7 =	vmul.f32 v3, v7  }
0x108: {  	v12 =	vmov s25;
	v11 =	vld [tilespmem:s22+$0x80];
	[tilespmem:s22+$0x20] =	vst v8;
	v5 =	vmul.f32 v3, v5  }
0x109: {  	v14 =	vld [tilespmem:s22+$0xB0];
	v13 =	vand.u32 $0x38, v12;
	v12 =	vand.u32 $0x7, v12;
	[tilespmem:s22+$0x30] =	vst v7;
	v4 =	vmul.f32 v3, v4  }
0x10a: {  	v13 =	vadd.s32 v1, v13;
	v7 =	vld [tilespmem:s22+$0xA0];
	[tilespmem:s22+$0x40] =	vst v5;
	v5 =	vand.u32 $0x38, v9;
	v6 =	vmul.f32 v3, v6  }
0x10b: {  	v8 =	vld [tilespmem:s22+$0x90];
	[tilespmem:s22+$0x50] =	vst v4;
	v4 =	vand.u32 $0x6, v9;
	v1 =	vadd.s32 v1, v5;
	v5 =	vor.u32 v12, v13  }
0x10c: {  	v9 =	vld [tilespmem:s22+$0xC0];
	v3 =	vmul.f32 v3, v10;
	v1 =	vor.u32 v4, v1  }
0x10d: {  	[tilespmem:s22+$0x60] =	vst v6;
	v4 =	vld [tilespmem:s22+$0xD0];
	v6 =	vmul.f32 v2, v11  }
0x10e: {  	s24 =	sadd.s32 $0x200, s22;
	[tilespmem:s22+$0x70] =	vst v3;
	v3 =	vld [tilespmem:s22+$0xE0]  }
0x10f: {  	[tilespmem:s22+$0x80] =	vst v6;
	v6 =	vmul.f32 v2, v7;
	v7 =	vld [tilespmem:s24+$0xF0]  }
0x110: {  	v8 =	vmul.f32 v2, v8;
	v5 =	vld.idx.msk [tilespmem:v5+s7+$0x0], $0xffff  }
0x111: {  	v1 =	vld.idx.msk [tilespmem:v1+s7+$0x0], $0xffff  }
0x112: {  	v10 =	vld [tilespmem:s24+$0xFFFFFF00];
	[tilespmem:s23+$0x90] =	vst v8;
	v8 =	vmul.f32 v2, v14  }
0x113: {  	[tilespmem:s23+$0xA0] =	vst v6;
	v6 =	vmul.f32 v2, v9;
	v9 =	vld [tilespmem:s24+$0xFFFFFF10]  }
0x114: {  	[tilespmem:s23+$0xB0] =	vst v8;
	v4 =	vmul.f32 v2, v4;
	v8 =	vld [tilespmem:s24+$0xFFFFFF20]  }
0x115: {  	[tilespmem:s23+$0xC0] =	vst v6;
	v2 =	vmul.f32 v2, v3;
	v3 =	vld [tilespmem:s24+$0xFFFFFF30];
	v6 =	vand.u32 $0xFFFF0000, v5  }
0x116: {  	v11 =	vld [tilespmem:s24+$0xFFFFFF40];
	[tilespmem:s23+$0xD0] =	vst v4;
	v4 =	vshll.u32 v1, $0x10;
	v7 =	vmul.f32 v6, v7  }
0x117: {  	[tilespmem:s23+$0xE0] =	vst v2;
	v2 =	vmul.f32 v4, v10;
	v10 =	vld [tilespmem:s24+$0xFFFFFF50]  }
0x118: {  	v59 =	vld [tilespmem:s24+$0xFFFFFF60];
	v9 =	vmul.f32 v4, v9;
	[tilespmem:s24+$0xF0] =	vst v7  }
0x119: {  	v7 =	vld [tilespmem:s24+$0xFFFFFF70];
	[tilespmem:s24+$0xFFFFFF00] =	vst v2;
	v2 =	vmul.f32 v4, v8  }
0x11a: {  	v3 =	vmul.f32 v4, v3;
	[tilespmem:s24+$0xFFFFFF10] =	vst v9;
	v8 =	vld [tilespmem:s24+$0xFFFFFF80]  }
0x11b: {  	v9 =	vld [tilespmem:s24+$0xFFFFFF90];
	[tilespmem:s24+$0xFFFFFF20] =	vst v2;
	v2 =	vmul.f32 v4, v11  }
0x11c: {  	[tilespmem:s24+$0xFFFFFF30] =	vst v3;
	v3 =	vmul.f32 v4, v10;
	v10 =	vld [tilespmem:s24+$0xFFFFFFA0]  }
0x11d: {  	v11 =	vld [tilespmem:s24+$0xFFFFFFB0];
	[tilespmem:s24+$0xFFFFFF40] =	vst v2;
	v2 =	vmul.f32 v4, v59  }
0x11e: {  	v1 =	vand.u32 $0xFFFF0000, v1;
	[tilespmem:s24+$0xFFFFFF50] =	vst v3;
	v3 =	vmul.f32 v4, v7;
	v4 =	vld [tilespmem:s24+$0xFFFFFFC0]  }
0x11f: {  	v7 =	vld [tilespmem:s24+$0xFFFFFFD0];
	[tilespmem:s24+$0xFFFFFF60] =	vst v2;
	v2 =	vmul.f32 v1, v8  }
0x120: {  	v8 =	vld [tilespmem:s24+$0xFFFFFFE0];
	[tilespmem:s24+$0xFFFFFF70] =	vst v3;
	v3 =	vmul.f32 v1, v9  }
0x121: {  	v9 =	vld [tilespmem:s24+$0xFFFFFFF0];
	[tilespmem:s24+$0xFFFFFF80] =	vst v2;
	v2 =	vmul.f32 v1, v10  }
0x122: {  	v10 =	vld [tilespmem:s24+$0x0];
	[tilespmem:s24+$0xFFFFFF90] =	vst v3;
	v3 =	vmul.f32 v1, v11  }
0x123: {  	[tilespmem:s24+$0xFFFFFFA0] =	vst v2;
	v2 =	vmul.f32 v1, v4;
	v4 =	vld [tilespmem:s24+$0x10]  }
0x124: {  	[tilespmem:s24+$0xFFFFFFB0] =	vst v3;
	v3 =	vmul.f32 v1, v7;
	v7 =	vld [tilespmem:s24+$0x20]  }
0x125: {  	[tilespmem:s24+$0xFFFFFFC0] =	vst v2;
	v2 =	vmul.f32 v1, v8;
	v8 =	vld [tilespmem:s24+$0x30]  }
0x126: {  	v5 =	vshll.u32 v5, $0x10;
	v1 =	vmul.f32 v1, v9;
	[tilespmem:s24+$0xFFFFFFD0] =	vst v3;
	v3 =	vld [tilespmem:s24+$0x40]  }
0x127: {  	v9 =	vld [tilespmem:s24+$0x50];
	[tilespmem:s24+$0xFFFFFFE0] =	vst v2;
	v2 =	vmul.f32 v5, v10  }
0x128: {  	[tilespmem:s24+$0xFFFFFFF0] =	vst v1;
	v1 =	vmul.f32 v5, v4;
	v4 =	vld [tilespmem:s24+$0x60]  }
0x129: {  	[tilespmem:s24+$0x0] =	vst v2;
	v2 =	vmul.f32 v5, v7;
	v7 =	vld [tilespmem:s24+$0x70]  }
0x12a: {  	[tilespmem:s24+$0x10] =	vst v1;
	v1 =	vmul.f32 v5, v8;
	v8 =	vld [tilespmem:s24+$0x80]  }
0x12b: {  	[tilespmem:s24+$0x20] =	vst v2;
	v2 =	vmul.f32 v5, v3;
	v3 =	vld [tilespmem:s24+$0x90]  }
0x12c: {  	[tilespmem:s24+$0x30] =	vst v1;
	v1 =	vmul.f32 v5, v9;
	v9 =	vld [tilespmem:s24+$0xA0]  }
0x12d: {  	[tilespmem:s24+$0x40] =	vst v2;
	v2 =	vmul.f32 v5, v4;
	v4 =	vld [tilespmem:s24+$0xB0]  }
0x12e: {  	[tilespmem:s24+$0x50] =	vst v1;
	v1 =	vmul.f32 v5, v7;
	v5 =	vld [tilespmem:s24+$0xC0]  }
0x12f: {  	v7 =	vld [tilespmem:s24+$0xD0];
	[tilespmem:s24+$0x60] =	vst v2;
	v2 =	vmul.f32 v6, v8  }
0x130: {  	[tilespmem:s24+$0x70] =	vst v1;
	v1 =	vmul.f32 v6, v3;
	v3 =	vld [tilespmem:s24+$0xE0]  }
0x131: {  	v8 =	vmov s21;
	[tilespmem:s24+$0x80] =	vst v2;
	v2 =	vmul.f32 v6, v9  }
0x132: {  	[tilespmem:s24+$0x90] =	vst v1;
	v1 =	vmul.f32 v6, v4;
	v4 =	vmul.u32 $0x28, v8  }
0x133: {  	s22 =	simm.s32 $0x0;
	[tilespmem:s24+$0xA0] =	vst v2;
	v2 =	vmul.f32 v6, v5  }
0x134: {  	s23 =	smul.u32 $0x280, s19;
	v5 =	vmul.f32 v6, v7;
	[tilespmem:s24+$0xB0] =	vst v1;
	v1 =	vbroadcast v4, $0x0;
	v4 =	vmov s22  }
0x135: {  	[tilespmem:s24+$0xC0] =	vst v2;
	v2 =	vmul.f32 v6, v3;
	v3 =	vand.u32 $0x38, v4  }
0x136: {  	s21 =	sshra.s32 s23, $0x2;
	[tilespmem:s24+$0xD0] =	vst v5;
	v4 =	vand.u32 $0x6, v4;
	v3 =	vadd.s32 v1, v3  }
0x137: {  	s22 =	sadd.s32 $0x2710, s21;
	[tilespmem:s24+$0xE0] =	vst v2;
	v2 =	vor.u32 v4, v3  }
0x138: {  	[spmem:s2] =	stream.indirect.scatter.add.f32 [tilespmem:s15], [sflag:$0x3], $0x80, s22, s14, $0xb8;
	[tilespmem:$0x1EA28] =	vst v63  }
0x139: {  	_ =	swait.ge [sflag:s12], $0x2800  }
0x13a: {  	[sflag:s12] =	ssyncset.done $0x0  }
0x13b: {  	[sflag:s12] =	ssyncadd.s32 $0xFFFFD800  }
0x13c: {  	s22 =	simm.s32 $0x8AA8;
	v2 =	vld.idx.msk [tilespmem:v2+s7+$0x0], $0xffff  }
0x13d: {  	v3 =	vld [tilespmem:s22+$0xFFFFFF00];
	_ =	sdelay $0x3  }
0x13e: {  	v4 =	vld [tilespmem:s22+$0xFFFFFF10];
	v7 =	vshll.u32 v2, $0x10  }
0x13f: {  	s24 =	simm.s32 $0x1;
	v5 =	vld [tilespmem:s22+$0xFFFFFF20];
	v3 =	vmul.f32 v7, v3  }
0x140: {  	v11 =	vmov s24;
	v6 =	vld [tilespmem:s22+$0xFFFFFF30]  }
0x141: {  	v8 =	vld [tilespmem:s22+$0xFFFFFF40];
	[tilespmem:s22+$0xFFFFFF00] =	vst v3;
	v3 =	vand.u32 $0x38, v11  }
0x142: {  	v9 =	vld [tilespmem:s22+$0xFFFFFF50];
	v11 =	vand.u32 $0x7, v11;
	v3 =	vadd.s32 v1, v3  }
0x143: {  	v10 =	vld [tilespmem:s22+$0xFFFFFF60];
	v4 =	vmul.f32 v7, v4;
	v3 =	vor.u32 v11, v3  }
0x144: {  	v60 =	vld [tilespmem:s22+$0xFFFFFF70];
	v5 =	vmul.f32 v7, v5  }
0x145: {  	v6 =	vmul.f32 v7, v6;
	[tilespmem:s22+$0xFFFFFF10] =	vst v4;
	v4 =	vld [tilespmem:s22+$0xFFFFFF80]  }
0x146: {  	[tilespmem:s22+$0xFFFFFF20] =	vst v5;
	v5 =	vld [tilespmem:s22+$0xFFFFFF90]  }
0x147: {  	v8 =	vmul.f32 v7, v8;
	[tilespmem:s22+$0xFFFFFF30] =	vst v6;
	v6 =	vld [tilespmem:s22+$0xFFFFFFA0]  }
0x148: {  	v9 =	vmul.f32 v7, v9;
	v3 =	vld.idx.msk [tilespmem:v3+s7+$0x0], $0xffff  }
0x149: {  	v10 =	vmul.f32 v7, v10;
	[tilespmem:s22+$0xFFFFFF40] =	vst v8;
	v11 =	vld [tilespmem:s22+$0xF0]  }
0x14a: {  	v8 =	vld [tilespmem:s22+$0xFFFFFFB0];
	[tilespmem:s22+$0xFFFFFF50] =	vst v9  }
0x14b: {  	v7 =	vmul.f32 v7, v60;
	v9 =	vld [tilespmem:s22+$0xFFFFFFC0];
	[tilespmem:s22+$0xFFFFFF60] =	vst v10;
	v10 =	vand.u32 $0xFFFF0000, v2  }
0x14c: {  	v4 =	vmul.f32 v10, v4  }
0x14d: {  	v61 =	vld [tilespmem:s22+$0xFFFFFFD0];
	[tilespmem:s22+$0xFFFFFF70] =	vst v7;
	v5 =	vmul.f32 v10, v5;
	v2 =	vand.u32 $0xFFFF0000, v3  }
0x14e: {  	[tilespmem:s22+$0xFFFFFF80] =	vst v4;
	v4 =	vmul.f32 v10, v6;
	v7 =	vmul.f32 v2, v11;
	v11 =	vld [tilespmem:s22+$0xFFFFFFE0]  }
0x14f: {  	v6 =	vld [tilespmem:s22+$0xFFFFFFF0];
	[tilespmem:s22+$0xFFFFFF90] =	vst v5;
	v5 =	vmul.f32 v10, v8  }
0x150: {  	v62 =	vld [tilespmem:s22+$0x0];
	[tilespmem:s22+$0xFFFFFFA0] =	vst v4;
	v4 =	vmul.f32 v10, v9  }
0x151: {  	v63 =	vld [tilespmem:s22+$0x10];
	[tilespmem:s22+$0xFFFFFFB0] =	vst v5  }
0x152: {  	v8 =	vld [tilespmem:s22+$0x20];
	v5 =	vmul.f32 v10, v61;
	[tilespmem:s22+$0xFFFFFFC0] =	vst v4  }
0x153: {  	[tilespmem:s22+$0xF0] =	vst v7;
	v7 =	vld [tilespmem:s22+$0x30];
	v4 =	vmul.f32 v10, v11  }
0x154: {  	[tilespmem:s22+$0xFFFFFFD0] =	vst v5;
	v5 =	vld [tilespmem:s22+$0x40];
	v6 =	vmul.f32 v10, v6;
	v3 =	vshll.u32 v3, $0x10  }
0x155: {  	s25 =	simm.s32 $0x2;
	v10 =	vmul.f32 v3, v62;
	[tilespmem:s22+$0xFFFFFFE0] =	vst v4;
	v4 =	vld [tilespmem:s22+$0x50]  }
0x156: {  	s23 =	simm.s32 $0x8AA8;
	s24 =	simm.s32 $0x4;
	v9 =	vmov s25;
	s25 =	simm.s32 $0x3;
	[tilespmem:s22+$0xFFFFFFF0] =	vst v6;
	v6 =	vld [tilespmem:s22+$0x60];
	v11 =	vmul.f32 v3, v63  }
.LBB2_7:
0x157: {  	p0 =	slt.u32 s24, $0x26;
	v12 =	vand.u32 $0x6, v9;
	v13 =	vmov s25;
	[tilespmem:s22+$0x0] =	vst v10;
	v8 =	vmul.f32 v3, v8;
	v10 =	vld [tilespmem:s22+$0x70]  }
0x158: {  	v9 =	vand.u32 $0x38, v9;
	v14 =	vand.u32 $0x38, v13;
	[tilespmem:s22+$0x10] =	vst v11;
	v7 =	vmul.f32 v3, v7;
	v11 =	vld [tilespmem:s22+$0x80]  }
0x159: {  	v13 =	vand.u32 $0x7, v13;
	v14 =	vadd.s32 v1, v14;
	[tilespmem:s22+$0x20] =	vst v8;
	v5 =	vmul.f32 v3, v5;
	v8 =	vld [tilespmem:s22+$0x90]  }
0x15a: {  	v9 =	vadd.s32 v1, v9;
	v13 =	vor.u32 v13, v14;
	[tilespmem:s22+$0x30] =	vst v7;
	v4 =	vmul.f32 v3, v4;
	v7 =	vld [tilespmem:s22+$0xA0]  }
0x15b: {  	v9 =	vor.u32 v12, v9;
	[tilespmem:s22+$0x40] =	vst v5;
	v5 =	vmul.f32 v3, v6;
	v6 =	vld [tilespmem:s22+$0xB0]  }
0x15c: {  	[tilespmem:s22+$0x50] =	vst v4;
	v3 =	vmul.f32 v3, v10;
	v4 =	vld [tilespmem:s22+$0xC0]  }
0x15d: {  	[tilespmem:s22+$0x60] =	vst v5;
	v5 =	vmul.f32 v2, v11;
	v10 =	vld [tilespmem:s22+$0xD0]  }
0x15e: {  	[tilespmem:s22+$0x70] =	vst v3;
	v3 =	vmul.f32 v2, v8;
	v8 =	vld [tilespmem:s22+$0xE0]  }
0x15f: {  	v11 =	vld.idx.msk [tilespmem:v13+s7+$0x0], $0xffff;
	[tilespmem:s22+$0x80] =	vst v5;
	v5 =	vmul.f32 v2, v7  }
0x160: {  	s22 =	sadd.s32 $0x200, s22;
	v7 =	vld.idx.msk [tilespmem:v9+s7+$0x0], $0xffff;
	[tilespmem:s23+$0x90] =	vst v3;
	v3 =	vmul.f32 v2, v6  }
0x161: {  	v6 =	vld [tilespmem:s22+$0xF0];
	[tilespmem:s23+$0xA0] =	vst v5;
	v4 =	vmul.f32 v2, v4  }
0x162: {  	v5 =	vld [tilespmem:s22+$0xFFFFFF00];
	[tilespmem:s23+$0xB0] =	vst v3;
	v3 =	vmul.f32 v2, v10  }
0x163: {  	v9 =	vld [tilespmem:s22+$0xFFFFFF10];
	[tilespmem:s23+$0xC0] =	vst v4;
	v4 =	vmul.f32 v2, v8  }
0x164: {  	v8 =	vld [tilespmem:s22+$0xFFFFFF20];
	[tilespmem:s23+$0xD0] =	vst v3  }
0x165: {  	v3 =	vshll.u32 v11, $0x10;
	v2 =	vand.u32 $0xFFFF0000, v11;
	v10 =	vld [tilespmem:s22+$0xFFFFFF30];
	[tilespmem:s23+$0xE0] =	vst v4;
	s23 =	smov.u32 s22  }
0x166: {  	v4 =	vshll.u32 v7, $0x10;
	v11 =	vld [tilespmem:s22+$0xFFFFFF40];
	v6 =	vmul.f32 v2, v6  }
0x167: {  	v5 =	vmul.f32 v4, v5;
	v12 =	vld [tilespmem:s22+$0xFFFFFF50]  }
0x168: {  	v9 =	vmul.f32 v4, v9;
	v13 =	vld [tilespmem:s22+$0xFFFFFF60];
	[tilespmem:s22+$0xF0] =	vst v6  }
0x169: {  	[tilespmem:s22+$0xFFFFFF00] =	vst v5;
	v5 =	vmul.f32 v4, v8;
	v6 =	vld [tilespmem:s22+$0xFFFFFF70]  }
0x16a: {  	[tilespmem:s22+$0xFFFFFF10] =	vst v9;
	v8 =	vmul.f32 v4, v10;
	v9 =	vld [tilespmem:s22+$0xFFFFFF80]  }
0x16b: {  	[tilespmem:s22+$0xFFFFFF20] =	vst v5;
	v5 =	vmul.f32 v4, v11;
	v10 =	vld [tilespmem:s22+$0xFFFFFF90]  }
0x16c: {  	[tilespmem:s22+$0xFFFFFF30] =	vst v8;
	v8 =	vmul.f32 v4, v12;
	v11 =	vld [tilespmem:s22+$0xFFFFFFA0]  }
0x16d: {  	[tilespmem:s22+$0xFFFFFF40] =	vst v5;
	v5 =	vmul.f32 v4, v13;
	v12 =	vld [tilespmem:s22+$0xFFFFFFB0]  }
0x16e: {  	v13 =	vand.u32 $0xFFFF0000, v7;
	[tilespmem:s22+$0xFFFFFF50] =	vst v8;
	v4 =	vmul.f32 v4, v6;
	v6 =	vld [tilespmem:s22+$0xFFFFFFC0]  }
0x16f: {  	[tilespmem:s22+$0xFFFFFF60] =	vst v5;
	v5 =	vmul.f32 v13, v9;
	v7 =	vld [tilespmem:s22+$0xFFFFFFD0]  }
0x170: {  	[tilespmem:s22+$0xFFFFFF70] =	vst v4;
	v4 =	vmul.f32 v13, v10;
	v9 =	vld [tilespmem:s22+$0xFFFFFFE0]  }
0x171: {  	[tilespmem:s22+$0xFFFFFF80] =	vst v5;
	v5 =	vmul.f32 v13, v11;
	v10 =	vld [tilespmem:s22+$0xFFFFFFF0]  }
0x172: {  	[tilespmem:s22+$0xFFFFFF90] =	vst v4;
	v4 =	vmul.f32 v13, v12;
	v11 =	vld [tilespmem:s22+$0x0]  }
0x173: {  	[tilespmem:s22+$0xFFFFFFA0] =	vst v5;
	v5 =	vmul.f32 v13, v6;
	v6 =	vld [tilespmem:s22+$0x10]  }
.Ltmp2:
0x174: {  	[tilespmem:s22+$0xFFFFFFB0] =	vst v4;
	v4 =	vmul.f32 v13, v7;
	v8 =	vld [tilespmem:s22+$0x20];
	(pc) =	sbr.rel @p0 .LBB2_7-.Ltmp2, $4  }
0x175: {  	[tilespmem:s22+$0xFFFFFFC0] =	vst v5;
	v9 =	vmul.f32 v13, v9;
	v7 =	vld [tilespmem:s22+$0x30]  }
0x176: {  	[tilespmem:s22+$0xFFFFFFD0] =	vst v4;
	v12 =	vmul.f32 v13, v10;
	v5 =	vld [tilespmem:s22+$0x40]  }
0x177: {  	[tilespmem:s22+$0xFFFFFFE0] =	vst v9;
	v10 =	vmul.f32 v3, v11;
	v4 =	vld [tilespmem:s22+$0x50]  }
0x178: {  	s25 =	sadd.s32 $0x1, s24;
	v9 =	vmov s24;
	s24 =	sadd.s32 $0x2, s24;
	[tilespmem:s22+$0xFFFFFFF0] =	vst v12;
	v11 =	vmul.f32 v3, v6;
	v6 =	vld [tilespmem:s22+$0x60]  }
0x179: {  	v21 =	vld [tilespmem:s22+$0x70]  }
0x17a: {  	v8 =	vmul.f32 v3, v8;
	v22 =	vld [tilespmem:s22+$0x80];
	v12 =	vmov s25  }
0x17b: {  	[tilespmem:s22+$0x0] =	vst v10;
	v23 =	vld [tilespmem:s22+$0x90];
	v25 =	vand.u32 $0x38, v9;
	v26 =	vand.u32 $0x6, v9;
	v13 =	vand.u32 $0x38, v12  }
0x17c: {  	v24 =	vld [tilespmem:s22+$0xA0];
	[tilespmem:s22+$0x10] =	vst v11;
	v7 =	vmul.f32 v3, v7;
	v12 =	vand.u32 $0x7, v12;
	v13 =	vadd.s32 v1, v13  }
0x17d: {  	v14 =	vld [tilespmem:s22+$0xB0];
	[tilespmem:s22+$0x20] =	vst v8;
	v5 =	vmul.f32 v3, v5;
	v1 =	vadd.s32 v1, v25;
	v27 =	vor.u32 v12, v13  }
0x17e: {  	v28 =	vld [tilespmem:s22+$0xC0];
	[tilespmem:s22+$0x30] =	vst v7;
	v4 =	vmul.f32 v3, v4;
	v1 =	vor.u32 v26, v1  }
0x17f: {  	v29 =	vld [tilespmem:s22+$0xD0];
	s24 =	sadd.s32 $0x200, s22;
	[tilespmem:s22+$0x40] =	vst v5;
	v6 =	vmul.f32 v3, v6;
	v3 =	vmul.f32 v3, v21  }
0x180: {  	v32 =	vld [tilespmem:s24+$0xF0];
	[tilespmem:s22+$0x50] =	vst v4  }
0x181: {  	v30 =	vmul.f32 v2, v22;
	[tilespmem:s22+$0x70] =	vst v3;
	v3 =	vld [tilespmem:s22+$0xE0]  }
0x182: {  	v8 =	vmul.f32 v2, v23;
	[tilespmem:s22+$0x60] =	vst v6;
	v5 =	vld.idx.msk [tilespmem:v27+s7+$0x0], $0xffff  }
0x183: {  	v31 =	vmul.f32 v2, v24;
	[tilespmem:s22+$0x80] =	vst v30;
	v1 =	vld.idx.msk [tilespmem:v1+s7+$0x0], $0xffff  }
0x184: {  	v34 =	vld [tilespmem:s24+$0xFFFFFF00];
	v33 =	vmul.f32 v2, v14;
	[tilespmem:s23+$0x90] =	vst v8  }
0x185: {  	v36 =	vld [tilespmem:s24+$0xFFFFFF10];
	v35 =	vmul.f32 v2, v28;
	[tilespmem:s23+$0xA0] =	vst v31  }
0x186: {  	v37 =	vld [tilespmem:s24+$0xFFFFFF20];
	v4 =	vmul.f32 v2, v29;
	[tilespmem:s23+$0xB0] =	vst v33  }
0x187: {  	[tilespmem:s23+$0xC0] =	vst v35;
	v2 =	vmul.f32 v2, v3;
	v3 =	vld [tilespmem:s24+$0xFFFFFF30];
	v38 =	vand.u32 $0xFFFF0000, v5  }
0x188: {  	v40 =	vld [tilespmem:s24+$0xFFFFFF40];
	[tilespmem:s23+$0xD0] =	vst v4;
	v39 =	vshll.u32 v1, $0x10;
	v7 =	vmul.f32 v38, v32  }
0x189: {  	v41 =	vld [tilespmem:s24+$0xFFFFFF50];
	[tilespmem:s23+$0xE0] =	vst v2;
	v2 =	vmul.f32 v39, v34  }
0x18a: {  	v42 =	vld [tilespmem:s24+$0xFFFFFF60];
	v9 =	vmul.f32 v39, v36;
	[tilespmem:s24+$0xF0] =	vst v7  }
0x18b: {  	v43 =	vld [tilespmem:s24+$0xFFFFFF70];
	[tilespmem:s24+$0xFFFFFF00] =	vst v2;
	v2 =	vmul.f32 v39, v37  }
0x18c: {  	v44 =	vld [tilespmem:s24+$0xFFFFFF80];
	[tilespmem:s24+$0xFFFFFF10] =	vst v9;
	v3 =	vmul.f32 v39, v3  }
0x18d: {  	v45 =	vld [tilespmem:s24+$0xFFFFFF90];
	[tilespmem:s24+$0xFFFFFF20] =	vst v2;
	v2 =	vmul.f32 v39, v40  }
0x18e: {  	v46 =	vld [tilespmem:s24+$0xFFFFFFA0];
	[tilespmem:s24+$0xFFFFFF30] =	vst v3;
	v3 =	vmul.f32 v39, v41  }
0x18f: {  	v47 =	vld [tilespmem:s24+$0xFFFFFFB0];
	[tilespmem:s24+$0xFFFFFF40] =	vst v2;
	v2 =	vmul.f32 v39, v42  }
0x190: {  	v48 =	vld [tilespmem:s24+$0xFFFFFFC0];
	v1 =	vand.u32 $0xFFFF0000, v1;
	[tilespmem:s24+$0xFFFFFF50] =	vst v3;
	v3 =	vmul.f32 v39, v43  }
0x191: {  	v49 =	vld [tilespmem:s24+$0xFFFFFFD0];
	[tilespmem:s24+$0xFFFFFF60] =	vst v2;
	v2 =	vmul.f32 v1, v44  }
0x192: {  	v50 =	vld [tilespmem:s24+$0xFFFFFFE0];
	[tilespmem:s24+$0xFFFFFF70] =	vst v3;
	v3 =	vmul.f32 v1, v45  }
0x193: {  	v51 =	vld [tilespmem:s24+$0xFFFFFFF0];
	[tilespmem:s24+$0xFFFFFF80] =	vst v2;
	v2 =	vmul.f32 v1, v46  }
0x194: {  	v52 =	vld [tilespmem:s24+$0x0];
	[tilespmem:s24+$0xFFFFFF90] =	vst v3;
	v3 =	vmul.f32 v1, v47  }
0x195: {  	v53 =	vld [tilespmem:s24+$0x10];
	[tilespmem:s24+$0xFFFFFFA0] =	vst v2;
	v2 =	vmul.f32 v1, v48  }
0x196: {  	v54 =	vld [tilespmem:s24+$0x20];
	[tilespmem:s24+$0xFFFFFFB0] =	vst v3;
	v3 =	vmul.f32 v1, v49  }
0x197: {  	v55 =	vld [tilespmem:s24+$0x30];
	[tilespmem:s24+$0xFFFFFFC0] =	vst v2;
	v2 =	vmul.f32 v1, v50  }
0x198: {  	v5 =	vshll.u32 v5, $0x10;
	v1 =	vmul.f32 v1, v51;
	[tilespmem:s24+$0xFFFFFFD0] =	vst v3;
	v3 =	vld [tilespmem:s24+$0x40]  }
0x199: {  	v56 =	vld [tilespmem:s24+$0x50];
	[tilespmem:s24+$0xFFFFFFE0] =	vst v2;
	v2 =	vmul.f32 v5, v52  }
0x19a: {  	v57 =	vld [tilespmem:s24+$0x60];
	[tilespmem:s24+$0xFFFFFFF0] =	vst v1;
	v1 =	vmul.f32 v5, v53  }
0x19b: {  	v58 =	vld [tilespmem:s24+$0x70];
	[tilespmem:s24+$0x0] =	vst v2;
	v2 =	vmul.f32 v5, v54  }
0x19c: {  	v59 =	vld [tilespmem:s24+$0x80];
	[tilespmem:s24+$0x10] =	vst v1;
	v1 =	vmul.f32 v5, v55  }
0x19d: {  	[tilespmem:s24+$0x20] =	vst v2;
	v2 =	vmul.f32 v5, v3;
	v3 =	vld [tilespmem:s24+$0x90]  }
0x19e: {  	v60 =	vld [tilespmem:s24+$0xA0];
	[tilespmem:s24+$0x30] =	vst v1;
	v1 =	vmul.f32 v5, v56  }
0x19f: {  	v61 =	vld [tilespmem:s24+$0xB0];
	[tilespmem:s24+$0x40] =	vst v2;
	v2 =	vmul.f32 v5, v57  }
0x1a0: {  	v62 =	vld [tilespmem:s24+$0xC0];
	[tilespmem:s24+$0x50] =	vst v1;
	v1 =	vmul.f32 v5, v58  }
0x1a1: {  	v63 =	vld [tilespmem:s24+$0xD0];
	[tilespmem:s24+$0x60] =	vst v2;
	v2 =	vmul.f32 v38, v59  }
0x1a2: {  	[tilespmem:s24+$0x70] =	vst v1;
	v1 =	vmul.f32 v38, v3;
	v3 =	vld [tilespmem:s24+$0xE0]  }
0x1a3: {  	[tilespmem:s24+$0x80] =	vst v2;
	v2 =	vmul.f32 v38, v60  }
0x1a4: {  	[tilespmem:s24+$0x90] =	vst v1;
	v1 =	vmul.f32 v38, v61  }
0x1a5: {  	[tilespmem:s24+$0xA0] =	vst v2;
	v2 =	vmul.f32 v38, v62  }
0x1a6: {  	[tilespmem:s24+$0xB0] =	vst v1;
	v1 =	vmul.f32 v38, v63  }
0x1a7: {  	[tilespmem:s24+$0xC0] =	vst v2;
	v2 =	vmul.f32 v38, v3  }
0x1a8: {  	[tilespmem:s24+$0xD0] =	vst v1  }
0x1a9: {  	s19 =	sadd.s32 $0x1, s19;
	[tilespmem:s24+$0xE0] =	vst v2  }
0x1aa: {  	p0 =	sne.s32 s19, $0x3E;
	_ =	swait.ge [sflag:s13], $0x2800  }
.Ltmp3:
0x1ab: {  	[sflag:s13] =	ssyncset.done $0x0;
	(pc) =	sbr.rel @p0 .LBB2_4-.Ltmp3, $4  }
0x1ac: {  	s21 =	sadd.s32 $0xA0, s21;
	[sflag:s13] =	ssyncadd.s32 $0xFFFFD800  }
0x1ad: {  	[tilespmem:s15], [sflag:$0x1] =	stream.indirect.gather [hbm4b:s4+s14], $0x80, s21, s14, $0xb8;
	[tilespmem:$0x1EA28] =	vst v63  }
0x1ae: {  	s20 =	sadd.s32 $0x2710, s20  }
0x1af: {  	[spmem:s2] =	stream.indirect.scatter.add.f32 [tilespmem:s9], [sflag:$0x4], $0x80, s20, s14, $0xb8;
	[tilespmem:$0x1EA28] =	vst v63  }
0x1b0: {  	s18 =	simm.s32 $0x0  }
0x1b1: {  	v1 =	vmov s18  }
0x1b2: {  	v1 =	vand.u32 $0x3E, v1  }
0x1b3: {  	v1 =	vadd.s32 $0x1360, v1;
	_ =	sdelay $0x1  }
0x1b4: {  	_ =	swait.ge [sflag:s11], $0x2800  }
0x1b5: {  	[sflag:s11] =	ssyncset.done $0x0  }
0x1b6: {  	[sflag:s11] =	ssyncadd.s32 $0xFFFFD800  }
0x1b7: {  	s18 =	simm.s32 $0x62A8;
	v1 =	vld.idx.msk [tilespmem:v1+s7+$0x0], $0xffff  }
0x1b8: {  	v2 =	vld [tilespmem:s18+$0xFFFFFF00];
	_ =	sdelay $0x2  }
0x1b9: {  	v3 =	vld [tilespmem:s18+$0xFFFFFF10]  }
0x1ba: {  	v4 =	vld [tilespmem:s18+$0xFFFFFF20];
	v6 =	vshll.u32 v1, $0x10  }
0x1bb: {  	v5 =	vld [tilespmem:s18+$0xFFFFFF30];
	v2 =	vmul.f32 v6, v2  }
0x1bc: {  	s19 =	simm.s32 $0x1;
	v7 =	vld [tilespmem:s18+$0xFFFFFF40]  }
0x1bd: {  	v8 =	vld [tilespmem:s18+$0xFFFFFF50];
	[tilespmem:s18+$0xFFFFFF00] =	vst v2;
	v2 =	vmov s19  }
0x1be: {  	v9 =	vld [tilespmem:s18+$0xFFFFFF60];
	v2 =	vand.u32 $0x3F, v2  }
0x1bf: {  	v10 =	vld [tilespmem:s18+$0xFFFFFF70];
	v3 =	vmul.f32 v6, v3;
	v2 =	vadd.s32 $0x1360, v2  }
0x1c0: {  	v11 =	vld [tilespmem:s18+$0xF0];
	v4 =	vmul.f32 v6, v4  }
0x1c1: {  	v5 =	vmul.f32 v6, v5;
	[tilespmem:s18+$0xFFFFFF10] =	vst v3;
	v3 =	vld [tilespmem:s18+$0xFFFFFF80]  }
0x1c2: {  	v7 =	vmul.f32 v6, v7;
	[tilespmem:s18+$0xFFFFFF20] =	vst v4;
	v4 =	vld [tilespmem:s18+$0xFFFFFF90]  }
0x1c3: {  	v9 =	vmul.f32 v6, v9;
	[tilespmem:s18+$0xFFFFFF30] =	vst v5;
	v5 =	vld [tilespmem:s18+$0xFFFFFFA0]  }
0x1c4: {  	v8 =	vmul.f32 v6, v8;
	[tilespmem:s18+$0xFFFFFF40] =	vst v7;
	v2 =	vld.idx.msk [tilespmem:v2+s7+$0x0], $0xffff  }
0x1c5: {  	v7 =	vld [tilespmem:s18+$0xFFFFFFB0];
	[tilespmem:s18+$0xFFFFFF60] =	vst v9;
	v9 =	vand.u32 $0xFFFF0000, v1  }
0x1c6: {  	[tilespmem:s18+$0xFFFFFF50] =	vst v8;
	v8 =	vld [tilespmem:s18+$0xFFFFFFC0];
	v3 =	vmul.f32 v9, v3  }
0x1c7: {  	v6 =	vmul.f32 v6, v10;
	v10 =	vld [tilespmem:s18+$0xFFFFFFD0]  }
0x1c8: {  	[tilespmem:s18+$0xFFFFFF80] =	vst v3;
	v3 =	vmul.f32 v9, v4  }
0x1c9: {  	[tilespmem:s18+$0xFFFFFF70] =	vst v6;
	v4 =	vmul.f32 v9, v5;
	v5 =	vld [tilespmem:s18+$0x0];
	v1 =	vand.u32 $0xFFFF0000, v2  }
0x1ca: {  	[tilespmem:s18+$0xFFFFFF90] =	vst v3;
	v3 =	vmul.f32 v9, v7;
	v6 =	vmul.f32 v1, v11;
	v11 =	vld [tilespmem:s18+$0xFFFFFFE0]  }
0x1cb: {  	v12 =	vld [tilespmem:s18+$0xFFFFFFF0];
	[tilespmem:s18+$0xFFFFFFA0] =	vst v4;
	v4 =	vmul.f32 v9, v8  }
0x1cc: {  	v13 =	vld [tilespmem:s18+$0x10];
	[tilespmem:s18+$0xFFFFFFB0] =	vst v3;
	v3 =	vmul.f32 v9, v10  }
0x1cd: {  	v14 =	vld [tilespmem:s18+$0x20];
	[tilespmem:s18+$0xFFFFFFC0] =	vst v4;
	v2 =	vshll.u32 v2, $0x10  }
0x1ce: {  	v7 =	vld [tilespmem:s18+$0x30];
	[tilespmem:s18+$0xFFFFFFD0] =	vst v3;
	v5 =	vmul.f32 v2, v5  }
0x1cf: {  	[tilespmem:s18+$0xF0] =	vst v6;
	v6 =	vld [tilespmem:s18+$0x40];
	v8 =	vmul.f32 v9, v11  }
0x1d0: {  	v4 =	vld [tilespmem:s18+$0x50];
	[tilespmem:s18+$0x0] =	vst v5;
	v9 =	vmul.f32 v9, v12  }
0x1d1: {  	s20 =	simm.s32 $0x2;
	v3 =	vld [tilespmem:s18+$0x60];
	[tilespmem:s18+$0xFFFFFFE0] =	vst v8;
	v8 =	vmul.f32 v2, v13  }
0x1d2: {  	s22 =	simm.s32 $0x3;
	s21 =	simm.s32 $0x4;
	s19 =	simm.s32 $0x62A8;
	v5 =	vld [tilespmem:s18+$0x70];
	[tilespmem:s18+$0xFFFFFFF0] =	vst v9;
	v9 =	vmul.f32 v2, v14  }
.LBB2_10:
0x1d3: {  	p0 =	slt.u32 s21, $0x26;
	v10 =	vmov s22;
	[tilespmem:s18+$0x10] =	vst v8;
	v7 =	vmul.f32 v2, v7;
	v8 =	vld [tilespmem:s18+$0x80]  }
0x1d4: {  	v11 =	vmov s20;
	s20 =	smov.u32 s21;
	v10 =	vand.u32 $0x3F, v10;
	[tilespmem:s18+$0x20] =	vst v9;
	v6 =	vmul.f32 v2, v6;
	v9 =	vld [tilespmem:s18+$0x90]  }
0x1d5: {  	v11 =	vand.u32 $0x3E, v11;
	v10 =	vadd.s32 $0x1360, v10;
	[tilespmem:s18+$0x30] =	vst v7;
	v4 =	vmul.f32 v2, v4;
	v7 =	vld [tilespmem:s18+$0xA0]  }
0x1d6: {  	v11 =	vadd.s32 $0x1360, v11;
	[tilespmem:s18+$0x40] =	vst v6;
	v3 =	vmul.f32 v2, v3;
	v6 =	vld [tilespmem:s18+$0xB0]  }
0x1d7: {  	[tilespmem:s18+$0x50] =	vst v4;
	v2 =	vmul.f32 v2, v5;
	v4 =	vld [tilespmem:s18+$0xC0]  }
0x1d8: {  	[tilespmem:s18+$0x60] =	vst v3;
	v3 =	vmul.f32 v1, v8;
	v5 =	vld [tilespmem:s18+$0xD0]  }
0x1d9: {  	[tilespmem:s18+$0x70] =	vst v2;
	v2 =	vmul.f32 v1, v9;
	v8 =	vld [tilespmem:s18+$0xE0]  }
0x1da: {  	v9 =	vld.idx.msk [tilespmem:v10+s7+$0x0], $0xffff;
	[tilespmem:s18+$0x80] =	vst v3;
	v3 =	vmul.f32 v1, v7  }
0x1db: {  	s18 =	sadd.s32 $0x200, s18;
	v7 =	vld.idx.msk [tilespmem:v11+s7+$0x0], $0xffff;
	[tilespmem:s19+$0x90] =	vst v2;
	v2 =	vmul.f32 v1, v6  }
0x1dc: {  	v6 =	vld [tilespmem:s18+$0xF0];
	[tilespmem:s19+$0xA0] =	vst v3;
	v3 =	vmul.f32 v1, v4  }
0x1dd: {  	v4 =	vld [tilespmem:s18+$0xFFFFFF00];
	[tilespmem:s19+$0xB0] =	vst v2;
	v2 =	vmul.f32 v1, v5  }
0x1de: {  	v5 =	vld [tilespmem:s18+$0xFFFFFF10];
	[tilespmem:s19+$0xC0] =	vst v3;
	v3 =	vmul.f32 v1, v8  }
0x1df: {  	v8 =	vld [tilespmem:s18+$0xFFFFFF20];
	[tilespmem:s19+$0xD0] =	vst v2  }
0x1e0: {  	v2 =	vshll.u32 v9, $0x10;
	v1 =	vand.u32 $0xFFFF0000, v9;
	v10 =	vld [tilespmem:s18+$0xFFFFFF30];
	[tilespmem:s19+$0xE0] =	vst v3;
	s19 =	smov.u32 s18  }
0x1e1: {  	v3 =	vshll.u32 v7, $0x10;
	v9 =	vld [tilespmem:s18+$0xFFFFFF40];
	v6 =	vmul.f32 v1, v6  }
0x1e2: {  	v4 =	vmul.f32 v3, v4;
	v11 =	vld [tilespmem:s18+$0xFFFFFF50]  }
0x1e3: {  	v5 =	vmul.f32 v3, v5;
	v12 =	vld [tilespmem:s18+$0xFFFFFF60];
	[tilespmem:s18+$0xF0] =	vst v6  }
0x1e4: {  	[tilespmem:s18+$0xFFFFFF00] =	vst v4;
	v4 =	vmul.f32 v3, v8;
	v6 =	vld [tilespmem:s18+$0xFFFFFF70]  }
0x1e5: {  	[tilespmem:s18+$0xFFFFFF10] =	vst v5;
	v5 =	vmul.f32 v3, v10;
	v8 =	vld [tilespmem:s18+$0xFFFFFF80]  }
0x1e6: {  	[tilespmem:s18+$0xFFFFFF20] =	vst v4;
	v4 =	vmul.f32 v3, v9;
	v9 =	vld [tilespmem:s18+$0xFFFFFF90]  }
0x1e7: {  	[tilespmem:s18+$0xFFFFFF30] =	vst v5;
	v5 =	vmul.f32 v3, v11;
	v10 =	vld [tilespmem:s18+$0xFFFFFFA0]  }
0x1e8: {  	[tilespmem:s18+$0xFFFFFF40] =	vst v4;
	v4 =	vmul.f32 v3, v12;
	v11 =	vld [tilespmem:s18+$0xFFFFFFB0]  }
0x1e9: {  	v12 =	vand.u32 $0xFFFF0000, v7;
	[tilespmem:s18+$0xFFFFFF50] =	vst v5;
	v3 =	vmul.f32 v3, v6;
	v5 =	vld [tilespmem:s18+$0xFFFFFFC0]  }
0x1ea: {  	[tilespmem:s18+$0xFFFFFF60] =	vst v4;
	v4 =	vmul.f32 v12, v8;
	v6 =	vld [tilespmem:s18+$0xFFFFFFD0]  }
0x1eb: {  	[tilespmem:s18+$0xFFFFFF70] =	vst v3;
	v3 =	vmul.f32 v12, v9;
	v7 =	vld [tilespmem:s18+$0xFFFFFFE0]  }
0x1ec: {  	[tilespmem:s18+$0xFFFFFF80] =	vst v4;
	v4 =	vmul.f32 v12, v10;
	v8 =	vld [tilespmem:s18+$0xFFFFFFF0]  }
0x1ed: {  	[tilespmem:s18+$0xFFFFFF90] =	vst v3;
	v3 =	vmul.f32 v12, v11;
	v9 =	vld [tilespmem:s18+$0x0]  }
0x1ee: {  	[tilespmem:s18+$0xFFFFFFA0] =	vst v4;
	v4 =	vmul.f32 v12, v5;
	v5 =	vld [tilespmem:s18+$0x10]  }
0x1ef: {  	[tilespmem:s18+$0xFFFFFFB0] =	vst v3;
	v3 =	vmul.f32 v12, v6;
	v10 =	vld [tilespmem:s18+$0x20]  }
.Ltmp4:
0x1f0: {  	[tilespmem:s18+$0xFFFFFFC0] =	vst v4;
	v4 =	vmul.f32 v12, v7;
	v7 =	vld [tilespmem:s18+$0x30];
	(pc) =	sbr.rel @p0 .LBB2_10-.Ltmp4, $4  }
0x1f1: {  	[tilespmem:s18+$0xFFFFFFD0] =	vst v3;
	v3 =	vmul.f32 v12, v8;
	v6 =	vld [tilespmem:s18+$0x40]  }
0x1f2: {  	[tilespmem:s18+$0xFFFFFFE0] =	vst v4;
	v9 =	vmul.f32 v2, v9;
	v4 =	vld [tilespmem:s18+$0x50]  }
0x1f3: {  	[tilespmem:s18+$0xFFFFFFF0] =	vst v3;
	v8 =	vmul.f32 v2, v5;
	v3 =	vld [tilespmem:s18+$0x60]  }
0x1f4: {  	s21 =	sadd.s32 $0x2, s21;
	s22 =	sadd.s32 $0x1, s20;
	[tilespmem:s18+$0x0] =	vst v9;
	v9 =	vmul.f32 v2, v10;
	v5 =	vld [tilespmem:s18+$0x70]  }
0x1f5: {  	_ = 	snop  }
0x1f6: {  	v26 =	vld [tilespmem:s18+$0x80];
	v6 =	vmul.f32 v2, v6  }
0x1f7: {  	v27 =	vld [tilespmem:s18+$0x90];
	v29 =	vmov s22  }
0x1f8: {  	v28 =	vld [tilespmem:s18+$0xA0];
	v11 =	vmov s20;
	v4 =	vmul.f32 v2, v4;
	[tilespmem:s18+$0x40] =	vst v6;
	v6 =	vand.u32 $0x3F, v29  }
0x1f9: {  	[tilespmem:s18+$0x10] =	vst v8;
	v10 =	vld [tilespmem:s18+$0xB0];
	v30 =	vand.u32 $0x3E, v11;
	v6 =	vadd.s32 $0x1360, v6  }
0x1fa: {  	v31 =	vld [tilespmem:s18+$0xC0];
	s22 =	sadd.s32 $0x200, s18;
	v3 =	vmul.f32 v2, v3;
	[tilespmem:s18+$0x50] =	vst v4;
	v4 =	vadd.s32 $0x1360, v30  }
0x1fb: {  	v7 =	vmul.f32 v2, v7;
	[tilespmem:s18+$0x20] =	vst v9;
	v35 =	vld [tilespmem:s22+$0xF0];
	v2 =	vmul.f32 v2, v5  }
0x1fc: {  	[tilespmem:s18+$0x60] =	vst v3;
	v3 =	vld [tilespmem:s18+$0xD0]  }
0x1fd: {  	v32 =	vmul.f32 v1, v26;
	[tilespmem:s18+$0x70] =	vst v2;
	v2 =	vld [tilespmem:s18+$0xE0]  }
0x1fe: {  	[tilespmem:s18+$0x30] =	vst v7;
	v33 =	vmul.f32 v1, v27;
	v6 =	vld.idx.msk [tilespmem:v6+s7+$0x0], $0xffff  }
0x1ff: {  	v34 =	vmul.f32 v1, v28;
	[tilespmem:s18+$0x80] =	vst v32;
	v4 =	vld.idx.msk [tilespmem:v4+s7+$0x0], $0xffff  }
0x200: {  	v37 =	vld [tilespmem:s22+$0xFFFFFF00];
	v36 =	vmul.f32 v1, v10;
	[tilespmem:s19+$0x90] =	vst v33  }
0x201: {  	v39 =	vld [tilespmem:s22+$0xFFFFFF10];
	v38 =	vmul.f32 v1, v31;
	[tilespmem:s19+$0xA0] =	vst v34  }
0x202: {  	v40 =	vld [tilespmem:s22+$0xFFFFFF20];
	[tilespmem:s19+$0xB0] =	vst v36;
	v3 =	vmul.f32 v1, v3  }
0x203: {  	[tilespmem:s19+$0xC0] =	vst v38;
	v1 =	vmul.f32 v1, v2;
	v2 =	vld [tilespmem:s22+$0xFFFFFF30];
	v41 =	vand.u32 $0xFFFF0000, v6  }
0x204: {  	v42 =	vld [tilespmem:s22+$0xFFFFFF40];
	[tilespmem:s19+$0xD0] =	vst v3;
	v3 =	vshll.u32 v4, $0x10;
	v7 =	vmul.f32 v41, v35  }
0x205: {  	v43 =	vld [tilespmem:s22+$0xFFFFFF50];
	[tilespmem:s19+$0xE0] =	vst v1;
	v1 =	vmul.f32 v3, v37  }
0x206: {  	v12 =	vld [tilespmem:s22+$0xFFFFFF60];
	v10 =	vmul.f32 v3, v39;
	[tilespmem:s22+$0xF0] =	vst v7  }
0x207: {  	v44 =	vld [tilespmem:s22+$0xFFFFFF70];
	[tilespmem:s22+$0xFFFFFF00] =	vst v1;
	v1 =	vmul.f32 v3, v40  }
0x208: {  	v45 =	vld [tilespmem:s22+$0xFFFFFF80];
	v2 =	vmul.f32 v3, v2;
	[tilespmem:s22+$0xFFFFFF10] =	vst v10  }
0x209: {  	v46 =	vld [tilespmem:s22+$0xFFFFFF90];
	[tilespmem:s22+$0xFFFFFF20] =	vst v1;
	v1 =	vmul.f32 v3, v42  }
0x20a: {  	v47 =	vld [tilespmem:s22+$0xFFFFFFA0];
	[tilespmem:s22+$0xFFFFFF30] =	vst v2;
	v2 =	vmul.f32 v3, v43  }
0x20b: {  	v48 =	vld [tilespmem:s22+$0xFFFFFFB0];
	[tilespmem:s22+$0xFFFFFF40] =	vst v1;
	v1 =	vmul.f32 v3, v12  }
0x20c: {  	v4 =	vand.u32 $0xFFFF0000, v4;
	[tilespmem:s22+$0xFFFFFF50] =	vst v2;
	v2 =	vmul.f32 v3, v44;
	v3 =	vld [tilespmem:s22+$0xFFFFFFC0]  }
0x20d: {  	v49 =	vld [tilespmem:s22+$0xFFFFFFD0];
	[tilespmem:s22+$0xFFFFFF60] =	vst v1;
	v1 =	vmul.f32 v4, v45  }
0x20e: {  	v50 =	vld [tilespmem:s22+$0xFFFFFFE0];
	[tilespmem:s22+$0xFFFFFF70] =	vst v2;
	v2 =	vmul.f32 v4, v46  }
0x20f: {  	v51 =	vld [tilespmem:s22+$0xFFFFFFF0];
	[tilespmem:s22+$0xFFFFFF80] =	vst v1;
	v1 =	vmul.f32 v4, v47  }
0x210: {  	v52 =	vld [tilespmem:s22+$0x0];
	[tilespmem:s22+$0xFFFFFF90] =	vst v2;
	v2 =	vmul.f32 v4, v48  }
0x211: {  	[tilespmem:s22+$0xFFFFFFA0] =	vst v1;
	v1 =	vmul.f32 v4, v3;
	v3 =	vld [tilespmem:s22+$0x10]  }
0x212: {  	v53 =	vld [tilespmem:s22+$0x20];
	[tilespmem:s22+$0xFFFFFFB0] =	vst v2;
	v2 =	vmul.f32 v4, v49  }
0x213: {  	v54 =	vld [tilespmem:s22+$0x30];
	[tilespmem:s22+$0xFFFFFFC0] =	vst v1;
	v1 =	vmul.f32 v4, v50  }
0x214: {  	v55 =	vld [tilespmem:s22+$0x40];
	v6 =	vshll.u32 v6, $0x10;
	[tilespmem:s22+$0xFFFFFFD0] =	vst v2;
	v2 =	vmul.f32 v4, v51  }
0x215: {  	v56 =	vld [tilespmem:s22+$0x50];
	[tilespmem:s22+$0xFFFFFFE0] =	vst v1;
	v1 =	vmul.f32 v6, v52  }
0x216: {  	[tilespmem:s22+$0xFFFFFFF0] =	vst v2;
	v2 =	vmul.f32 v6, v3;
	v3 =	vld [tilespmem:s22+$0x60]  }
0x217: {  	v57 =	vld [tilespmem:s22+$0x70];
	[tilespmem:s22+$0x0] =	vst v1;
	v1 =	vmul.f32 v6, v53  }
0x218: {  	v58 =	vld [tilespmem:s22+$0x80];
	[tilespmem:s22+$0x10] =	vst v2;
	v2 =	vmul.f32 v6, v54  }
0x219: {  	v59 =	vld [tilespmem:s22+$0x90];
	[tilespmem:s22+$0x20] =	vst v1;
	v1 =	vmul.f32 v6, v55  }
0x21a: {  	v60 =	vld [tilespmem:s22+$0xA0];
	[tilespmem:s22+$0x30] =	vst v2;
	v2 =	vmul.f32 v6, v56  }
0x21b: {  	[tilespmem:s22+$0x40] =	vst v1;
	v1 =	vmul.f32 v6, v3;
	v3 =	vld [tilespmem:s22+$0xB0]  }
0x21c: {  	v61 =	vld [tilespmem:s22+$0xC0];
	[tilespmem:s22+$0x50] =	vst v2;
	v2 =	vmul.f32 v6, v57  }
0x21d: {  	v62 =	vld [tilespmem:s22+$0xD0];
	[tilespmem:s22+$0x60] =	vst v1;
	v1 =	vmul.f32 v41, v58  }
0x21e: {  	v63 =	vld [tilespmem:s22+$0xE0];
	[tilespmem:s22+$0x70] =	vst v2;
	v2 =	vmul.f32 v41, v59  }
0x21f: {  	[tilespmem:s22+$0x80] =	vst v1;
	v1 =	vmul.f32 v41, v60  }
0x220: {  	[tilespmem:s22+$0x90] =	vst v2;
	v2 =	vmul.f32 v41, v3  }
0x221: {  	[tilespmem:s22+$0xA0] =	vst v1;
	v1 =	vmul.f32 v41, v61  }
0x222: {  	[tilespmem:s22+$0xB0] =	vst v2;
	v2 =	vmul.f32 v41, v62  }
0x223: {  	[tilespmem:s22+$0xC0] =	vst v1;
	v1 =	vmul.f32 v41, v63  }
0x224: {  	[tilespmem:s22+$0xD0] =	vst v2  }
0x225: {  	s23 =	simm.s32 $0x4DD0;
	[tilespmem:s22+$0xE0] =	vst v1  }
0x226: {  	[spmem:s2] =	stream.indirect.scatter.add.f32 [tilespmem:s15], [sflag:$0x3], $0x80, s23, s14, $0xb8;
	[tilespmem:$0x1EA28] =	vst v63  }
0x227: {  	_ =	swait.ge [sflag:s13], $0x2800  }
0x228: {  	[sflag:s13] =	ssyncset.done $0x0  }
0x229: {  	[sflag:s13] =	ssyncadd.s32 $0xFFFFD800  }
0x22a: {  	s24 =	stileid.u32;
	_ =	swait.ge [sflag:s10], $0x2800  }
0x22b: {  	s25 =	sshrl.u32 s8, $0x3;
	s17 =	sadd.s32 $0x1, s17;
	[sflag:s10] =	ssyncset.done $0x0  }
0x22c: {  	p0 =	sne.s32 s17, s6;
	s18 =	sshll.u32 s24, $0x6;
	[sflag:s10] =	ssyncadd.s32 $0xFFFFD800  }
.Ltmp5:
0x22d: {  	s18 =	sor.u32 $0x1C05, s18;
	[bflag:$0x0] =	sbarrier.arrive $0xFFFF;
	(pc) =	sbr.rel @p0 .LBB2_1-.Ltmp5, $4  }
0x22e: {  	[hbm:s5], [sflag:s18] =	dma.local [spmem:s25], $0x2710  }
0x22f: {  	_ =	swait.ge [sflag:s16], $0x2710  }
0x230: {  	[sflag:s16] =	ssyncset.done $0x0  }
0x231: {  	[sflag:s16] =	ssyncadd.s32 $0xFFFFD8F0  }
0x232: {  	_ =	sfence.sel $0x180000  }
0x233: {  	[bflag:$0x0] =	sbarrier.arrive $0xFFFF  }
0x234: {  	_ =	strace $0x90000047  }
0x235: {  	s0 =	stileid.u32;
	[bflag:$0x2] =	sbarrier.arrive $0xFFFF  }
0x236: {  	p0 =	sne.s32 s0, $0x0;
	s0 =	rddreg [dreg:$0x3]  }
0x237: {  	s0 =	sadd.s32 @!p0 $0x100000, s0  }
0x238: {  	[sflag:s0] =	ssyncadd.tile.s32 @!p0 $0x1;
	_ =	shalt  }
.Lfunc_end2:
_tile_overlayer_lowered:
.L_overlay_start_2:
0x239: {  	(tag) =	ssettag $0x2  }
0x23a: {  	s0 =	rddreg [dreg:$0x0];
	s2 =	stileid.u32  }
0x23b: {  	s1 =	rddreg [dreg:$0x1];
	p0 =	sne.s32 s2, $0x0  }
0x23c: {  	s3 =	rddreg [dreg:$0x2];
	[bflag:$0x3] =	sbarrier.arrive $0xFFFF;
	s2 =	simm.s32 @!p0 $0x1C05  }
0x23d: {  	[timem:s3], [sflag:s2] =	dma.local @!p0 [hbm:s0], s1  }
0x23e: {  	s0 =	simm.s32 @!p0 $0x5  }
0x23f: {  	_ =	swait.ge @!p0 [sflag:s0], s1  }
0x240: {  	s1 =	ssub.s32 @!p0 $0x0, s1;
	[sflag:s0] =	ssyncset.done @!p0 $0x0  }
0x241: {  	[sflag:s0] =	ssyncadd.s32 @!p0 s1  }
0x242: {  	[bflag:$0x3] =	sbarrier.arrive $0xFFFF  }
0x243: {  	_ =	shalt  }

</sc_bundles>
